<compile_context>
chip_gen: v7x
topology: tpu7x:2x2x1
jax: 0.10.2.dev20260603
libtpu: 0.0.44.dev20260713+nightly
codegen_flags: <defaults>
</compile_context>

<pallas_src>
import functools

import jax
import jax.numpy as jnp
from jax import lax
from jax.experimental import pallas as pl
from jax.experimental.pallas import tpu as pltpu
from jax.experimental.pallas import tpu_sc as plsc

NC = 2
NS = 16
NW = NC * NS
CH = 128
D = 128
G = 64

_mesh = plsc.VectorSubcoreMesh(core_axis_name="c", subcore_axis_name="s")


def _make_sc_degree(NP, F):
    R = NP // NS

    @functools.partial(
        pl.kernel,
        out_type=jax.ShapeDtypeStruct((NC, NP), jnp.float32),
        mesh=_mesh,
        scratch_types=[
            pltpu.VMEM((F, 2, CH), jnp.int32),
            pltpu.VMEM((CH,), jnp.float32),
            pltpu.VMEM_SHARED((NP,), jnp.float32),
        ],
    )
    def deg_kernel(ei3, ones_hbm, out, ebig, onesv, acc):
        c = lax.axis_index("c")
        s = lax.axis_index("s")
        w = c * NS + s
        pltpu.sync_copy(ones_hbm.at[pl.ds(s * R, R)], acc.at[pl.ds(s * R, R)])
        pltpu.sync_copy(ones_hbm.at[pl.ds(0, CH)], onesv)
        pltpu.sync_copy(ei3.at[pl.ds(w * F, F)], ebig)
        plsc.subcore_barrier()

        @pl.loop(0, F)
        def _(j):
            pltpu.sync_copy(onesv, acc.at[ebig.at[j, 1]], add=True)

        plsc.subcore_barrier()
        pltpu.sync_copy(acc.at[pl.ds(s * R, R)], out.at[c, pl.ds(s * R, R)])

    return deg_kernel


def _make_sc_prop(NP, F):
    R = NP // NS
    PH = F // 2

    @functools.partial(
        pl.kernel,
        out_type=jax.ShapeDtypeStruct((NC, NP, D), jnp.float32),
        mesh=_mesh,
        scratch_types=[
            pltpu.VMEM((PH, 2, CH), jnp.int32),
            pltpu.VMEM((CH, D), jnp.float32),
            pltpu.VMEM((CH, D), jnp.float32),
            pltpu.VMEM_SHARED((NP, D), jnp.float32),
            pltpu.SemaphoreType.DMA,
            pltpu.SemaphoreType.DMA,
        ],
    )
    def prop_kernel(hs, ei3, out, ebig, r0, r1, acc, m0, m1):
        c = lax.axis_index("c")
        s = lax.axis_index("s")
        w = c * NS + s
        pltpu.sync_copy(hs.at[pl.ds(s * R, R)], acc.at[pl.ds(s * R, R)])
        plsc.subcore_barrier()

        for p in range(2):
            row0 = w * F + p * PH
            pltpu.sync_copy(ei3.at[pl.ds(row0, PH)], ebig)
            pltpu.async_copy(hs.at[ebig.at[0, 0]], r0, m0)

            @pl.loop(0, PH, step=2)
            def _(j):
                @pl.when(j + 1 < PH)
                def _():
                    pltpu.async_copy(hs.at[ebig.at[j + 1, 0]], r1, m1)

                pltpu.make_async_copy(hs.at[ebig.at[j, 0]], r0, m0).wait()
                pltpu.sync_copy(r0, acc.at[ebig.at[j, 1]], add=True)

                @pl.when(j + 2 < PH)
                def _():
                    pltpu.async_copy(hs.at[ebig.at[j + 2, 0]], r0, m0)

                pltpu.make_async_copy(hs.at[ebig.at[j + 1, 0]], r1, m1).wait()
                pltpu.sync_copy(r1, acc.at[ebig.at[j + 1, 1]], add=True)

        plsc.subcore_barrier()
        pltpu.sync_copy(acc.at[pl.ds(s * R, R)], out.at[c, pl.ds(s * R, R)])

    return prop_kernel


def _tc_first(degp, x_p, W1, NP, BM):
    nblk = NP // BM

    def body(deg_ref, x_ref, w_ref, out_ref):
        dg = deg_ref[...]
        dinv = lax.rsqrt(dg[0] + dg[1] - 1.0)
        h = jnp.dot(x_ref[...], w_ref[...], preferred_element_type=jnp.float32)
        out_ref[...] = dinv[:, None] * h

    return pl.pallas_call(
        body,
        grid=(nblk,),
        in_specs=[
            pl.BlockSpec((NC, BM), lambda i: (0, i)),
            pl.BlockSpec((BM, D), lambda i: (i, 0)),
            pl.BlockSpec((D, D), lambda i: (0, 0)),
        ],
        out_specs=pl.BlockSpec((BM, D), lambda i: (i, 0)),
        out_shape=jax.ShapeDtypeStruct((NP, D), jnp.float32),
    )(degp, x_p, W1)


def _tc_mid(a, hs_prev, degp, b_prev, W, relu, NP, BM):
    nblk = NP // BM

    def body(a_ref, hs_ref, deg_ref, b_ref, w_ref, out_ref):
        dg = deg_ref[...]
        dinv = lax.rsqrt(dg[0] + dg[1] - 1.0)
        av = a_ref[...]
        t = dinv[:, None] * (av[0] + av[1] - hs_ref[...]) + b_ref[...]
        if relu:
            t = jnp.maximum(t, 0.0)
        out_ref[...] = dinv[:, None] * jnp.dot(
            t, w_ref[...], preferred_element_type=jnp.float32)

    return pl.pallas_call(
        body,
        grid=(nblk,),
        in_specs=[
            pl.BlockSpec((NC, BM, D), lambda i: (0, i, 0)),
            pl.BlockSpec((BM, D), lambda i: (i, 0)),
            pl.BlockSpec((NC, BM), lambda i: (0, i)),
            pl.BlockSpec((1, D), lambda i: (0, 0)),
            pl.BlockSpec((D, D), lambda i: (0, 0)),
        ],
        out_specs=pl.BlockSpec((BM, D), lambda i: (i, 0)),
        out_shape=jax.ShapeDtypeStruct((NP, D), jnp.float32),
    )(a, hs_prev, degp, b_prev, W)


def _tc_pool(a, hs_prev, degp, b_prev, batch_row, NP, BM):
    nblk = NP // BM

    def body(a_ref, hs_ref, deg_ref, b_ref, bat_ref, out_ref, acc_s, acc_c):
        i = pl.program_id(0)
        dg = deg_ref[...]
        dinv = lax.rsqrt(dg[0] + dg[1] - 1.0)
        av = a_ref[...]
        x3 = dinv[:, None] * (av[0] + av[1] - hs_ref[...]) + b_ref[...]
        gid = lax.broadcasted_iota(jnp.int32, (G, 1), 0)
        pt = (bat_ref[...] == gid).astype(jnp.float32)
        part = jnp.dot(pt, x3, preferred_element_type=jnp.float32)
        cnt = jnp.broadcast_to(jnp.sum(pt, axis=1, keepdims=True), (G, D))

        @pl.when(i == 0)
        def _():
            acc_s[...] = part
            acc_c[...] = cnt

        @pl.when(i > 0)
        def _():
            acc_s[...] += part
            acc_c[...] += cnt

        @pl.when(i == nblk - 1)
        def _():
            out_ref[...] = acc_s[...] / jnp.maximum(acc_c[...], 1.0)

    return pl.pallas_call(
        body,
        grid=(nblk,),
        in_specs=[
            pl.BlockSpec((NC, BM, D), lambda i: (0, i, 0)),
            pl.BlockSpec((BM, D), lambda i: (i, 0)),
            pl.BlockSpec((NC, BM), lambda i: (0, i)),
            pl.BlockSpec((1, D), lambda i: (0, 0)),
            pl.BlockSpec((1, BM), lambda i: (0, i)),
        ],
        out_specs=pl.BlockSpec((G, D), lambda i: (0, 0)),
        out_shape=jax.ShapeDtypeStruct((G, D), jnp.float32),
        scratch_shapes=[
            pltpu.VMEM((G, D), jnp.float32),
            pltpu.VMEM((G, D), jnp.float32),
        ],
    )(a, hs_prev, degp, b_prev, batch_row)


def kernel(x, edge_index, batch, W1, b1, W2, b2, W3, b3):
    N = x.shape[0]
    E = edge_index.shape[1]
    NP = (N // 2048 + 1) * 2048
    BM = 1024 if NP % 1024 == 0 else NP // NS
    NCH0 = -(-E // CH)
    F = 4 * (-(-NCH0 // (NW * 4)))
    NCH = NW * F

    x_p = jnp.pad(x, ((0, NP - N), (0, 0)))
    ei_c = jnp.pad(edge_index, ((0, 0), (0, NCH0 * CH - E)),
                   constant_values=N)
    ei3 = jnp.transpose(ei_c.reshape(2, NCH0, CH), (1, 0, 2))
    pad_idx = (N + jnp.arange((NCH - NCH0) * CH, dtype=jnp.int32)
               % (NP - N)).reshape(NCH - NCH0, 1, CH)
    ei3p = jnp.concatenate(
        [ei3, jnp.broadcast_to(pad_idx, (NCH - NCH0, 2, CH))], axis=0)
    ones_h = jnp.ones((NP,), jnp.float32)
    batch_row = jnp.pad(batch, (0, NP - N), constant_values=G).reshape(1, NP)
    b1r, b2r, b3r = b1.reshape(1, D), b2.reshape(1, D), b3.reshape(1, D)

    degp = _make_sc_degree(NP, F)(ei3p, ones_h)
    prop = _make_sc_prop(NP, F)

    hs1 = _tc_first(degp, x_p, W1, NP, BM)
    a1 = prop(hs1, ei3p)
    hs2 = _tc_mid(a1, hs1, degp, b1r, W2, True, NP, BM)
    a2 = prop(hs2, ei3p)
    hs3 = _tc_mid(a2, hs2, degp, b2r, W3, False, NP, BM)
    a3 = prop(hs3, ei3p)
    return _tc_pool(a3, hs3, degp, b3r, batch_row, NP, BM)

# --- scband reference (transcript-rebuilt; emitter-appended) ---
"""Pipeline reference for scband-gcn-37383395344580 (READ-ONLY COPY).

The authoritative reference and input builder live on the scoring server;
editing this copy changes nothing except your own understanding.
"""

import jax, jax.numpy as jnp
import numpy as np

N = 10000
E = 320000
D = 128
H1 = 128
H2 = 128
DO = 128
G = 64


def setup_inputs(seed: int = 0) -> dict:
    key = jax.random.key(seed)
    ks = jax.random.split(key, 10)
    x = jax.random.normal(ks[0], (N, D), dtype=jnp.float32)
    edge_index = jax.random.randint(ks[1], (2, E), 0, N, dtype=jnp.int32)
    batch = jnp.sort(jax.random.randint(ks[2], (N,), 0, G, dtype=jnp.int32))
    W1 = jax.random.normal(ks[3], (D, H1), dtype=jnp.float32) * 0.05
    b1 = jnp.zeros((H1,), dtype=jnp.float32)
    W2 = jax.random.normal(ks[4], (H1, H2), dtype=jnp.float32) * 0.05
    b2 = jnp.zeros((H2,), dtype=jnp.float32)
    W3 = jax.random.normal(ks[5], (H2, DO), dtype=jnp.float32) * 0.05
    b3 = jnp.zeros((DO,), dtype=jnp.float32)
    return {"x": x, "edge_index": edge_index, "batch": batch,
            "W1": W1, "b1": b1, "W2": W2, "b2": b2, "W3": W3, "b3": b3}


def _gcn_conv(x, src, dst, W, b, num_nodes):
    # x' = D^{-1/2} (A + I) D^{-1/2} x W + b   (self-loops already in src/dst)
    h = x @ W
    ones = jnp.ones(src.shape, dtype=h.dtype)
    deg = jax.ops.segment_sum(ones, dst, num_segments=num_nodes)
    dinv = jnp.where(deg > 0, 1.0 / jnp.sqrt(deg), 0.0)
    norm = dinv[src] * dinv[dst]
    msg = h[src] * norm[:, None]
    out = jax.ops.segment_sum(msg, dst, num_segments=num_nodes)
    return out + b


def reference(x, edge_index, batch, W1, b1, W2, b2, W3, b3):
    loop = jnp.arange(N, dtype=edge_index.dtype)
    src = jnp.concatenate([edge_index[0], loop])
    dst = jnp.concatenate([edge_index[1], loop])
    h = _gcn_conv(x, src, dst, W1, b1, N)
    h = jax.nn.relu(h)
    # dropout p=0.5 is identity in eval mode (training=False)
    h = _gcn_conv(h, src, dst, W2, b2, N)
    h = _gcn_conv(h, src, dst, W3, b3, N)
    # global_mean_pool over batch assignment
    cnt = jax.ops.segment_sum(jnp.ones((N,), h.dtype), batch, num_segments=G)
    summed = jax.ops.segment_sum(h, batch, num_segments=G)
    return summed / jnp.maximum(cnt, 1.0)[:, None]

if __name__ == "__main__":
    import jax
    _d = setup_inputs()
    print(jax.jit(kernel)(*tuple(_d.values())))

</pallas_src>

<mosaic_0001>
#map = affine_map<(d0, d1) -> (0, 0)>
#map1 = affine_map<(d0, d1) -> (0, 0, 0)>
module attributes {stable_mosaic.version = 14 : i64} {
  func.func @prop_kernel(%arg0: i32, %arg1: i32, %arg2: memref<10240x128xf32, #tpu.memory_space<hbm>>, %arg3: memref<2560x2x128xi32, #tpu.memory_space<hbm>>, %arg4: memref<2x10240x128xf32, #tpu.memory_space<hbm>>, %arg5: memref<40x2x128xi32, #tpu.memory_space<vmem>>, %arg6: memref<128x128xf32, #tpu.memory_space<vmem>>, %arg7: memref<128x128xf32, #tpu.memory_space<vmem>>, %arg8: memref<10240x128xf32, #tpu.memory_space<vmem_shared>>, %arg9: memref<!tpu.dma_semaphore, #tpu.memory_space<semaphore_mem>>, %arg10: memref<!tpu.dma_semaphore, #tpu.memory_space<semaphore_mem>>) attributes {dimension_semantics = [#tpu.dimension_semantics<core_parallel>, #tpu.dimension_semantics<subcore_parallel>], iteration_bounds = array<i64: 2, 16>, scalar_prefetch = 0 : i64, scratch_operands = 6 : i64, tpu.core_type = #tpu.core_type<sc_vector_subcore>, window_params = [{transform_indices = #map}, {transform_indices = #map1}, {transform_indices = #map1}]} {
    %mul3A = arith.constant 16 : i32
    %mul3A_0 = arith.muli %arg0, %mul3A : i32
    %add3A = arith.addi %mul3A_0, %arg1 : i32
    %mul3A_1 = arith.constant 640 : i32
    %mul3A_2 = arith.muli %arg1, %mul3A_1 : i32
    %mul3A_3 = arith.constant 640 : i32
    %mul3A_4 = arith.muli %arg1, %mul3A_3 : i32
    "tpu.region"() ({
      %run_scoped3A = tpu.sem_alloc : memref<!tpu.dma_semaphore, #tpu.memory_space<semaphore_mem>>
      %dma_start3A_42 = arith.constant 0 : i32
      %dma_start3A_43 = tpu.memref_slice %arg8[%mul3A_4, %dma_start3A_42] : memref<10240x128xf32, #tpu.memory_space<vmem_shared>> -> memref<640x128xf32, #tpu.memory_space<vmem_shared>>
      %dma_start3A_44 = arith.constant 0 : i32
      %dma_start3A_45 = tpu.memref_slice %arg2[%mul3A_2, %dma_start3A_44] : memref<10240x128xf32, #tpu.memory_space<hbm>> -> memref<640x128xf32, #tpu.memory_space<hbm>>
      tpu.enqueue_dma source(%dma_start3A_45 : memref<640x128xf32, #tpu.memory_space<hbm>>) target(%dma_start3A_43 : memref<640x128xf32, #tpu.memory_space<vmem_shared>>) target_semaphore(%run_scoped3A : memref<!tpu.dma_semaphore, #tpu.memory_space<semaphore_mem>>)
      %dma_wait3A = arith.constant 0 : i32
      %dma_wait3A_46 = tpu.memref_slice %arg8[%mul3A_4, %dma_wait3A] : memref<10240x128xf32, #tpu.memory_space<vmem_shared>> -> memref<640x128xf32, #tpu.memory_space<vmem_shared>>
      %dma_wait3A_47 = arith.constant 0 : i32
      %dma_wait3A_48 = tpu.memref_slice %arg2[%mul3A_2, %dma_wait3A_47] : memref<10240x128xf32, #tpu.memory_space<hbm>> -> memref<640x128xf32, #tpu.memory_space<hbm>>
      tpu.wait_dma2 semaphore(%run_scoped3A : memref<!tpu.dma_semaphore, #tpu.memory_space<semaphore_mem>>) src(%dma_wait3A_48 : memref<640x128xf32, #tpu.memory_space<hbm>>) dst(%dma_wait3A_46 : memref<640x128xf32, #tpu.memory_space<vmem_shared>>)
      tpu.yield
    }) : () -> ()
    %barrier3A = arith.constant 0 : index
    tpu.barrier barrier_id(%barrier3A)
    %mul3A_5 = arith.constant 80 : i32
    %mul3A_6 = arith.muli %add3A, %mul3A_5 : i32
    %add3A_7 = arith.constant 0 : i32
    %add3A_8 = arith.addi %mul3A_6, %add3A_7 : i32
    "tpu.region"() ({
      %run_scoped3A = tpu.sem_alloc : memref<!tpu.dma_semaphore, #tpu.memory_space<semaphore_mem>>
      %dma_start3A_42 = arith.constant 0 : i32
      %dma_start3A_43 = arith.constant 0 : i32
      %dma_start3A_44 = tpu.memref_slice %arg3[%add3A_8, %dma_start3A_42, %dma_start3A_43] : memref<2560x2x128xi32, #tpu.memory_space<hbm>> -> memref<40x2x128xi32, #tpu.memory_space<hbm>>
      %dma_start3A_45 = arith.constant 0 : i32
      %dma_start3A_46 = arith.constant 0 : i32
      %dma_start3A_47 = tpu.memref_slice %arg3[%add3A_8, %dma_start3A_45, %dma_start3A_46] : memref<2560x2x128xi32, #tpu.memory_space<hbm>> -> memref<40x2x128xi32, #tpu.memory_space<hbm>>
      tpu.enqueue_dma source(%dma_start3A_47 : memref<40x2x128xi32, #tpu.memory_space<hbm>>) target(%arg5 : memref<40x2x128xi32, #tpu.memory_space<vmem>>) target_semaphore(%run_scoped3A : memref<!tpu.dma_semaphore, #tpu.memory_space<semaphore_mem>>)
      %dma_wait3A = arith.constant 0 : i32
      %dma_wait3A_48 = arith.constant 0 : i32
      %dma_wait3A_49 = tpu.memref_slice %arg3[%add3A_8, %dma_wait3A, %dma_wait3A_48] : memref<2560x2x128xi32, #tpu.memory_space<hbm>> -> memref<40x2x128xi32, #tpu.memory_space<hbm>>
      %dma_wait3A_50 = arith.constant 0 : i32
      %dma_wait3A_51 = arith.constant 0 : i32
      %dma_wait3A_52 = tpu.memref_slice %arg3[%add3A_8, %dma_wait3A_50, %dma_wait3A_51] : memref<2560x2x128xi32, #tpu.memory_space<hbm>> -> memref<40x2x128xi32, #tpu.memory_space<hbm>>
      tpu.wait_dma2 semaphore(%run_scoped3A : memref<!tpu.dma_semaphore, #tpu.memory_space<semaphore_mem>>) src(%dma_wait3A_52 : memref<40x2x128xi32, #tpu.memory_space<hbm>>) dst(%arg5 : memref<40x2x128xi32, #tpu.memory_space<vmem>>)
      tpu.yield
    }) : () -> ()
    %dma_start3A = arith.constant 0 : i32
    %dma_start3A_9 = arith.constant 0 : i32
    %dma_start3A_10 = arith.constant 0 : i32
    %dma_start3A_11 = tpu.memref_slice %arg5[%dma_start3A, %dma_start3A_9, %dma_start3A_10] : memref<40x2x128xi32, #tpu.memory_space<vmem>> -> memref<1x1x128xi32, #tpu.memory_space<vmem>>
    %dma_start3A_12 = tpu.memref_squeeze %dma_start3A_11 : memref<1x1x128xi32, #tpu.memory_space<vmem>> -> memref<128xi32, #tpu.memory_space<vmem>>
    %dma_start3A_13 = arith.constant 0 : i32
    %dma_start3A_14 = arith.constant 0 : i32
    %dma_start3A_15 = tpu.memref_slice %arg2[%dma_start3A_13, %dma_start3A_14] : memref<10240x128xf32, #tpu.memory_space<hbm>> -> memref<10240x128xf32, #tpu.memory_space<hbm>>
    tpu.enqueue_indirect_dma source(%dma_start3A_15 : memref<10240x128xf32, #tpu.memory_space<hbm>>) target(%arg6 : memref<128x128xf32, #tpu.memory_space<vmem>>) offsets(%dma_start3A_12 : memref<128xi32, #tpu.memory_space<vmem>>) semaphore(%arg9 : memref<!tpu.dma_semaphore, #tpu.memory_space<semaphore_mem>>)
    %scan3A = arith.constant 0 : i32
    %scan3A_16 = arith.constant 20 : i32
    %scan3A_17 = arith.addi %scan3A, %scan3A_16 : i32
    %scan3A_18 = arith.constant 1 : i32
    scf.for %scan3A_42 = %scan3A to %scan3A_17 step %scan3A_18  : i32 {
      %mul3A_43 = arith.constant 2 : i32
      %mul3A_44 = arith.muli %scan3A_42, %mul3A_43 : i32
      %add3A_45 = arith.constant 0 : i32
      %add3A_46 = arith.addi %add3A_45, %mul3A_44 : i32
      %add3A_47 = arith.constant 1 : i32
      %add3A_48 = arith.addi %add3A_46, %add3A_47 : i32
      %lt3A = arith.constant 40 : i32
      %lt3A_49 = arith.cmpi slt, %add3A_48, %lt3A : i32
      %convert_element_type3A = arith.extui %lt3A_49 : i1 to i32
      %cond3A = arith.constant 0 : i32
      %cond3A_50 = arith.cmpi ne, %convert_element_type3A, %cond3A : i32
      scf.if %cond3A_50 {
        %add3A_76 = arith.constant 1 : i32
        %add3A_77 = arith.addi %add3A_46, %add3A_76 : i32
        %dma_start3A_78 = arith.constant 0 : i32
        %dma_start3A_79 = arith.constant 0 : i32
        %dma_start3A_80 = tpu.memref_slice %arg5[%add3A_77, %dma_start3A_78, %dma_start3A_79] : memref<40x2x128xi32, #tpu.memory_space<vmem>> -> memref<1x1x128xi32, #tpu.memory_space<vmem>>
        %dma_start3A_81 = tpu.memref_squeeze %dma_start3A_80 : memref<1x1x128xi32, #tpu.memory_space<vmem>> -> memref<128xi32, #tpu.memory_space<vmem>>
        %dma_start3A_82 = arith.constant 0 : i32
        %dma_start3A_83 = arith.constant 0 : i32
        %dma_start3A_84 = tpu.memref_slice %arg2[%dma_start3A_82, %dma_start3A_83] : memref<10240x128xf32, #tpu.memory_space<hbm>> -> memref<10240x128xf32, #tpu.memory_space<hbm>>
        tpu.enqueue_indirect_dma source(%dma_start3A_84 : memref<10240x128xf32, #tpu.memory_space<hbm>>) target(%arg7 : memref<128x128xf32, #tpu.memory_space<vmem>>) offsets(%dma_start3A_81 : memref<128xi32, #tpu.memory_space<vmem>>) semaphore(%arg10 : memref<!tpu.dma_semaphore, #tpu.memory_space<semaphore_mem>>)
      } else {
      }
      %dma_wait3A = arith.constant 0 : i32
      %dma_wait3A_51 = arith.constant 0 : i32
      %dma_wait3A_52 = tpu.memref_slice %arg5[%add3A_46, %dma_wait3A, %dma_wait3A_51] : memref<40x2x128xi32, #tpu.memory_space<vmem>> -> memref<1x1x128xi32, #tpu.memory_space<vmem>>
      %dma_wait3A_53 = tpu.memref_squeeze %dma_wait3A_52 : memref<1x1x128xi32, #tpu.memory_space<vmem>> -> memref<128xi32, #tpu.memory_space<vmem>>
      %dma_wait3A_54 = arith.constant 0 : i32
      %dma_wait3A_55 = arith.constant 0 : i32
      %dma_wait3A_56 = tpu.memref_slice %arg2[%dma_wait3A_54, %dma_wait3A_55] : memref<10240x128xf32, #tpu.memory_space<hbm>> -> memref<10240x128xf32, #tpu.memory_space<hbm>>
      tpu.wait_indirect_dma semaphore(%arg9 : memref<!tpu.dma_semaphore, #tpu.memory_space<semaphore_mem>>) src(%dma_wait3A_56 : memref<10240x128xf32, #tpu.memory_space<hbm>>) dst(%arg6 : memref<128x128xf32, #tpu.memory_space<vmem>>)
      %run_scoped3A = arith.constant 1 : i32
      "tpu.region"() ({
        %run_scoped3A_76 = tpu.sem_alloc : memref<!tpu.dma_semaphore, #tpu.memory_space<semaphore_mem>>
        %dma_start3A_77 = arith.constant 0 : i32
        %dma_start3A_78 = tpu.memref_slice %arg5[%add3A_46, %run_scoped3A, %dma_start3A_77] : memref<40x2x128xi32, #tpu.memory_space<vmem>> -> memref<1x1x128xi32, #tpu.memory_space<vmem>>
        %dma_start3A_79 = tpu.memref_squeeze %dma_start3A_78 : memref<1x1x128xi32, #tpu.memory_space<vmem>> -> memref<128xi32, #tpu.memory_space<vmem>>
        %dma_start3A_80 = arith.constant 0 : i32
        %dma_start3A_81 = arith.constant 0 : i32
        %dma_start3A_82 = tpu.memref_slice %arg8[%dma_start3A_80, %dma_start3A_81] : memref<10240x128xf32, #tpu.memory_space<vmem_shared>> -> memref<10240x128xf32, #tpu.memory_space<vmem_shared>>
        tpu.enqueue_indirect_dma source(%arg6 : memref<128x128xf32, #tpu.memory_space<vmem>>) target(%dma_start3A_82 : memref<10240x128xf32, #tpu.memory_space<vmem_shared>>) offsets(%dma_start3A_79 : memref<128xi32, #tpu.memory_space<vmem>>) semaphore(%run_scoped3A_76 : memref<!tpu.dma_semaphore, #tpu.memory_space<semaphore_mem>>) {add = true}
        %dma_wait3A_83 = arith.constant 0 : i32
        %dma_wait3A_84 = tpu.memref_slice %arg5[%add3A_46, %run_scoped3A, %dma_wait3A_83] : memref<40x2x128xi32, #tpu.memory_space<vmem>> -> memref<1x1x128xi32, #tpu.memory_space<vmem>>
        %dma_wait3A_85 = tpu.memref_squeeze %dma_wait3A_84 : memref<1x1x128xi32, #tpu.memory_space<vmem>> -> memref<128xi32, #tpu.memory_space<vmem>>
        %dma_wait3A_86 = arith.constant 0 : i32
        %dma_wait3A_87 = arith.constant 0 : i32
        %dma_wait3A_88 = tpu.memref_slice %arg8[%dma_wait3A_86, %dma_wait3A_87] : memref<10240x128xf32, #tpu.memory_space<vmem_shared>> -> memref<10240x128xf32, #tpu.memory_space<vmem_shared>>
        tpu.wait_indirect_dma semaphore(%run_scoped3A_76 : memref<!tpu.dma_semaphore, #tpu.memory_space<semaphore_mem>>) src(%arg6 : memref<128x128xf32, #tpu.memory_space<vmem>>) dst(%dma_wait3A_88 : memref<10240x128xf32, #tpu.memory_space<vmem_shared>>)
        tpu.yield
      }) : () -> ()
      %add3A_57 = arith.constant 2 : i32
      %add3A_58 = arith.addi %add3A_46, %add3A_57 : i32
      %lt3A_59 = arith.constant 40 : i32
      %lt3A_60 = arith.cmpi slt, %add3A_58, %lt3A_59 : i32
      %convert_element_type3A_61 = arith.extui %lt3A_60 : i1 to i32
      %cond3A_62 = arith.constant 0 : i32
      %cond3A_63 = arith.cmpi ne, %convert_element_type3A_61, %cond3A_62 : i32
      scf.if %cond3A_63 {
        %add3A_76 = arith.constant 2 : i32
        %add3A_77 = arith.addi %add3A_46, %add3A_76 : i32
        %dma_start3A_78 = arith.constant 0 : i32
        %dma_start3A_79 = arith.constant 0 : i32
        %dma_start3A_80 = tpu.memref_slice %arg5[%add3A_77, %dma_start3A_78, %dma_start3A_79] : memref<40x2x128xi32, #tpu.memory_space<vmem>> -> memref<1x1x128xi32, #tpu.memory_space<vmem>>
        %dma_start3A_81 = tpu.memref_squeeze %dma_start3A_80 : memref<1x1x128xi32, #tpu.memory_space<vmem>> -> memref<128xi32, #tpu.memory_space<vmem>>
        %dma_start3A_82 = arith.constant 0 : i32
        %dma_start3A_83 = arith.constant 0 : i32
        %dma_start3A_84 = tpu.memref_slice %arg2[%dma_start3A_82, %dma_start3A_83] : memref<10240x128xf32, #tpu.memory_space<hbm>> -> memref<10240x128xf32, #tpu.memory_space<hbm>>
        tpu.enqueue_indirect_dma source(%dma_start3A_84 : memref<10240x128xf32, #tpu.memory_space<hbm>>) target(%arg6 : memref<128x128xf32, #tpu.memory_space<vmem>>) offsets(%dma_start3A_81 : memref<128xi32, #tpu.memory_space<vmem>>) semaphore(%arg9 : memref<!tpu.dma_semaphore, #tpu.memory_space<semaphore_mem>>)
      } else {
      }
      %add3A_64 = arith.constant 1 : i32
      %add3A_65 = arith.addi %add3A_46, %add3A_64 : i32
      %dma_wait3A_66 = arith.constant 0 : i32
      %dma_wait3A_67 = arith.constant 0 : i32
      %dma_wait3A_68 = tpu.memref_slice %arg5[%add3A_65, %dma_wait3A_66, %dma_wait3A_67] : memref<40x2x128xi32, #tpu.memory_space<vmem>> -> memref<1x1x128xi32, #tpu.memory_space<vmem>>
      %dma_wait3A_69 = tpu.memref_squeeze %dma_wait3A_68 : memref<1x1x128xi32, #tpu.memory_space<vmem>> -> memref<128xi32, #tpu.memory_space<vmem>>
      %dma_wait3A_70 = arith.constant 0 : i32
      %dma_wait3A_71 = arith.constant 0 : i32
      %dma_wait3A_72 = tpu.memref_slice %arg2[%dma_wait3A_70, %dma_wait3A_71] : memref<10240x128xf32, #tpu.memory_space<hbm>> -> memref<10240x128xf32, #tpu.memory_space<hbm>>
      tpu.wait_indirect_dma semaphore(%arg10 : memref<!tpu.dma_semaphore, #tpu.memory_space<semaphore_mem>>) src(%dma_wait3A_72 : memref<10240x128xf32, #tpu.memory_space<hbm>>) dst(%arg7 : memref<128x128xf32, #tpu.memory_space<vmem>>)
      %add3A_73 = arith.constant 1 : i32
      %add3A_74 = arith.addi %add3A_46, %add3A_73 : i32
      %run_scoped3A_75 = arith.constant 1 : i32
      "tpu.region"() ({
        %run_scoped3A_76 = tpu.sem_alloc : memref<!tpu.dma_semaphore, #tpu.memory_space<semaphore_mem>>
        %dma_start3A_77 = arith.constant 0 : i32
        %dma_start3A_78 = tpu.memref_slice %arg5[%add3A_74, %run_scoped3A_75, %dma_start3A_77] : memref<40x2x128xi32, #tpu.memory_space<vmem>> -> memref<1x1x128xi32, #tpu.memory_space<vmem>>
        %dma_start3A_79 = tpu.memref_squeeze %dma_start3A_78 : memref<1x1x128xi32, #tpu.memory_space<vmem>> -> memref<128xi32, #tpu.memory_space<vmem>>
        %dma_start3A_80 = arith.constant 0 : i32
        %dma_start3A_81 = arith.constant 0 : i32
        %dma_start3A_82 = tpu.memref_slice %arg8[%dma_start3A_80, %dma_start3A_81] : memref<10240x128xf32, #tpu.memory_space<vmem_shared>> -> memref<10240x128xf32, #tpu.memory_space<vmem_shared>>
        tpu.enqueue_indirect_dma source(%arg7 : memref<128x128xf32, #tpu.memory_space<vmem>>) target(%dma_start3A_82 : memref<10240x128xf32, #tpu.memory_space<vmem_shared>>) offsets(%dma_start3A_79 : memref<128xi32, #tpu.memory_space<vmem>>) semaphore(%run_scoped3A_76 : memref<!tpu.dma_semaphore, #tpu.memory_space<semaphore_mem>>) {add = true}
        %dma_wait3A_83 = arith.constant 0 : i32
        %dma_wait3A_84 = tpu.memref_slice %arg5[%add3A_74, %run_scoped3A_75, %dma_wait3A_83] : memref<40x2x128xi32, #tpu.memory_space<vmem>> -> memref<1x1x128xi32, #tpu.memory_space<vmem>>
        %dma_wait3A_85 = tpu.memref_squeeze %dma_wait3A_84 : memref<1x1x128xi32, #tpu.memory_space<vmem>> -> memref<128xi32, #tpu.memory_space<vmem>>
        %dma_wait3A_86 = arith.constant 0 : i32
        %dma_wait3A_87 = arith.constant 0 : i32
        %dma_wait3A_88 = tpu.memref_slice %arg8[%dma_wait3A_86, %dma_wait3A_87] : memref<10240x128xf32, #tpu.memory_space<vmem_shared>> -> memref<10240x128xf32, #tpu.memory_space<vmem_shared>>
        tpu.wait_indirect_dma semaphore(%run_scoped3A_76 : memref<!tpu.dma_semaphore, #tpu.memory_space<semaphore_mem>>) src(%arg7 : memref<128x128xf32, #tpu.memory_space<vmem>>) dst(%dma_wait3A_88 : memref<10240x128xf32, #tpu.memory_space<vmem_shared>>)
        tpu.yield
      }) : () -> ()
    }
    %scan3A_19 = arith.constant 20 : i32
    %mul3A_20 = arith.constant 80 : i32
    %mul3A_21 = arith.muli %add3A, %mul3A_20 : i32
    %add3A_22 = arith.constant 40 : i32
    %add3A_23 = arith.addi %mul3A_21, %add3A_22 : i32
    "tpu.region"() ({
      %run_scoped3A = tpu.sem_alloc : memref<!tpu.dma_semaphore, #tpu.memory_space<semaphore_mem>>
      %dma_start3A_42 = arith.constant 0 : i32
      %dma_start3A_43 = arith.constant 0 : i32
      %dma_start3A_44 = tpu.memref_slice %arg3[%add3A_23, %dma_start3A_42, %dma_start3A_43] : memref<2560x2x128xi32, #tpu.memory_space<hbm>> -> memref<40x2x128xi32, #tpu.memory_space<hbm>>
      %dma_start3A_45 = arith.constant 0 : i32
      %dma_start3A_46 = arith.constant 0 : i32
      %dma_start3A_47 = tpu.memref_slice %arg3[%add3A_23, %dma_start3A_45, %dma_start3A_46] : memref<2560x2x128xi32, #tpu.memory_space<hbm>> -> memref<40x2x128xi32, #tpu.memory_space<hbm>>
      tpu.enqueue_dma source(%dma_start3A_47 : memref<40x2x128xi32, #tpu.memory_space<hbm>>) target(%arg5 : memref<40x2x128xi32, #tpu.memory_space<vmem>>) target_semaphore(%run_scoped3A : memref<!tpu.dma_semaphore, #tpu.memory_space<semaphore_mem>>)
      %dma_wait3A = arith.constant 0 : i32
      %dma_wait3A_48 = arith.constant 0 : i32
      %dma_wait3A_49 = tpu.memref_slice %arg3[%add3A_23, %dma_wait3A, %dma_wait3A_48] : memref<2560x2x128xi32, #tpu.memory_space<hbm>> -> memref<40x2x128xi32, #tpu.memory_space<hbm>>
      %dma_wait3A_50 = arith.constant 0 : i32
      %dma_wait3A_51 = arith.constant 0 : i32
      %dma_wait3A_52 = tpu.memref_slice %arg3[%add3A_23, %dma_wait3A_50, %dma_wait3A_51] : memref<2560x2x128xi32, #tpu.memory_space<hbm>> -> memref<40x2x128xi32, #tpu.memory_space<hbm>>
      tpu.wait_dma2 semaphore(%run_scoped3A : memref<!tpu.dma_semaphore, #tpu.memory_space<semaphore_mem>>) src(%dma_wait3A_52 : memref<40x2x128xi32, #tpu.memory_space<hbm>>) dst(%arg5 : memref<40x2x128xi32, #tpu.memory_space<vmem>>)
      tpu.yield
    }) : () -> ()
    %dma_start3A_24 = arith.constant 0 : i32
    %dma_start3A_25 = arith.constant 0 : i32
    %dma_start3A_26 = arith.constant 0 : i32
    %dma_start3A_27 = tpu.memref_slice %arg5[%dma_start3A_24, %dma_start3A_25, %dma_start3A_26] : memref<40x2x128xi32, #tpu.memory_space<vmem>> -> memref<1x1x128xi32, #tpu.memory_space<vmem>>
    %dma_start3A_28 = tpu.memref_squeeze %dma_start3A_27 : memref<1x1x128xi32, #tpu.memory_space<vmem>> -> memref<128xi32, #tpu.memory_space<vmem>>
    %dma_start3A_29 = arith.constant 0 : i32
    %dma_start3A_30 = arith.constant 0 : i32
    %dma_start3A_31 = tpu.memref_slice %arg2[%dma_start3A_29, %dma_start3A_30] : memref<10240x128xf32, #tpu.memory_space<hbm>> -> memref<10240x128xf32, #tpu.memory_space<hbm>>
    tpu.enqueue_indirect_dma source(%dma_start3A_31 : memref<10240x128xf32, #tpu.memory_space<hbm>>) target(%arg6 : memref<128x128xf32, #tpu.memory_space<vmem>>) offsets(%dma_start3A_28 : memref<128xi32, #tpu.memory_space<vmem>>) semaphore(%arg9 : memref<!tpu.dma_semaphore, #tpu.memory_space<semaphore_mem>>)
    %scan3A_32 = arith.constant 0 : i32
    %scan3A_33 = arith.constant 20 : i32
    %scan3A_34 = arith.addi %scan3A_32, %scan3A_33 : i32
    %scan3A_35 = arith.constant 1 : i32
    scf.for %scan3A_42 = %scan3A_32 to %scan3A_34 step %scan3A_35  : i32 {
      %mul3A_43 = arith.constant 2 : i32
      %mul3A_44 = arith.muli %scan3A_42, %mul3A_43 : i32
      %add3A_45 = arith.constant 0 : i32
      %add3A_46 = arith.addi %add3A_45, %mul3A_44 : i32
      %add3A_47 = arith.constant 1 : i32
      %add3A_48 = arith.addi %add3A_46, %add3A_47 : i32
      %lt3A = arith.constant 40 : i32
      %lt3A_49 = arith.cmpi slt, %add3A_48, %lt3A : i32
      %convert_element_type3A = arith.extui %lt3A_49 : i1 to i32
      %cond3A = arith.constant 0 : i32
      %cond3A_50 = arith.cmpi ne, %convert_element_type3A, %cond3A : i32
      scf.if %cond3A_50 {
        %add3A_76 = arith.constant 1 : i32
        %add3A_77 = arith.addi %add3A_46, %add3A_76 : i32
        %dma_start3A_78 = arith.constant 0 : i32
        %dma_start3A_79 = arith.constant 0 : i32
        %dma_start3A_80 = tpu.memref_slice %arg5[%add3A_77, %dma_start3A_78, %dma_start3A_79] : memref<40x2x128xi32, #tpu.memory_space<vmem>> -> memref<1x1x128xi32, #tpu.memory_space<vmem>>
        %dma_start3A_81 = tpu.memref_squeeze %dma_start3A_80 : memref<1x1x128xi32, #tpu.memory_space<vmem>> -> memref<128xi32, #tpu.memory_space<vmem>>
        %dma_start3A_82 = arith.constant 0 : i32
        %dma_start3A_83 = arith.constant 0 : i32
        %dma_start3A_84 = tpu.memref_slice %arg2[%dma_start3A_82, %dma_start3A_83] : memref<10240x128xf32, #tpu.memory_space<hbm>> -> memref<10240x128xf32, #tpu.memory_space<hbm>>
        tpu.enqueue_indirect_dma source(%dma_start3A_84 : memref<10240x128xf32, #tpu.memory_space<hbm>>) target(%arg7 : memref<128x128xf32, #tpu.memory_space<vmem>>) offsets(%dma_start3A_81 : memref<128xi32, #tpu.memory_space<vmem>>) semaphore(%arg10 : memref<!tpu.dma_semaphore, #tpu.memory_space<semaphore_mem>>)
      } else {
      }
      %dma_wait3A = arith.constant 0 : i32
      %dma_wait3A_51 = arith.constant 0 : i32
      %dma_wait3A_52 = tpu.memref_slice %arg5[%add3A_46, %dma_wait3A, %dma_wait3A_51] : memref<40x2x128xi32, #tpu.memory_space<vmem>> -> memref<1x1x128xi32, #tpu.memory_space<vmem>>
      %dma_wait3A_53 = tpu.memref_squeeze %dma_wait3A_52 : memref<1x1x128xi32, #tpu.memory_space<vmem>> -> memref<128xi32, #tpu.memory_space<vmem>>
      %dma_wait3A_54 = arith.constant 0 : i32
      %dma_wait3A_55 = arith.constant 0 : i32
      %dma_wait3A_56 = tpu.memref_slice %arg2[%dma_wait3A_54, %dma_wait3A_55] : memref<10240x128xf32, #tpu.memory_space<hbm>> -> memref<10240x128xf32, #tpu.memory_space<hbm>>
      tpu.wait_indirect_dma semaphore(%arg9 : memref<!tpu.dma_semaphore, #tpu.memory_space<semaphore_mem>>) src(%dma_wait3A_56 : memref<10240x128xf32, #tpu.memory_space<hbm>>) dst(%arg6 : memref<128x128xf32, #tpu.memory_space<vmem>>)
      %run_scoped3A = arith.constant 1 : i32
      "tpu.region"() ({
        %run_scoped3A_76 = tpu.sem_alloc : memref<!tpu.dma_semaphore, #tpu.memory_space<semaphore_mem>>
        %dma_start3A_77 = arith.constant 0 : i32
        %dma_start3A_78 = tpu.memref_slice %arg5[%add3A_46, %run_scoped3A, %dma_start3A_77] : memref<40x2x128xi32, #tpu.memory_space<vmem>> -> memref<1x1x128xi32, #tpu.memory_space<vmem>>
        %dma_start3A_79 = tpu.memref_squeeze %dma_start3A_78 : memref<1x1x128xi32, #tpu.memory_space<vmem>> -> memref<128xi32, #tpu.memory_space<vmem>>
        %dma_start3A_80 = arith.constant 0 : i32
        %dma_start3A_81 = arith.constant 0 : i32
        %dma_start3A_82 = tpu.memref_slice %arg8[%dma_start3A_80, %dma_start3A_81] : memref<10240x128xf32, #tpu.memory_space<vmem_shared>> -> memref<10240x128xf32, #tpu.memory_space<vmem_shared>>
        tpu.enqueue_indirect_dma source(%arg6 : memref<128x128xf32, #tpu.memory_space<vmem>>) target(%dma_start3A_82 : memref<10240x128xf32, #tpu.memory_space<vmem_shared>>) offsets(%dma_start3A_79 : memref<128xi32, #tpu.memory_space<vmem>>) semaphore(%run_scoped3A_76 : memref<!tpu.dma_semaphore, #tpu.memory_space<semaphore_mem>>) {add = true}
        %dma_wait3A_83 = arith.constant 0 : i32
        %dma_wait3A_84 = tpu.memref_slice %arg5[%add3A_46, %run_scoped3A, %dma_wait3A_83] : memref<40x2x128xi32, #tpu.memory_space<vmem>> -> memref<1x1x128xi32, #tpu.memory_space<vmem>>
        %dma_wait3A_85 = tpu.memref_squeeze %dma_wait3A_84 : memref<1x1x128xi32, #tpu.memory_space<vmem>> -> memref<128xi32, #tpu.memory_space<vmem>>
        %dma_wait3A_86 = arith.constant 0 : i32
        %dma_wait3A_87 = arith.constant 0 : i32
        %dma_wait3A_88 = tpu.memref_slice %arg8[%dma_wait3A_86, %dma_wait3A_87] : memref<10240x128xf32, #tpu.memory_space<vmem_shared>> -> memref<10240x128xf32, #tpu.memory_space<vmem_shared>>
        tpu.wait_indirect_dma semaphore(%run_scoped3A_76 : memref<!tpu.dma_semaphore, #tpu.memory_space<semaphore_mem>>) src(%arg6 : memref<128x128xf32, #tpu.memory_space<vmem>>) dst(%dma_wait3A_88 : memref<10240x128xf32, #tpu.memory_space<vmem_shared>>)
        tpu.yield
      }) : () -> ()
      %add3A_57 = arith.constant 2 : i32
      %add3A_58 = arith.addi %add3A_46, %add3A_57 : i32
      %lt3A_59 = arith.constant 40 : i32
      %lt3A_60 = arith.cmpi slt, %add3A_58, %lt3A_59 : i32
      %convert_element_type3A_61 = arith.extui %lt3A_60 : i1 to i32
      %cond3A_62 = arith.constant 0 : i32
      %cond3A_63 = arith.cmpi ne, %convert_element_type3A_61, %cond3A_62 : i32
      scf.if %cond3A_63 {
        %add3A_76 = arith.constant 2 : i32
        %add3A_77 = arith.addi %add3A_46, %add3A_76 : i32
        %dma_start3A_78 = arith.constant 0 : i32
        %dma_start3A_79 = arith.constant 0 : i32
        %dma_start3A_80 = tpu.memref_slice %arg5[%add3A_77, %dma_start3A_78, %dma_start3A_79] : memref<40x2x128xi32, #tpu.memory_space<vmem>> -> memref<1x1x128xi32, #tpu.memory_space<vmem>>
        %dma_start3A_81 = tpu.memref_squeeze %dma_start3A_80 : memref<1x1x128xi32, #tpu.memory_space<vmem>> -> memref<128xi32, #tpu.memory_space<vmem>>
        %dma_start3A_82 = arith.constant 0 : i32
        %dma_start3A_83 = arith.constant 0 : i32
        %dma_start3A_84 = tpu.memref_slice %arg2[%dma_start3A_82, %dma_start3A_83] : memref<10240x128xf32, #tpu.memory_space<hbm>> -> memref<10240x128xf32, #tpu.memory_space<hbm>>
        tpu.enqueue_indirect_dma source(%dma_start3A_84 : memref<10240x128xf32, #tpu.memory_space<hbm>>) target(%arg6 : memref<128x128xf32, #tpu.memory_space<vmem>>) offsets(%dma_start3A_81 : memref<128xi32, #tpu.memory_space<vmem>>) semaphore(%arg9 : memref<!tpu.dma_semaphore, #tpu.memory_space<semaphore_mem>>)
      } else {
      }
      %add3A_64 = arith.constant 1 : i32
      %add3A_65 = arith.addi %add3A_46, %add3A_64 : i32
      %dma_wait3A_66 = arith.constant 0 : i32
      %dma_wait3A_67 = arith.constant 0 : i32
      %dma_wait3A_68 = tpu.memref_slice %arg5[%add3A_65, %dma_wait3A_66, %dma_wait3A_67] : memref<40x2x128xi32, #tpu.memory_space<vmem>> -> memref<1x1x128xi32, #tpu.memory_space<vmem>>
      %dma_wait3A_69 = tpu.memref_squeeze %dma_wait3A_68 : memref<1x1x128xi32, #tpu.memory_space<vmem>> -> memref<128xi32, #tpu.memory_space<vmem>>
      %dma_wait3A_70 = arith.constant 0 : i32
      %dma_wait3A_71 = arith.constant 0 : i32
      %dma_wait3A_72 = tpu.memref_slice %arg2[%dma_wait3A_70, %dma_wait3A_71] : memref<10240x128xf32, #tpu.memory_space<hbm>> -> memref<10240x128xf32, #tpu.memory_space<hbm>>
      tpu.wait_indirect_dma semaphore(%arg10 : memref<!tpu.dma_semaphore, #tpu.memory_space<semaphore_mem>>) src(%dma_wait3A_72 : memref<10240x128xf32, #tpu.memory_space<hbm>>) dst(%arg7 : memref<128x128xf32, #tpu.memory_space<vmem>>)
      %add3A_73 = arith.constant 1 : i32
      %add3A_74 = arith.addi %add3A_46, %add3A_73 : i32
      %run_scoped3A_75 = arith.constant 1 : i32
      "tpu.region"() ({
        %run_scoped3A_76 = tpu.sem_alloc : memref<!tpu.dma_semaphore, #tpu.memory_space<semaphore_mem>>
        %dma_start3A_77 = arith.constant 0 : i32
        %dma_start3A_78 = tpu.memref_slice %arg5[%add3A_74, %run_scoped3A_75, %dma_start3A_77] : memref<40x2x128xi32, #tpu.memory_space<vmem>> -> memref<1x1x128xi32, #tpu.memory_space<vmem>>
        %dma_start3A_79 = tpu.memref_squeeze %dma_start3A_78 : memref<1x1x128xi32, #tpu.memory_space<vmem>> -> memref<128xi32, #tpu.memory_space<vmem>>
        %dma_start3A_80 = arith.constant 0 : i32
        %dma_start3A_81 = arith.constant 0 : i32
        %dma_start3A_82 = tpu.memref_slice %arg8[%dma_start3A_80, %dma_start3A_81] : memref<10240x128xf32, #tpu.memory_space<vmem_shared>> -> memref<10240x128xf32, #tpu.memory_space<vmem_shared>>
        tpu.enqueue_indirect_dma source(%arg7 : memref<128x128xf32, #tpu.memory_space<vmem>>) target(%dma_start3A_82 : memref<10240x128xf32, #tpu.memory_space<vmem_shared>>) offsets(%dma_start3A_79 : memref<128xi32, #tpu.memory_space<vmem>>) semaphore(%run_scoped3A_76 : memref<!tpu.dma_semaphore, #tpu.memory_space<semaphore_mem>>) {add = true}
        %dma_wait3A_83 = arith.constant 0 : i32
        %dma_wait3A_84 = tpu.memref_slice %arg5[%add3A_74, %run_scoped3A_75, %dma_wait3A_83] : memref<40x2x128xi32, #tpu.memory_space<vmem>> -> memref<1x1x128xi32, #tpu.memory_space<vmem>>
        %dma_wait3A_85 = tpu.memref_squeeze %dma_wait3A_84 : memref<1x1x128xi32, #tpu.memory_space<vmem>> -> memref<128xi32, #tpu.memory_space<vmem>>
        %dma_wait3A_86 = arith.constant 0 : i32
        %dma_wait3A_87 = arith.constant 0 : i32
        %dma_wait3A_88 = tpu.memref_slice %arg8[%dma_wait3A_86, %dma_wait3A_87] : memref<10240x128xf32, #tpu.memory_space<vmem_shared>> -> memref<10240x128xf32, #tpu.memory_space<vmem_shared>>
        tpu.wait_indirect_dma semaphore(%run_scoped3A_76 : memref<!tpu.dma_semaphore, #tpu.memory_space<semaphore_mem>>) src(%arg7 : memref<128x128xf32, #tpu.memory_space<vmem>>) dst(%dma_wait3A_88 : memref<10240x128xf32, #tpu.memory_space<vmem_shared>>)
        tpu.yield
      }) : () -> ()
    }
    %scan3A_36 = arith.constant 20 : i32
    %barrier3A_37 = arith.constant 0 : index
    tpu.barrier barrier_id(%barrier3A_37)
    %mul3A_38 = arith.constant 640 : i32
    %mul3A_39 = arith.muli %arg1, %mul3A_38 : i32
    %mul3A_40 = arith.constant 640 : i32
    %mul3A_41 = arith.muli %arg1, %mul3A_40 : i32
    "tpu.region"() ({
      %run_scoped3A = tpu.sem_alloc : memref<!tpu.dma_semaphore, #tpu.memory_space<semaphore_mem>>
      %dma_start3A_42 = arith.constant 0 : i32
      %dma_start3A_43 = tpu.memref_slice %arg4[%arg0, %mul3A_41, %dma_start3A_42] : memref<2x10240x128xf32, #tpu.memory_space<hbm>> -> memref<1x640x128xf32, #tpu.memory_space<hbm>>
      %dma_start3A_44 = tpu.memref_squeeze %dma_start3A_43 : memref<1x640x128xf32, #tpu.memory_space<hbm>> -> memref<640x128xf32, #tpu.memory_space<hbm>>
      %dma_start3A_45 = arith.constant 0 : i32
      %dma_start3A_46 = tpu.memref_slice %arg8[%mul3A_39, %dma_start3A_45] : memref<10240x128xf32, #tpu.memory_space<vmem_shared>> -> memref<640x128xf32, #tpu.memory_space<vmem_shared>>
      tpu.enqueue_dma source(%dma_start3A_46 : memref<640x128xf32, #tpu.memory_space<vmem_shared>>) target(%dma_start3A_44 : memref<640x128xf32, #tpu.memory_space<hbm>>) target_semaphore(%run_scoped3A : memref<!tpu.dma_semaphore, #tpu.memory_space<semaphore_mem>>)
      %dma_wait3A = arith.constant 0 : i32
      %dma_wait3A_47 = tpu.memref_slice %arg4[%arg0, %mul3A_41, %dma_wait3A] : memref<2x10240x128xf32, #tpu.memory_space<hbm>> -> memref<1x640x128xf32, #tpu.memory_space<hbm>>
      %dma_wait3A_48 = tpu.memref_squeeze %dma_wait3A_47 : memref<1x640x128xf32, #tpu.memory_space<hbm>> -> memref<640x128xf32, #tpu.memory_space<hbm>>
      %dma_wait3A_49 = arith.constant 0 : i32
      %dma_wait3A_50 = tpu.memref_slice %arg8[%mul3A_39, %dma_wait3A_49] : memref<10240x128xf32, #tpu.memory_space<vmem_shared>> -> memref<640x128xf32, #tpu.memory_space<vmem_shared>>
      tpu.wait_dma2 semaphore(%run_scoped3A : memref<!tpu.dma_semaphore, #tpu.memory_space<semaphore_mem>>) src(%dma_wait3A_50 : memref<640x128xf32, #tpu.memory_space<vmem_shared>>) dst(%dma_wait3A_48 : memref<640x128xf32, #tpu.memory_space<hbm>>)
      tpu.yield
    }) : () -> ()
    return
  }
}

#map = affine_map<(d0, d1) -> (0, 0)>
#map1 = affine_map<(d0, d1) -> (0, 0, 0)>
module attributes {stable_mosaic.version = 14 : i64} {
  func.func @prop_kernel(%arg0: i32, %arg1: i32, %arg2: memref<10240x128xf32, #tpu.memory_space<hbm>>, %arg3: memref<2560x2x128xi32, #tpu.memory_space<hbm>>, %arg4: memref<2x10240x128xf32, #tpu.memory_space<hbm>>, %arg5: memref<40x2x128xi32, #tpu.memory_space<vmem>>, %arg6: memref<128x128xf32, #tpu.memory_space<vmem>>, %arg7: memref<128x128xf32, #tpu.memory_space<vmem>>, %arg8: memref<10240x128xf32, #tpu.memory_space<vmem_shared>>, %arg9: memref<!tpu.dma_semaphore, #tpu.memory_space<semaphore_mem>>, %arg10: memref<!tpu.dma_semaphore, #tpu.memory_space<semaphore_mem>>) attributes {dimension_semantics = [#tpu.dimension_semantics<core_parallel>, #tpu.dimension_semantics<subcore_parallel>], iteration_bounds = array<i64: 2, 16>, scalar_prefetch = 0 : i64, scratch_operands = 6 : i64, tpu.core_type = #tpu.core_type<sc_vector_subcore>, window_params = [{transform_indices = #map}, {transform_indices = #map1}, {transform_indices = #map1}]} {
    %mul3A = arith.constant 16 : i32
    %mul3A_0 = arith.muli %arg0, %mul3A : i32
    %add3A = arith.addi %mul3A_0, %arg1 : i32
    %mul3A_1 = arith.constant 640 : i32
    %mul3A_2 = arith.muli %arg1, %mul3A_1 : i32
    %mul3A_3 = arith.constant 640 : i32
    %mul3A_4 = arith.muli %arg1, %mul3A_3 : i32
    "tpu.region"() ({
      %run_scoped3A = tpu.sem_alloc : memref<!tpu.dma_semaphore, #tpu.memory_space<semaphore_mem>>
      %dma_start3A_42 = arith.constant 0 : i32
      %dma_start3A_43 = tpu.memref_slice %arg8[%mul3A_4, %dma_start3A_42] : memref<10240x128xf32, #tpu.memory_space<vmem_shared>> -> memref<640x128xf32, #tpu.memory_space<vmem_shared>>
      %dma_start3A_44 = arith.constant 0 : i32
      %dma_start3A_45 = tpu.memref_slice %arg2[%mul3A_2, %dma_start3A_44] : memref<10240x128xf32, #tpu.memory_space<hbm>> -> memref<640x128xf32, #tpu.memory_space<hbm>>
      tpu.enqueue_dma source(%dma_start3A_45 : memref<640x128xf32, #tpu.memory_space<hbm>>) target(%dma_start3A_43 : memref<640x128xf32, #tpu.memory_space<vmem_shared>>) target_semaphore(%run_scoped3A : memref<!tpu.dma_semaphore, #tpu.memory_space<semaphore_mem>>)
      %dma_wait3A = arith.constant 0 : i32
      %dma_wait3A_46 = tpu.memref_slice %arg8[%mul3A_4, %dma_wait3A] : memref<10240x128xf32, #tpu.memory_space<vmem_shared>> -> memref<640x128xf32, #tpu.memory_space<vmem_shared>>
      %dma_wait3A_47 = arith.constant 0 : i32
      %dma_wait3A_48 = tpu.memref_slice %arg2[%mul3A_2, %dma_wait3A_47] : memref<10240x128xf32, #tpu.memory_space<hbm>> -> memref<640x128xf32, #tpu.memory_space<hbm>>
      tpu.wait_dma2 semaphore(%run_scoped3A : memref<!tpu.dma_semaphore, #tpu.memory_space<semaphore_mem>>) src(%dma_wait3A_48 : memref<640x128xf32, #tpu.memory_space<hbm>>) dst(%dma_wait3A_46 : memref<640x128xf32, #tpu.memory_space<vmem_shared>>)
      tpu.yield
    }) : () -> ()
    %barrier3A = arith.constant 0 : index
    tpu.barrier barrier_id(%barrier3A)
    %mul3A_5 = arith.constant 80 : i32
    %mul3A_6 = arith.muli %add3A, %mul3A_5 : i32
    %add3A_7 = arith.constant 0 : i32
    %add3A_8 = arith.addi %mul3A_6, %add3A_7 : i32
    "tpu.region"() ({
      %run_scoped3A = tpu.sem_alloc : memref<!tpu.dma_semaphore, #tpu.memory_space<semaphore_mem>>
      %dma_start3A_42 = arith.constant 0 : i32
      %dma_start3A_43 = arith.constant 0 : i32
      %dma_start3A_44 = tpu.memref_slice %arg3[%add3A_8, %dma_start3A_42, %dma_start3A_43] : memref<2560x2x128xi32, #tpu.memory_space<hbm>> -> memref<40x2x128xi32, #tpu.memory_space<hbm>>
      %dma_start3A_45 = arith.constant 0 : i32
      %dma_start3A_46 = arith.constant 0 : i32
      %dma_start3A_47 = tpu.memref_slice %arg3[%add3A_8, %dma_start3A_45, %dma_start3A_46] : memref<2560x2x128xi32, #tpu.memory_space<hbm>> -> memref<40x2x128xi32, #tpu.memory_space<hbm>>
      tpu.enqueue_dma source(%dma_start3A_47 : memref<40x2x128xi32, #tpu.memory_space<hbm>>) target(%arg5 : memref<40x2x128xi32, #tpu.memory_space<vmem>>) target_semaphore(%run_scoped3A : memref<!tpu.dma_semaphore, #tpu.memory_space<semaphore_mem>>)
      %dma_wait3A = arith.constant 0 : i32
      %dma_wait3A_48 = arith.constant 0 : i32
      %dma_wait3A_49 = tpu.memref_slice %arg3[%add3A_8, %dma_wait3A, %dma_wait3A_48] : memref<2560x2x128xi32, #tpu.memory_space<hbm>> -> memref<40x2x128xi32, #tpu.memory_space<hbm>>
      %dma_wait3A_50 = arith.constant 0 : i32
      %dma_wait3A_51 = arith.constant 0 : i32
      %dma_wait3A_52 = tpu.memref_slice %arg3[%add3A_8, %dma_wait3A_50, %dma_wait3A_51] : memref<2560x2x128xi32, #tpu.memory_space<hbm>> -> memref<40x2x128xi32, #tpu.memory_space<hbm>>
      tpu.wait_dma2 semaphore(%run_scoped3A : memref<!tpu.dma_semaphore, #tpu.memory_space<semaphore_mem>>) src(%dma_wait3A_52 : memref<40x2x128xi32, #tpu.memory_space<hbm>>) dst(%arg5 : memref<40x2x128xi32, #tpu.memory_space<vmem>>)
      tpu.yield
    }) : () -> ()
    %dma_start3A = arith.constant 0 : i32
    %dma_start3A_9 = arith.constant 0 : i32
    %dma_start3A_10 = arith.constant 0 : i32
    %dma_start3A_11 = tpu.memref_slice %arg5[%dma_start3A, %dma_start3A_9, %dma_start3A_10] : memref<40x2x128xi32, #tpu.memory_space<vmem>> -> memref<1x1x128xi32, #tpu.memory_space<vmem>>
    %dma_start3A_12 = tpu.memref_squeeze %dma_start3A_11 : memref<1x1x128xi32, #tpu.memory_space<vmem>> -> memref<128xi32, #tpu.memory_space<vmem>>
    %dma_start3A_13 = arith.constant 0 : i32
    %dma_start3A_14 = arith.constant 0 : i32
    %dma_start3A_15 = tpu.memref_slice %arg2[%dma_start3A_13, %dma_start3A_14] : memref<10240x128xf32, #tpu.memory_space<hbm>> -> memref<10240x128xf32, #tpu.memory_space<hbm>>
    tpu.enqueue_indirect_dma source(%dma_start3A_15 : memref<10240x128xf32, #tpu.memory_space<hbm>>) target(%arg6 : memref<128x128xf32, #tpu.memory_space<vmem>>) offsets(%dma_start3A_12 : memref<128xi32, #tpu.memory_space<vmem>>) semaphore(%arg9 : memref<!tpu.dma_semaphore, #tpu.memory_space<semaphore_mem>>)
    %scan3A = arith.constant 0 : i32
    %scan3A_16 = arith.constant 20 : i32
    %scan3A_17 = arith.addi %scan3A, %scan3A_16 : i32
    %scan3A_18 = arith.constant 1 : i32
    scf.for %scan3A_42 = %scan3A to %scan3A_17 step %scan3A_18  : i32 {
      %mul3A_43 = arith.constant 2 : i32
      %mul3A_44 = arith.muli %scan3A_42, %mul3A_43 : i32
      %add3A_45 = arith.constant 0 : i32
      %add3A_46 = arith.addi %add3A_45, %mul3A_44 : i32
      %add3A_47 = arith.constant 1 : i32
      %add3A_48 = arith.addi %add3A_46, %add3A_47 : i32
      %lt3A = arith.constant 40 : i32
      %lt3A_49 = arith.cmpi slt, %add3A_48, %lt3A : i32
      %convert_element_type3A = arith.extui %lt3A_49 : i1 to i32
      %cond3A = arith.constant 0 : i32
      %cond3A_50 = arith.cmpi ne, %convert_element_type3A, %cond3A : i32
      scf.if %cond3A_50 {
        %add3A_76 = arith.constant 1 : i32
        %add3A_77 = arith.addi %add3A_46, %add3A_76 : i32
        %dma_start3A_78 = arith.constant 0 : i32
        %dma_start3A_79 = arith.constant 0 : i32
        %dma_start3A_80 = tpu.memref_slice %arg5[%add3A_77, %dma_start3A_78, %dma_start3A_79] : memref<40x2x128xi32, #tpu.memory_space<vmem>> -> memref<1x1x128xi32, #tpu.memory_space<vmem>>
        %dma_start3A_81 = tpu.memref_squeeze %dma_start3A_80 : memref<1x1x128xi32, #tpu.memory_space<vmem>> -> memref<128xi32, #tpu.memory_space<vmem>>
        %dma_start3A_82 = arith.constant 0 : i32
        %dma_start3A_83 = arith.constant 0 : i32
        %dma_start3A_84 = tpu.memref_slice %arg2[%dma_start3A_82, %dma_start3A_83] : memref<10240x128xf32, #tpu.memory_space<hbm>> -> memref<10240x128xf32, #tpu.memory_space<hbm>>
        tpu.enqueue_indirect_dma source(%dma_start3A_84 : memref<10240x128xf32, #tpu.memory_space<hbm>>) target(%arg7 : memref<128x128xf32, #tpu.memory_space<vmem>>) offsets(%dma_start3A_81 : memref<128xi32, #tpu.memory_space<vmem>>) semaphore(%arg10 : memref<!tpu.dma_semaphore, #tpu.memory_space<semaphore_mem>>)
      } else {
      }
      %dma_wait3A = arith.constant 0 : i32
      %dma_wait3A_51 = arith.constant 0 : i32
      %dma_wait3A_52 = tpu.memref_slice %arg5[%add3A_46, %dma_wait3A, %dma_wait3A_51] : memref<40x2x128xi32, #tpu.memory_space<vmem>> -> memref<1x1x128xi32, #tpu.memory_space<vmem>>
      %dma_wait3A_53 = tpu.memref_squeeze %dma_wait3A_52 : memref<1x1x128xi32, #tpu.memory_space<vmem>> -> memref<128xi32, #tpu.memory_space<vmem>>
      %dma_wait3A_54 = arith.constant 0 : i32
      %dma_wait3A_55 = arith.constant 0 : i32
      %dma_wait3A_56 = tpu.memref_slice %arg2[%dma_wait3A_54, %dma_wait3A_55] : memref<10240x128xf32, #tpu.memory_space<hbm>> -> memref<10240x128xf32, #tpu.memory_space<hbm>>
      tpu.wait_indirect_dma semaphore(%arg9 : memref<!tpu.dma_semaphore, #tpu.memory_space<semaphore_mem>>) src(%dma_wait3A_56 : memref<10240x128xf32, #tpu.memory_space<hbm>>) dst(%arg6 : memref<128x128xf32, #tpu.memory_space<vmem>>)
      %run_scoped3A = arith.constant 1 : i32
      "tpu.region"() ({
        %run_scoped3A_76 = tpu.sem_alloc : memref<!tpu.dma_semaphore, #tpu.memory_space<semaphore_mem>>
        %dma_start3A_77 = arith.constant 0 : i32
        %dma_start3A_78 = tpu.memref_slice %arg5[%add3A_46, %run_scoped3A, %dma_start3A_77] : memref<40x2x128xi32, #tpu.memory_space<vmem>> -> memref<1x1x128xi32, #tpu.memory_space<vmem>>
        %dma_start3A_79 = tpu.memref_squeeze %dma_start3A_78 : memref<1x1x128xi32, #tpu.memory_space<vmem>> -> memref<128xi32, #tpu.memory_space<vmem>>
        %dma_start3A_80 = arith.constant 0 : i32
        %dma_start3A_81 = arith.constant 0 : i32
        %dma_start3A_82 = tpu.memref_slice %arg8[%dma_start3A_80, %dma_start3A_81] : memref<10240x128xf32, #tpu.memory_space<vmem_shared>> -> memref<10240x128xf32, #tpu.memory_space<vmem_shared>>
        tpu.enqueue_indirect_dma source(%arg6 : memref<128x128xf32, #tpu.memory_space<vmem>>) target(%dma_start3A_82 : memref<10240x128xf32, #tpu.memory_space<vmem_shared>>) offsets(%dma_start3A_79 : memref<128xi32, #tpu.memory_space<vmem>>) semaphore(%run_scoped3A_76 : memref<!tpu.dma_semaphore, #tpu.memory_space<semaphore_mem>>) {add = true}
        %dma_wait3A_83 = arith.constant 0 : i32
        %dma_wait3A_84 = tpu.memref_slice %arg5[%add3A_46, %run_scoped3A, %dma_wait3A_83] : memref<40x2x128xi32, #tpu.memory_space<vmem>> -> memref<1x1x128xi32, #tpu.memory_space<vmem>>
        %dma_wait3A_85 = tpu.memref_squeeze %dma_wait3A_84 : memref<1x1x128xi32, #tpu.memory_space<vmem>> -> memref<128xi32, #tpu.memory_space<vmem>>
        %dma_wait3A_86 = arith.constant 0 : i32
        %dma_wait3A_87 = arith.constant 0 : i32
        %dma_wait3A_88 = tpu.memref_slice %arg8[%dma_wait3A_86, %dma_wait3A_87] : memref<10240x128xf32, #tpu.memory_space<vmem_shared>> -> memref<10240x128xf32, #tpu.memory_space<vmem_shared>>
        tpu.wait_indirect_dma semaphore(%run_scoped3A_76 : memref<!tpu.dma_semaphore, #tpu.memory_space<semaphore_mem>>) src(%arg6 : memref<128x128xf32, #tpu.memory_space<vmem>>) dst(%dma_wait3A_88 : memref<10240x128xf32, #tpu.memory_space<vmem_shared>>)
        tpu.yield
      }) : () -> ()
      %add3A_57 = arith.constant 2 : i32
      %add3A_58 = arith.addi %add3A_46, %add3A_57 : i32
      %lt3A_59 = arith.constant 40 : i32
      %lt3A_60 = arith.cmpi slt, %add3A_58, %lt3A_59 : i32
      %convert_element_type3A_61 = arith.extui %lt3A_60 : i1 to i32
      %cond3A_62 = arith.constant 0 : i32
      %cond3A_63 = arith.cmpi ne, %convert_element_type3A_61, %cond3A_62 : i32
      scf.if %cond3A_63 {
        %add3A_76 = arith.constant 2 : i32
        %add3A_77 = arith.addi %add3A_46, %add3A_76 : i32
        %dma_start3A_78 = arith.constant 0 : i32
        %dma_start3A_79 = arith.constant 0 : i32
        %dma_start3A_80 = tpu.memref_slice %arg5[%add3A_77, %dma_start3A_78, %dma_start3A_79] : memref<40x2x128xi32, #tpu.memory_space<vmem>> -> memref<1x1x128xi32, #tpu.memory_space<vmem>>
        %dma_start3A_81 = tpu.memref_squeeze %dma_start3A_80 : memref<1x1x128xi32, #tpu.memory_space<vmem>> -> memref<128xi32, #tpu.memory_space<vmem>>
        %dma_start3A_82 = arith.constant 0 : i32
        %dma_start3A_83 = arith.constant 0 : i32
        %dma_start3A_84 = tpu.memref_slice %arg2[%dma_start3A_82, %dma_start3A_83] : memref<10240x128xf32, #tpu.memory_space<hbm>> -> memref<10240x128xf32, #tpu.memory_space<hbm>>
        tpu.enqueue_indirect_dma source(%dma_start3A_84 : memref<10240x128xf32, #tpu.memory_space<hbm>>) target(%arg6 : memref<128x128xf32, #tpu.memory_space<vmem>>) offsets(%dma_start3A_81 : memref<128xi32, #tpu.memory_space<vmem>>) semaphore(%arg9 : memref<!tpu.dma_semaphore, #tpu.memory_space<semaphore_mem>>)
      } else {
      }
      %add3A_64 = arith.constant 1 : i32
      %add3A_65 = arith.addi %add3A_46, %add3A_64 : i32
      %dma_wait3A_66 = arith.constant 0 : i32
      %dma_wait3A_67 = arith.constant 0 : i32
      %dma_wait3A_68 = tpu.memref_slice %arg5[%add3A_65, %dma_wait3A_66, %dma_wait3A_67] : memref<40x2x128xi32, #tpu.memory_space<vmem>> -> memref<1x1x128xi32, #tpu.memory_space<vmem>>
      %dma_wait3A_69 = tpu.memref_squeeze %dma_wait3A_68 : memref<1x1x128xi32, #tpu.memory_space<vmem>> -> memref<128xi32, #tpu.memory_space<vmem>>
      %dma_wait3A_70 = arith.constant 0 : i32
      %dma_wait3A_71 = arith.constant 0 : i32
      %dma_wait3A_72 = tpu.memref_slice %arg2[%dma_wait3A_70, %dma_wait3A_71] : memref<10240x128xf32, #tpu.memory_space<hbm>> -> memref<10240x128xf32, #tpu.memory_space<hbm>>
      tpu.wait_indirect_dma semaphore(%arg10 : memref<!tpu.dma_semaphore, #tpu.memory_space<semaphore_mem>>) src(%dma_wait3A_72 : memref<10240x128xf32, #tpu.memory_space<hbm>>) dst(%arg7 : memref<128x128xf32, #tpu.memory_space<vmem>>)
      %add3A_73 = arith.constant 1 : i32
      %add3A_74 = arith.addi %add3A_46, %add3A_73 : i32
      %run_scoped3A_75 = arith.constant 1 : i32
      "tpu.region"() ({
        %run_scoped3A_76 = tpu.sem_alloc : memref<!tpu.dma_semaphore, #tpu.memory_space<semaphore_mem>>
        %dma_start3A_77 = arith.constant 0 : i32
        %dma_start3A_78 = tpu.memref_slice %arg5[%add3A_74, %run_scoped3A_75, %dma_start3A_77] : memref<40x2x128xi32, #tpu.memory_space<vmem>> -> memref<1x1x128xi32, #tpu.memory_space<vmem>>
        %dma_start3A_79 = tpu.memref_squeeze %dma_start3A_78 : memref<1x1x128xi32, #tpu.memory_space<vmem>> -> memref<128xi32, #tpu.memory_space<vmem>>
        %dma_start3A_80 = arith.constant 0 : i32
        %dma_start3A_81 = arith.constant 0 : i32
        %dma_start3A_82 = tpu.memref_slice %arg8[%dma_start3A_80, %dma_start3A_81] : memref<10240x128xf32, #tpu.memory_space<vmem_shared>> -> memref<10240x128xf32, #tpu.memory_space<vmem_shared>>
        tpu.enqueue_indirect_dma source(%arg7 : memref<128x128xf32, #tpu.memory_space<vmem>>) target(%dma_start3A_82 : memref<10240x128xf32, #tpu.memory_space<vmem_shared>>) offsets(%dma_start3A_79 : memref<128xi32, #tpu.memory_space<vmem>>) semaphore(%run_scoped3A_76 : memref<!tpu.dma_semaphore, #tpu.memory_space<semaphore_mem>>) {add = true}
        %dma_wait3A_83 = arith.constant 0 : i32
        %dma_wait3A_84 = tpu.memref_slice %arg5[%add3A_74, %run_scoped3A_75, %dma_wait3A_83] : memref<40x2x128xi32, #tpu.memory_space<vmem>> -> memref<1x1x128xi32, #tpu.memory_space<vmem>>
        %dma_wait3A_85 = tpu.memref_squeeze %dma_wait3A_84 : memref<1x1x128xi32, #tpu.memory_space<vmem>> -> memref<128xi32, #tpu.memory_space<vmem>>
        %dma_wait3A_86 = arith.constant 0 : i32
        %dma_wait3A_87 = arith.constant 0 : i32
        %dma_wait3A_88 = tpu.memref_slice %arg8[%dma_wait3A_86, %dma_wait3A_87] : memref<10240x128xf32, #tpu.memory_space<vmem_shared>> -> memref<10240x128xf32, #tpu.memory_space<vmem_shared>>
        tpu.wait_indirect_dma semaphore(%run_scoped3A_76 : memref<!tpu.dma_semaphore, #tpu.memory_space<semaphore_mem>>) src(%arg7 : memref<128x128xf32, #tpu.memory_space<vmem>>) dst(%dma_wait3A_88 : memref<10240x128xf32, #tpu.memory_space<vmem_shared>>)
        tpu.yield
      }) : () -> ()
    }
    %scan3A_19 = arith.constant 20 : i32
    %mul3A_20 = arith.constant 80 : i32
    %mul3A_21 = arith.muli %add3A, %mul3A_20 : i32
    %add3A_22 = arith.constant 40 : i32
    %add3A_23 = arith.addi %mul3A_21, %add3A_22 : i32
    "tpu.region"() ({
      %run_scoped3A = tpu.sem_alloc : memref<!tpu.dma_semaphore, #tpu.memory_space<semaphore_mem>>
      %dma_start3A_42 = arith.constant 0 : i32
      %dma_start3A_43 = arith.constant 0 : i32
      %dma_start3A_44 = tpu.memref_slice %arg3[%add3A_23, %dma_start3A_42, %dma_start3A_43] : memref<2560x2x128xi32, #tpu.memory_space<hbm>> -> memref<40x2x128xi32, #tpu.memory_space<hbm>>
      %dma_start3A_45 = arith.constant 0 : i32
      %dma_start3A_46 = arith.constant 0 : i32
      %dma_start3A_47 = tpu.memref_slice %arg3[%add3A_23, %dma_start3A_45, %dma_start3A_46] : memref<2560x2x128xi32, #tpu.memory_space<hbm>> -> memref<40x2x128xi32, #tpu.memory_space<hbm>>
      tpu.enqueue_dma source(%dma_start3A_47 : memref<40x2x128xi32, #tpu.memory_space<hbm>>) target(%arg5 : memref<40x2x128xi32, #tpu.memory_space<vmem>>) target_semaphore(%run_scoped3A : memref<!tpu.dma_semaphore, #tpu.memory_space<semaphore_mem>>)
      %dma_wait3A = arith.constant 0 : i32
      %dma_wait3A_48 = arith.constant 0 : i32
      %dma_wait3A_49 = tpu.memref_slice %arg3[%add3A_23, %dma_wait3A, %dma_wait3A_48] : memref<2560x2x128xi32, #tpu.memory_space<hbm>> -> memref<40x2x128xi32, #tpu.memory_space<hbm>>
      %dma_wait3A_50 = arith.constant 0 : i32
      %dma_wait3A_51 = arith.constant 0 : i32
      %dma_wait3A_52 = tpu.memref_slice %arg3[%add3A_23, %dma_wait3A_50, %dma_wait3A_51] : memref<2560x2x128xi32, #tpu.memory_space<hbm>> -> memref<40x2x128xi32, #tpu.memory_space<hbm>>
      tpu.wait_dma2 semaphore(%run_scoped3A : memref<!tpu.dma_semaphore, #tpu.memory_space<semaphore_mem>>) src(%dma_wait3A_52 : memref<40x2x128xi32, #tpu.memory_space<hbm>>) dst(%arg5 : memref<40x2x128xi32, #tpu.memory_space<vmem>>)
      tpu.yield
    }) : () -> ()
    %dma_start3A_24 = arith.constant 0 : i32
    %dma_start3A_25 = arith.constant 0 : i32
    %dma_start3A_26 = arith.constant 0 : i32
    %dma_start3A_27 = tpu.memref_slice %arg5[%dma_start3A_24, %dma_start3A_25, %dma_start3A_26] : memref<40x2x128xi32, #tpu.memory_space<vmem>> -> memref<1x1x128xi32, #tpu.memory_space<vmem>>
    %dma_start3A_28 = tpu.memref_squeeze %dma_start3A_27 : memref<1x1x128xi32, #tpu.memory_space<vmem>> -> memref<128xi32, #tpu.memory_space<vmem>>
    %dma_start3A_29 = arith.constant 0 : i32
    %dma_start3A_30 = arith.constant 0 : i32
    %dma_start3A_31 = tpu.memref_slice %arg2[%dma_start3A_29, %dma_start3A_30] : memref<10240x128xf32, #tpu.memory_space<hbm>> -> memref<10240x128xf32, #tpu.memory_space<hbm>>
    tpu.enqueue_indirect_dma source(%dma_start3A_31 : memref<10240x128xf32, #tpu.memory_space<hbm>>) target(%arg6 : memref<128x128xf32, #tpu.memory_space<vmem>>) offsets(%dma_start3A_28 : memref<128xi32, #tpu.memory_space<vmem>>) semaphore(%arg9 : memref<!tpu.dma_semaphore, #tpu.memory_space<semaphore_mem>>)
    %scan3A_32 = arith.constant 0 : i32
    %scan3A_33 = arith.constant 20 : i32
    %scan3A_34 = arith.addi %scan3A_32, %scan3A_33 : i32
    %scan3A_35 = arith.constant 1 : i32
    scf.for %scan3A_42 = %scan3A_32 to %scan3A_34 step %scan3A_35  : i32 {
      %mul3A_43 = arith.constant 2 : i32
      %mul3A_44 = arith.muli %scan3A_42, %mul3A_43 : i32
      %add3A_45 = arith.constant 0 : i32
      %add3A_46 = arith.addi %add3A_45, %mul3A_44 : i32
      %add3A_47 = arith.constant 1 : i32
      %add3A_48 = arith.addi %add3A_46, %add3A_47 : i32
      %lt3A = arith.constant 40 : i32
      %lt3A_49 = arith.cmpi slt, %add3A_48, %lt3A : i32
      %convert_element_type3A = arith.extui %lt3A_49 : i1 to i32
      %cond3A = arith.constant 0 : i32
      %cond3A_50 = arith.cmpi ne, %convert_element_type3A, %cond3A : i32
      scf.if %cond3A_50 {
        %add3A_76 = arith.constant 1 : i32
        %add3A_77 = arith.addi %add3A_46, %add3A_76 : i32
        %dma_start3A_78 = arith.constant 0 : i32
        %dma_start3A_79 = arith.constant 0 : i32
        %dma_start3A_80 = tpu.memref_slice %arg5[%add3A_77, %dma_start3A_78, %dma_start3A_79] : memref<40x2x128xi32, #tpu.memory_space<vmem>> -> memref<1x1x128xi32, #tpu.memory_space<vmem>>
        %dma_start3A_81 = tpu.memref_squeeze %dma_start3A_80 : memref<1x1x128xi32, #tpu.memory_space<vmem>> -> memref<128xi32, #tpu.memory_space<vmem>>
        %dma_start3A_82 = arith.constant 0 : i32
        %dma_start3A_83 = arith.constant 0 : i32
        %dma_start3A_84 = tpu.memref_slice %arg2[%dma_start3A_82, %dma_start3A_83] : memref<10240x128xf32, #tpu.memory_space<hbm>> -> memref<10240x128xf32, #tpu.memory_space<hbm>>
        tpu.enqueue_indirect_dma source(%dma_start3A_84 : memref<10240x128xf32, #tpu.memory_space<hbm>>) target(%arg7 : memref<128x128xf32, #tpu.memory_space<vmem>>) offsets(%dma_start3A_81 : memref<128xi32, #tpu.memory_space<vmem>>) semaphore(%arg10 : memref<!tpu.dma_semaphore, #tpu.memory_space<semaphore_mem>>)
      } else {
      }
      %dma_wait3A = arith.constant 0 : i32
      %dma_wait3A_51 = arith.constant 0 : i32
      %dma_wait3A_52 = tpu.memref_slice %arg5[%add3A_46, %dma_wait3A, %dma_wait3A_51] : memref<40x2x128xi32, #tpu.memory_space<vmem>> -> memref<1x1x128xi32, #tpu.memory_space<vmem>>
      %dma_wait3A_53 = tpu.memref_squeeze %dma_wait3A_52 : memref<1x1x128xi32, #tpu.memory_space<vmem>> -> memref<128xi32, #tpu.memory_space<vmem>>
      %dma_wait3A_54 = arith.constant 0 : i32
      %dma_wait3A_55 = arith.constant 0 : i32
      %dma_wait3A_56 = tpu.memref_slice %arg2[%dma_wait3A_54, %dma_wait3A_55] : memref<10240x128xf32, #tpu.memory_space<hbm>> -> memref<10240x128xf32, #tpu.memory_space<hbm>>
      tpu.wait_indirect_dma semaphore(%arg9 : memref<!tpu.dma_semaphore, #tpu.memory_space<semaphore_mem>>) src(%dma_wait3A_56 : memref<10240x128xf32, #tpu.memory_space<hbm>>) dst(%arg6 : memref<128x128xf32, #tpu.memory_space<vmem>>)
      %run_scoped3A = arith.constant 1 : i32
      "tpu.region"() ({
        %run_scoped3A_76 = tpu.sem_alloc : memref<!tpu.dma_semaphore, #tpu.memory_space<semaphore_mem>>
        %dma_start3A_77 = arith.constant 0 : i32
        %dma_start3A_78 = tpu.memref_slice %arg5[%add3A_46, %run_scoped3A, %dma_start3A_77] : memref<40x2x128xi32, #tpu.memory_space<vmem>> -> memref<1x1x128xi32, #tpu.memory_space<vmem>>
        %dma_start3A_79 = tpu.memref_squeeze %dma_start3A_78 : memref<1x1x128xi32, #tpu.memory_space<vmem>> -> memref<128xi32, #tpu.memory_space<vmem>>
        %dma_start3A_80 = arith.constant 0 : i32
        %dma_start3A_81 = arith.constant 0 : i32
        %dma_start3A_82 = tpu.memref_slice %arg8[%dma_start3A_80, %dma_start3A_81] : memref<10240x128xf32, #tpu.memory_space<vmem_shared>> -> memref<10240x128xf32, #tpu.memory_space<vmem_shared>>
        tpu.enqueue_indirect_dma source(%arg6 : memref<128x128xf32, #tpu.memory_space<vmem>>) target(%dma_start3A_82 : memref<10240x128xf32, #tpu.memory_space<vmem_shared>>) offsets(%dma_start3A_79 : memref<128xi32, #tpu.memory_space<vmem>>) semaphore(%run_scoped3A_76 : memref<!tpu.dma_semaphore, #tpu.memory_space<semaphore_mem>>) {add = true}
        %dma_wait3A_83 = arith.constant 0 : i32
        %dma_wait3A_84 = tpu.memref_slice %arg5[%add3A_46, %run_scoped3A, %dma_wait3A_83] : memref<40x2x128xi32, #tpu.memory_space<vmem>> -> memref<1x1x128xi32, #tpu.memory_space<vmem>>
        %dma_wait3A_85 = tpu.memref_squeeze %dma_wait3A_84 : memref<1x1x128xi32, #tpu.memory_space<vmem>> -> memref<128xi32, #tpu.memory_space<vmem>>
        %dma_wait3A_86 = arith.constant 0 : i32
        %dma_wait3A_87 = arith.constant 0 : i32
        %dma_wait3A_88 = tpu.memref_slice %arg8[%dma_wait3A_86, %dma_wait3A_87] : memref<10240x128xf32, #tpu.memory_space<vmem_shared>> -> memref<10240x128xf32, #tpu.memory_space<vmem_shared>>
        tpu.wait_indirect_dma semaphore(%run_scoped3A_76 : memref<!tpu.dma_semaphore, #tpu.memory_space<semaphore_mem>>) src(%arg6 : memref<128x128xf32, #tpu.memory_space<vmem>>) dst(%dma_wait3A_88 : memref<10240x128xf32, #tpu.memory_space<vmem_shared>>)
        tpu.yield
      }) : () -> ()
      %add3A_57 = arith.constant 2 : i32
      %add3A_58 = arith.addi %add3A_46, %add3A_57 : i32
      %lt3A_59 = arith.constant 40 : i32
      %lt3A_60 = arith.cmpi slt, %add3A_58, %lt3A_59 : i32
      %convert_element_type3A_61 = arith.extui %lt3A_60 : i1 to i32
      %cond3A_62 = arith.constant 0 : i32
      %cond3A_63 = arith.cmpi ne, %convert_element_type3A_61, %cond3A_62 : i32
      scf.if %cond3A_63 {
        %add3A_76 = arith.constant 2 : i32
        %add3A_77 = arith.addi %add3A_46, %add3A_76 : i32
        %dma_start3A_78 = arith.constant 0 : i32
        %dma_start3A_79 = arith.constant 0 : i32
        %dma_start3A_80 = tpu.memref_slice %arg5[%add3A_77, %dma_start3A_78, %dma_start3A_79] : memref<40x2x128xi32, #tpu.memory_space<vmem>> -> memref<1x1x128xi32, #tpu.memory_space<vmem>>
        %dma_start3A_81 = tpu.memref_squeeze %dma_start3A_80 : memref<1x1x128xi32, #tpu.memory_space<vmem>> -> memref<128xi32, #tpu.memory_space<vmem>>
        %dma_start3A_82 = arith.constant 0 : i32
        %dma_start3A_83 = arith.constant 0 : i32
        %dma_start3A_84 = tpu.memref_slice %arg2[%dma_start3A_82, %dma_start3A_83] : memref<10240x128xf32, #tpu.memory_space<hbm>> -> memref<10240x128xf32, #tpu.memory_space<hbm>>
        tpu.enqueue_indirect_dma source(%dma_start3A_84 : memref<10240x128xf32, #tpu.memory_space<hbm>>) target(%arg6 : memref<128x128xf32, #tpu.memory_space<vmem>>) offsets(%dma_start3A_81 : memref<128xi32, #tpu.memory_space<vmem>>) semaphore(%arg9 : memref<!tpu.dma_semaphore, #tpu.memory_space<semaphore_mem>>)
      } else {
      }
      %add3A_64 = arith.constant 1 : i32
      %add3A_65 = arith.addi %add3A_46, %add3A_64 : i32
      %dma_wait3A_66 = arith.constant 0 : i32
      %dma_wait3A_67 = arith.constant 0 : i32
      %dma_wait3A_68 = tpu.memref_slice %arg5[%add3A_65, %dma_wait3A_66, %dma_wait3A_67] : memref<40x2x128xi32, #tpu.memory_space<vmem>> -> memref<1x1x128xi32, #tpu.memory_space<vmem>>
      %dma_wait3A_69 = tpu.memref_squeeze %dma_wait3A_68 : memref<1x1x128xi32, #tpu.memory_space<vmem>> -> memref<128xi32, #tpu.memory_space<vmem>>
      %dma_wait3A_70 = arith.constant 0 : i32
      %dma_wait3A_71 = arith.constant 0 : i32
      %dma_wait3A_72 = tpu.memref_slice %arg2[%dma_wait3A_70, %dma_wait3A_71] : memref<10240x128xf32, #tpu.memory_space<hbm>> -> memref<10240x128xf32, #tpu.memory_space<hbm>>
      tpu.wait_indirect_dma semaphore(%arg10 : memref<!tpu.dma_semaphore, #tpu.memory_space<semaphore_mem>>) src(%dma_wait3A_72 : memref<10240x128xf32, #tpu.memory_space<hbm>>) dst(%arg7 : memref<128x128xf32, #tpu.memory_space<vmem>>)
      %add3A_73 = arith.constant 1 : i32
      %add3A_74 = arith.addi %add3A_46, %add3A_73 : i32
      %run_scoped3A_75 = arith.constant 1 : i32
      "tpu.region"() ({
        %run_scoped3A_76 = tpu.sem_alloc : memref<!tpu.dma_semaphore, #tpu.memory_space<semaphore_mem>>
        %dma_start3A_77 = arith.constant 0 : i32
        %dma_start3A_78 = tpu.memref_slice %arg5[%add3A_74, %run_scoped3A_75, %dma_start3A_77] : memref<40x2x128xi32, #tpu.memory_space<vmem>> -> memref<1x1x128xi32, #tpu.memory_space<vmem>>
        %dma_start3A_79 = tpu.memref_squeeze %dma_start3A_78 : memref<1x1x128xi32, #tpu.memory_space<vmem>> -> memref<128xi32, #tpu.memory_space<vmem>>
        %dma_start3A_80 = arith.constant 0 : i32
        %dma_start3A_81 = arith.constant 0 : i32
        %dma_start3A_82 = tpu.memref_slice %arg8[%dma_start3A_80, %dma_start3A_81] : memref<10240x128xf32, #tpu.memory_space<vmem_shared>> -> memref<10240x128xf32, #tpu.memory_space<vmem_shared>>
        tpu.enqueue_indirect_dma source(%arg7 : memref<128x128xf32, #tpu.memory_space<vmem>>) target(%dma_start3A_82 : memref<10240x128xf32, #tpu.memory_space<vmem_shared>>) offsets(%dma_start3A_79 : memref<128xi32, #tpu.memory_space<vmem>>) semaphore(%run_scoped3A_76 : memref<!tpu.dma_semaphore, #tpu.memory_space<semaphore_mem>>) {add = true}
        %dma_wait3A_83 = arith.constant 0 : i32
        %dma_wait3A_84 = tpu.memref_slice %arg5[%add3A_74, %run_scoped3A_75, %dma_wait3A_83] : memref<40x2x128xi32, #tpu.memory_space<vmem>> -> memref<1x1x128xi32, #tpu.memory_space<vmem>>
        %dma_wait3A_85 = tpu.memref_squeeze %dma_wait3A_84 : memref<1x1x128xi32, #tpu.memory_space<vmem>> -> memref<128xi32, #tpu.memory_space<vmem>>
        %dma_wait3A_86 = arith.constant 0 : i32
        %dma_wait3A_87 = arith.constant 0 : i32
        %dma_wait3A_88 = tpu.memref_slice %arg8[%dma_wait3A_86, %dma_wait3A_87] : memref<10240x128xf32, #tpu.memory_space<vmem_shared>> -> memref<10240x128xf32, #tpu.memory_space<vmem_shared>>
        tpu.wait_indirect_dma semaphore(%run_scoped3A_76 : memref<!tpu.dma_semaphore, #tpu.memory_space<semaphore_mem>>) src(%arg7 : memref<128x128xf32, #tpu.memory_space<vmem>>) dst(%dma_wait3A_88 : memref<10240x128xf32, #tpu.memory_space<vmem_shared>>)
        tpu.yield
      }) : () -> ()
    }
    %scan3A_36 = arith.constant 20 : i32
    %barrier3A_37 = arith.constant 0 : index
    tpu.barrier barrier_id(%barrier3A_37)
    %mul3A_38 = arith.constant 640 : i32
    %mul3A_39 = arith.muli %arg1, %mul3A_38 : i32
    %mul3A_40 = arith.constant 640 : i32
    %mul3A_41 = arith.muli %arg1, %mul3A_40 : i32
    "tpu.region"() ({
      %run_scoped3A = tpu.sem_alloc : memref<!tpu.dma_semaphore, #tpu.memory_space<semaphore_mem>>
      %dma_start3A_42 = arith.constant 0 : i32
      %dma_start3A_43 = tpu.memref_slice %arg4[%arg0, %mul3A_41, %dma_start3A_42] : memref<2x10240x128xf32, #tpu.memory_space<hbm>> -> memref<1x640x128xf32, #tpu.memory_space<hbm>>
      %dma_start3A_44 = tpu.memref_squeeze %dma_start3A_43 : memref<1x640x128xf32, #tpu.memory_space<hbm>> -> memref<640x128xf32, #tpu.memory_space<hbm>>
      %dma_start3A_45 = arith.constant 0 : i32
      %dma_start3A_46 = tpu.memref_slice %arg8[%mul3A_39, %dma_start3A_45] : memref<10240x128xf32, #tpu.memory_space<vmem_shared>> -> memref<640x128xf32, #tpu.memory_space<vmem_shared>>
      tpu.enqueue_dma source(%dma_start3A_46 : memref<640x128xf32, #tpu.memory_space<vmem_shared>>) target(%dma_start3A_44 : memref<640x128xf32, #tpu.memory_space<hbm>>) target_semaphore(%run_scoped3A : memref<!tpu.dma_semaphore, #tpu.memory_space<semaphore_mem>>)
      %dma_wait3A = arith.constant 0 : i32
      %dma_wait3A_47 = tpu.memref_slice %arg4[%arg0, %mul3A_41, %dma_wait3A] : memref<2x10240x128xf32, #tpu.memory_space<hbm>> -> memref<1x640x128xf32, #tpu.memory_space<hbm>>
      %dma_wait3A_48 = tpu.memref_squeeze %dma_wait3A_47 : memref<1x640x128xf32, #tpu.memory_space<hbm>> -> memref<640x128xf32, #tpu.memory_space<hbm>>
      %dma_wait3A_49 = arith.constant 0 : i32
      %dma_wait3A_50 = tpu.memref_slice %arg8[%mul3A_39, %dma_wait3A_49] : memref<10240x128xf32, #tpu.memory_space<vmem_shared>> -> memref<640x128xf32, #tpu.memory_space<vmem_shared>>
      tpu.wait_dma2 semaphore(%run_scoped3A : memref<!tpu.dma_semaphore, #tpu.memory_space<semaphore_mem>>) src(%dma_wait3A_50 : memref<640x128xf32, #tpu.memory_space<vmem_shared>>) dst(%dma_wait3A_48 : memref<640x128xf32, #tpu.memory_space<hbm>>)
      tpu.yield
    }) : () -> ()
    return
  }
}

#map = affine_map<(d0, d1) -> (0, 0, 0)>
#map1 = affine_map<(d0, d1) -> (0)>
#map2 = affine_map<(d0, d1) -> (0, 0)>
module attributes {stable_mosaic.version = 14 : i64} {
  func.func @deg_kernel(%arg0: i32, %arg1: i32, %arg2: memref<2560x2x128xi32, #tpu.memory_space<hbm>>, %arg3: memref<10240xf32, #tpu.memory_space<hbm>>, %arg4: memref<2x10240xf32, #tpu.memory_space<hbm>>, %arg5: memref<80x2x128xi32, #tpu.memory_space<vmem>>, %arg6: memref<128xf32, #tpu.memory_space<vmem>>, %arg7: memref<10240xf32, #tpu.memory_space<vmem_shared>>) attributes {dimension_semantics = [#tpu.dimension_semantics<core_parallel>, #tpu.dimension_semantics<subcore_parallel>], iteration_bounds = array<i64: 2, 16>, scalar_prefetch = 0 : i64, scratch_operands = 3 : i64, tpu.core_type = #tpu.core_type<sc_vector_subcore>, window_params = [{transform_indices = #map}, {transform_indices = #map1}, {transform_indices = #map2}]} {
    %mul3A = arith.constant 16 : i32
    %mul3A_0 = arith.muli %arg0, %mul3A : i32
    %add3A = arith.addi %mul3A_0, %arg1 : i32
    %mul3A_1 = arith.constant 640 : i32
    %mul3A_2 = arith.muli %arg1, %mul3A_1 : i32
    %mul3A_3 = arith.constant 640 : i32
    %mul3A_4 = arith.muli %arg1, %mul3A_3 : i32
    "tpu.region"() ({
      %run_scoped3A = tpu.sem_alloc : memref<!tpu.dma_semaphore, #tpu.memory_space<semaphore_mem>>
      %dma_start3A = tpu.memref_slice %arg7[%mul3A_4] : memref<10240xf32, #tpu.memory_space<vmem_shared>> -> memref<640xf32, #tpu.memory_space<vmem_shared>>
      %dma_start3A_16 = tpu.memref_slice %arg3[%mul3A_2] : memref<10240xf32, #tpu.memory_space<hbm>> -> memref<640xf32, #tpu.memory_space<hbm>>
      tpu.enqueue_dma source(%dma_start3A_16 : memref<640xf32, #tpu.memory_space<hbm>>) target(%dma_start3A : memref<640xf32, #tpu.memory_space<vmem_shared>>) target_semaphore(%run_scoped3A : memref<!tpu.dma_semaphore, #tpu.memory_space<semaphore_mem>>)
      %dma_wait3A = tpu.memref_slice %arg7[%mul3A_4] : memref<10240xf32, #tpu.memory_space<vmem_shared>> -> memref<640xf32, #tpu.memory_space<vmem_shared>>
      %dma_wait3A_17 = tpu.memref_slice %arg3[%mul3A_2] : memref<10240xf32, #tpu.memory_space<hbm>> -> memref<640xf32, #tpu.memory_space<hbm>>
      tpu.wait_dma2 semaphore(%run_scoped3A : memref<!tpu.dma_semaphore, #tpu.memory_space<semaphore_mem>>) src(%dma_wait3A_17 : memref<640xf32, #tpu.memory_space<hbm>>) dst(%dma_wait3A : memref<640xf32, #tpu.memory_space<vmem_shared>>)
      tpu.yield
    }) : () -> ()
    "tpu.region"() ({
      %run_scoped3A = tpu.sem_alloc : memref<!tpu.dma_semaphore, #tpu.memory_space<semaphore_mem>>
      %dma_start3A = arith.constant 0 : i32
      %dma_start3A_16 = tpu.memref_slice %arg3[%dma_start3A] : memref<10240xf32, #tpu.memory_space<hbm>> -> memref<128xf32, #tpu.memory_space<hbm>>
      %dma_start3A_17 = arith.constant 0 : i32
      %dma_start3A_18 = tpu.memref_slice %arg3[%dma_start3A_17] : memref<10240xf32, #tpu.memory_space<hbm>> -> memref<128xf32, #tpu.memory_space<hbm>>
      tpu.enqueue_dma source(%dma_start3A_18 : memref<128xf32, #tpu.memory_space<hbm>>) target(%arg6 : memref<128xf32, #tpu.memory_space<vmem>>) target_semaphore(%run_scoped3A : memref<!tpu.dma_semaphore, #tpu.memory_space<semaphore_mem>>)
      %dma_wait3A = arith.constant 0 : i32
      %dma_wait3A_19 = tpu.memref_slice %arg3[%dma_wait3A] : memref<10240xf32, #tpu.memory_space<hbm>> -> memref<128xf32, #tpu.memory_space<hbm>>
      %dma_wait3A_20 = arith.constant 0 : i32
      %dma_wait3A_21 = tpu.memref_slice %arg3[%dma_wait3A_20] : memref<10240xf32, #tpu.memory_space<hbm>> -> memref<128xf32, #tpu.memory_space<hbm>>
      tpu.wait_dma2 semaphore(%run_scoped3A : memref<!tpu.dma_semaphore, #tpu.memory_space<semaphore_mem>>) src(%dma_wait3A_21 : memref<128xf32, #tpu.memory_space<hbm>>) dst(%arg6 : memref<128xf32, #tpu.memory_space<vmem>>)
      tpu.yield
    }) : () -> ()
    %mul3A_5 = arith.constant 80 : i32
    %mul3A_6 = arith.muli %add3A, %mul3A_5 : i32
    "tpu.region"() ({
      %run_scoped3A = tpu.sem_alloc : memref<!tpu.dma_semaphore, #tpu.memory_space<semaphore_mem>>
      %dma_start3A = arith.constant 0 : i32
      %dma_start3A_16 = arith.constant 0 : i32
      %dma_start3A_17 = tpu.memref_slice %arg2[%mul3A_6, %dma_start3A, %dma_start3A_16] : memref<2560x2x128xi32, #tpu.memory_space<hbm>> -> memref<80x2x128xi32, #tpu.memory_space<hbm>>
      %dma_start3A_18 = arith.constant 0 : i32
      %dma_start3A_19 = arith.constant 0 : i32
      %dma_start3A_20 = tpu.memref_slice %arg2[%mul3A_6, %dma_start3A_18, %dma_start3A_19] : memref<2560x2x128xi32, #tpu.memory_space<hbm>> -> memref<80x2x128xi32, #tpu.memory_space<hbm>>
      tpu.enqueue_dma source(%dma_start3A_20 : memref<80x2x128xi32, #tpu.memory_space<hbm>>) target(%arg5 : memref<80x2x128xi32, #tpu.memory_space<vmem>>) target_semaphore(%run_scoped3A : memref<!tpu.dma_semaphore, #tpu.memory_space<semaphore_mem>>)
      %dma_wait3A = arith.constant 0 : i32
      %dma_wait3A_21 = arith.constant 0 : i32
      %dma_wait3A_22 = tpu.memref_slice %arg2[%mul3A_6, %dma_wait3A, %dma_wait3A_21] : memref<2560x2x128xi32, #tpu.memory_space<hbm>> -> memref<80x2x128xi32, #tpu.memory_space<hbm>>
      %dma_wait3A_23 = arith.constant 0 : i32
      %dma_wait3A_24 = arith.constant 0 : i32
      %dma_wait3A_25 = tpu.memref_slice %arg2[%mul3A_6, %dma_wait3A_23, %dma_wait3A_24] : memref<2560x2x128xi32, #tpu.memory_space<hbm>> -> memref<80x2x128xi32, #tpu.memory_space<hbm>>
      tpu.wait_dma2 semaphore(%run_scoped3A : memref<!tpu.dma_semaphore, #tpu.memory_space<semaphore_mem>>) src(%dma_wait3A_25 : memref<80x2x128xi32, #tpu.memory_space<hbm>>) dst(%arg5 : memref<80x2x128xi32, #tpu.memory_space<vmem>>)
      tpu.yield
    }) : () -> ()
    %barrier3A = arith.constant 0 : index
    tpu.barrier barrier_id(%barrier3A)
    %scan3A = arith.constant 0 : i32
    %scan3A_7 = arith.constant 80 : i32
    %scan3A_8 = arith.addi %scan3A, %scan3A_7 : i32
    %scan3A_9 = arith.constant 1 : i32
    scf.for %scan3A_16 = %scan3A to %scan3A_8 step %scan3A_9  : i32 {
      %mul3A_17 = arith.constant 1 : i32
      %mul3A_18 = arith.muli %scan3A_16, %mul3A_17 : i32
      %add3A_19 = arith.constant 0 : i32
      %add3A_20 = arith.addi %add3A_19, %mul3A_18 : i32
      %run_scoped3A = arith.constant 1 : i32
      "tpu.region"() ({
        %run_scoped3A_21 = tpu.sem_alloc : memref<!tpu.dma_semaphore, #tpu.memory_space<semaphore_mem>>
        %dma_start3A = arith.constant 0 : i32
        %dma_start3A_22 = tpu.memref_slice %arg5[%add3A_20, %run_scoped3A, %dma_start3A] : memref<80x2x128xi32, #tpu.memory_space<vmem>> -> memref<1x1x128xi32, #tpu.memory_space<vmem>>
        %dma_start3A_23 = tpu.memref_squeeze %dma_start3A_22 : memref<1x1x128xi32, #tpu.memory_space<vmem>> -> memref<128xi32, #tpu.memory_space<vmem>>
        %dma_start3A_24 = arith.constant 0 : i32
        %dma_start3A_25 = tpu.memref_slice %arg7[%dma_start3A_24] : memref<10240xf32, #tpu.memory_space<vmem_shared>> -> memref<10240xf32, #tpu.memory_space<vmem_shared>>
        tpu.enqueue_indirect_dma source(%arg6 : memref<128xf32, #tpu.memory_space<vmem>>) target(%dma_start3A_25 : memref<10240xf32, #tpu.memory_space<vmem_shared>>) offsets(%dma_start3A_23 : memref<128xi32, #tpu.memory_space<vmem>>) semaphore(%run_scoped3A_21 : memref<!tpu.dma_semaphore, #tpu.memory_space<semaphore_mem>>) {add = true}
        %dma_wait3A = arith.constant 0 : i32
        %dma_wait3A_26 = tpu.memref_slice %arg5[%add3A_20, %run_scoped3A, %dma_wait3A] : memref<80x2x128xi32, #tpu.memory_space<vmem>> -> memref<1x1x128xi32, #tpu.memory_space<vmem>>
        %dma_wait3A_27 = tpu.memref_squeeze %dma_wait3A_26 : memref<1x1x128xi32, #tpu.memory_space<vmem>> -> memref<128xi32, #tpu.memory_space<vmem>>
        %dma_wait3A_28 = arith.constant 0 : i32
        %dma_wait3A_29 = tpu.memref_slice %arg7[%dma_wait3A_28] : memref<10240xf32, #tpu.memory_space<vmem_shared>> -> memref<10240xf32, #tpu.memory_space<vmem_shared>>
        tpu.wait_indirect_dma semaphore(%run_scoped3A_21 : memref<!tpu.dma_semaphore, #tpu.memory_space<semaphore_mem>>) src(%arg6 : memref<128xf32, #tpu.memory_space<vmem>>) dst(%dma_wait3A_29 : memref<10240xf32, #tpu.memory_space<vmem_shared>>)
        tpu.yield
      }) : () -> ()
    }
    %scan3A_10 = arith.constant 80 : i32
    %barrier3A_11 = arith.constant 0 : index
    tpu.barrier barrier_id(%barrier3A_11)
    %mul3A_12 = arith.constant 640 : i32
    %mul3A_13 = arith.muli %arg1, %mul3A_12 : i32
    %mul3A_14 = arith.constant 640 : i32
    %mul3A_15 = arith.muli %arg1, %mul3A_14 : i32
    "tpu.region"() ({
      %run_scoped3A = tpu.sem_alloc : memref<!tpu.dma_semaphore, #tpu.memory_space<semaphore_mem>>
      %dma_start3A = tpu.memref_slice %arg4[%arg0, %mul3A_15] : memref<2x10240xf32, #tpu.memory_space<hbm>> -> memref<1x640xf32, #tpu.memory_space<hbm>>
      %dma_start3A_16 = tpu.memref_squeeze %dma_start3A : memref<1x640xf32, #tpu.memory_space<hbm>> -> memref<640xf32, #tpu.memory_space<hbm>>
      %dma_start3A_17 = tpu.memref_slice %arg7[%mul3A_13] : memref<10240xf32, #tpu.memory_space<vmem_shared>> -> memref<640xf32, #tpu.memory_space<vmem_shared>>
      tpu.enqueue_dma source(%dma_start3A_17 : memref<640xf32, #tpu.memory_space<vmem_shared>>) target(%dma_start3A_16 : memref<640xf32, #tpu.memory_space<hbm>>) target_semaphore(%run_scoped3A : memref<!tpu.dma_semaphore, #tpu.memory_space<semaphore_mem>>)
      %dma_wait3A = tpu.memref_slice %arg4[%arg0, %mul3A_15] : memref<2x10240xf32, #tpu.memory_space<hbm>> -> memref<1x640xf32, #tpu.memory_space<hbm>>
      %dma_wait3A_18 = tpu.memref_squeeze %dma_wait3A : memref<1x640xf32, #tpu.memory_space<hbm>> -> memref<640xf32, #tpu.memory_space<hbm>>
      %dma_wait3A_19 = tpu.memref_slice %arg7[%mul3A_13] : memref<10240xf32, #tpu.memory_space<vmem_shared>> -> memref<640xf32, #tpu.memory_space<vmem_shared>>
      tpu.wait_dma2 semaphore(%run_scoped3A : memref<!tpu.dma_semaphore, #tpu.memory_space<semaphore_mem>>) src(%dma_wait3A_19 : memref<640xf32, #tpu.memory_space<vmem_shared>>) dst(%dma_wait3A_18 : memref<640xf32, #tpu.memory_space<hbm>>)
      tpu.yield
    }) : () -> ()
    return
  }
}

#map = affine_map<(d0, d1) -> (0, 0)>
#map1 = affine_map<(d0, d1) -> (0, 0, 0)>
module attributes {stable_mosaic.version = 14 : i64} {
  func.func @prop_kernel(%arg0: i32, %arg1: i32, %arg2: memref<10240x128xf32, #tpu.memory_space<hbm>>, %arg3: memref<2560x2x128xi32, #tpu.memory_space<hbm>>, %arg4: memref<2x10240x128xf32, #tpu.memory_space<hbm>>, %arg5: memref<40x2x128xi32, #tpu.memory_space<vmem>>, %arg6: memref<128x128xf32, #tpu.memory_space<vmem>>, %arg7: memref<128x128xf32, #tpu.memory_space<vmem>>, %arg8: memref<10240x128xf32, #tpu.memory_space<vmem_shared>>, %arg9: memref<!tpu.dma_semaphore, #tpu.memory_space<semaphore_mem>>, %arg10: memref<!tpu.dma_semaphore, #tpu.memory_space<semaphore_mem>>) attributes {dimension_semantics = [#tpu.dimension_semantics<core_parallel>, #tpu.dimension_semantics<subcore_parallel>], iteration_bounds = array<i64: 2, 16>, scalar_prefetch = 0 : i64, scratch_operands = 6 : i64, tpu.core_type = #tpu.core_type<sc_vector_subcore>, window_params = [{transform_indices = #map}, {transform_indices = #map1}, {transform_indices = #map1}]} {
    %mul3A = arith.constant 16 : i32
    %mul3A_0 = arith.muli %arg0, %mul3A : i32
    %add3A = arith.addi %mul3A_0, %arg1 : i32
    %mul3A_1 = arith.constant 640 : i32
    %mul3A_2 = arith.muli %arg1, %mul3A_1 : i32
    %mul3A_3 = arith.constant 640 : i32
    %mul3A_4 = arith.muli %arg1, %mul3A_3 : i32
    "tpu.region"() ({
      %run_scoped3A = tpu.sem_alloc : memref<!tpu.dma_semaphore, #tpu.memory_space<semaphore_mem>>
      %dma_start3A_42 = arith.constant 0 : i32
      %dma_start3A_43 = tpu.memref_slice %arg8[%mul3A_4, %dma_start3A_42] : memref<10240x128xf32, #tpu.memory_space<vmem_shared>> -> memref<640x128xf32, #tpu.memory_space<vmem_shared>>
      %dma_start3A_44 = arith.constant 0 : i32
      %dma_start3A_45 = tpu.memref_slice %arg2[%mul3A_2, %dma_start3A_44] : memref<10240x128xf32, #tpu.memory_space<hbm>> -> memref<640x128xf32, #tpu.memory_space<hbm>>
      tpu.enqueue_dma source(%dma_start3A_45 : memref<640x128xf32, #tpu.memory_space<hbm>>) target(%dma_start3A_43 : memref<640x128xf32, #tpu.memory_space<vmem_shared>>) target_semaphore(%run_scoped3A : memref<!tpu.dma_semaphore, #tpu.memory_space<semaphore_mem>>)
      %dma_wait3A = arith.constant 0 : i32
      %dma_wait3A_46 = tpu.memref_slice %arg8[%mul3A_4, %dma_wait3A] : memref<10240x128xf32, #tpu.memory_space<vmem_shared>> -> memref<640x128xf32, #tpu.memory_space<vmem_shared>>
      %dma_wait3A_47 = arith.constant 0 : i32
      %dma_wait3A_48 = tpu.memref_slice %arg2[%mul3A_2, %dma_wait3A_47] : memref<10240x128xf32, #tpu.memory_space<hbm>> -> memref<640x128xf32, #tpu.memory_space<hbm>>
      tpu.wait_dma2 semaphore(%run_scoped3A : memref<!tpu.dma_semaphore, #tpu.memory_space<semaphore_mem>>) src(%dma_wait3A_48 : memref<640x128xf32, #tpu.memory_space<hbm>>) dst(%dma_wait3A_46 : memref<640x128xf32, #tpu.memory_space<vmem_shared>>)
      tpu.yield
    }) : () -> ()
    %barrier3A = arith.constant 0 : index
    tpu.barrier barrier_id(%barrier3A)
    %mul3A_5 = arith.constant 80 : i32
    %mul3A_6 = arith.muli %add3A, %mul3A_5 : i32
    %add3A_7 = arith.constant 0 : i32
    %add3A_8 = arith.addi %mul3A_6, %add3A_7 : i32
    "tpu.region"() ({
      %run_scoped3A = tpu.sem_alloc : memref<!tpu.dma_semaphore, #tpu.memory_space<semaphore_mem>>
      %dma_start3A_42 = arith.constant 0 : i32
      %dma_start3A_43 = arith.constant 0 : i32
      %dma_start3A_44 = tpu.memref_slice %arg3[%add3A_8, %dma_start3A_42, %dma_start3A_43] : memref<2560x2x128xi32, #tpu.memory_space<hbm>> -> memref<40x2x128xi32, #tpu.memory_space<hbm>>
      %dma_start3A_45 = arith.constant 0 : i32
      %dma_start3A_46 = arith.constant 0 : i32
      %dma_start3A_47 = tpu.memref_slice %arg3[%add3A_8, %dma_start3A_45, %dma_start3A_46] : memref<2560x2x128xi32, #tpu.memory_space<hbm>> -> memref<40x2x128xi32, #tpu.memory_space<hbm>>
      tpu.enqueue_dma source(%dma_start3A_47 : memref<40x2x128xi32, #tpu.memory_space<hbm>>) target(%arg5 : memref<40x2x128xi32, #tpu.memory_space<vmem>>) target_semaphore(%run_scoped3A : memref<!tpu.dma_semaphore, #tpu.memory_space<semaphore_mem>>)
      %dma_wait3A = arith.constant 0 : i32
      %dma_wait3A_48 = arith.constant 0 : i32
      %dma_wait3A_49 = tpu.memref_slice %arg3[%add3A_8, %dma_wait3A, %dma_wait3A_48] : memref<2560x2x128xi32, #tpu.memory_space<hbm>> -> memref<40x2x128xi32, #tpu.memory_space<hbm>>
      %dma_wait3A_50 = arith.constant 0 : i32
      %dma_wait3A_51 = arith.constant 0 : i32
      %dma_wait3A_52 = tpu.memref_slice %arg3[%add3A_8, %dma_wait3A_50, %dma_wait3A_51] : memref<2560x2x128xi32, #tpu.memory_space<hbm>> -> memref<40x2x128xi32, #tpu.memory_space<hbm>>
      tpu.wait_dma2 semaphore(%run_scoped3A : memref<!tpu.dma_semaphore, #tpu.memory_space<semaphore_mem>>) src(%dma_wait3A_52 : memref<40x2x128xi32, #tpu.memory_space<hbm>>) dst(%arg5 : memref<40x2x128xi32, #tpu.memory_space<vmem>>)
      tpu.yield
    }) : () -> ()
    %dma_start3A = arith.constant 0 : i32
    %dma_start3A_9 = arith.constant 0 : i32
    %dma_start3A_10 = arith.constant 0 : i32
    %dma_start3A_11 = tpu.memref_slice %arg5[%dma_start3A, %dma_start3A_9, %dma_start3A_10] : memref<40x2x128xi32, #tpu.memory_space<vmem>> -> memref<1x1x128xi32, #tpu.memory_space<vmem>>
    %dma_start3A_12 = tpu.memref_squeeze %dma_start3A_11 : memref<1x1x128xi32, #tpu.memory_space<vmem>> -> memref<128xi32, #tpu.memory_space<vmem>>
    %dma_start3A_13 = arith.constant 0 : i32
    %dma_start3A_14 = arith.constant 0 : i32
    %dma_start3A_15 = tpu.memref_slice %arg2[%dma_start3A_13, %dma_start3A_14] : memref<10240x128xf32, #tpu.memory_space<hbm>> -> memref<10240x128xf32, #tpu.memory_space<hbm>>
    tpu.enqueue_indirect_dma source(%dma_start3A_15 : memref<10240x128xf32, #tpu.memory_space<hbm>>) target(%arg6 : memref<128x128xf32, #tpu.memory_space<vmem>>) offsets(%dma_start3A_12 : memref<128xi32, #tpu.memory_space<vmem>>) semaphore(%arg9 : memref<!tpu.dma_semaphore, #tpu.memory_space<semaphore_mem>>)
    %scan3A = arith.constant 0 : i32
    %scan3A_16 = arith.constant 20 : i32
    %scan3A_17 = arith.addi %scan3A, %scan3A_16 : i32
    %scan3A_18 = arith.constant 1 : i32
    scf.for %scan3A_42 = %scan3A to %scan3A_17 step %scan3A_18  : i32 {
      %mul3A_43 = arith.constant 2 : i32
      %mul3A_44 = arith.muli %scan3A_42, %mul3A_43 : i32
      %add3A_45 = arith.constant 0 : i32
      %add3A_46 = arith.addi %add3A_45, %mul3A_44 : i32
      %add3A_47 = arith.constant 1 : i32
      %add3A_48 = arith.addi %add3A_46, %add3A_47 : i32
      %lt3A = arith.constant 40 : i32
      %lt3A_49 = arith.cmpi slt, %add3A_48, %lt3A : i32
      %convert_element_type3A = arith.extui %lt3A_49 : i1 to i32
      %cond3A = arith.constant 0 : i32
      %cond3A_50 = arith.cmpi ne, %convert_element_type3A, %cond3A : i32
      scf.if %cond3A_50 {
        %add3A_76 = arith.constant 1 : i32
        %add3A_77 = arith.addi %add3A_46, %add3A_76 : i32
        %dma_start3A_78 = arith.constant 0 : i32
        %dma_start3A_79 = arith.constant 0 : i32
        %dma_start3A_80 = tpu.memref_slice %arg5[%add3A_77, %dma_start3A_78, %dma_start3A_79] : memref<40x2x128xi32, #tpu.memory_space<vmem>> -> memref<1x1x128xi32, #tpu.memory_space<vmem>>
        %dma_start3A_81 = tpu.memref_squeeze %dma_start3A_80 : memref<1x1x128xi32, #tpu.memory_space<vmem>> -> memref<128xi32, #tpu.memory_space<vmem>>
        %dma_start3A_82 = arith.constant 0 : i32
        %dma_start3A_83 = arith.constant 0 : i32
        %dma_start3A_84 = tpu.memref_slice %arg2[%dma_start3A_82, %dma_start3A_83] : memref<10240x128xf32, #tpu.memory_space<hbm>> -> memref<10240x128xf32, #tpu.memory_space<hbm>>
        tpu.enqueue_indirect_dma source(%dma_start3A_84 : memref<10240x128xf32, #tpu.memory_space<hbm>>) target(%arg7 : memref<128x128xf32, #tpu.memory_space<vmem>>) offsets(%dma_start3A_81 : memref<128xi32, #tpu.memory_space<vmem>>) semaphore(%arg10 : memref<!tpu.dma_semaphore, #tpu.memory_space<semaphore_mem>>)
      } else {
      }
      %dma_wait3A = arith.constant 0 : i32
      %dma_wait3A_51 = arith.constant 0 : i32
      %dma_wait3A_52 = tpu.memref_slice %arg5[%add3A_46, %dma_wait3A, %dma_wait3A_51] : memref<40x2x128xi32, #tpu.memory_space<vmem>> -> memref<1x1x128xi32, #tpu.memory_space<vmem>>
      %dma_wait3A_53 = tpu.memref_squeeze %dma_wait3A_52 : memref<1x1x128xi32, #tpu.memory_space<vmem>> -> memref<128xi32, #tpu.memory_space<vmem>>
      %dma_wait3A_54 = arith.constant 0 : i32
      %dma_wait3A_55 = arith.constant 0 : i32
      %dma_wait3A_56 = tpu.memref_slice %arg2[%dma_wait3A_54, %dma_wait3A_55] : memref<10240x128xf32, #tpu.memory_space<hbm>> -> memref<10240x128xf32, #tpu.memory_space<hbm>>
      tpu.wait_indirect_dma semaphore(%arg9 : memref<!tpu.dma_semaphore, #tpu.memory_space<semaphore_mem>>) src(%dma_wait3A_56 : memref<10240x128xf32, #tpu.memory_space<hbm>>) dst(%arg6 : memref<128x128xf32, #tpu.memory_space<vmem>>)
      %run_scoped3A = arith.constant 1 : i32
      "tpu.region"() ({
        %run_scoped3A_76 = tpu.sem_alloc : memref<!tpu.dma_semaphore, #tpu.memory_space<semaphore_mem>>
        %dma_start3A_77 = arith.constant 0 : i32
        %dma_start3A_78 = tpu.memref_slice %arg5[%add3A_46, %run_scoped3A, %dma_start3A_77] : memref<40x2x128xi32, #tpu.memory_space<vmem>> -> memref<1x1x128xi32, #tpu.memory_space<vmem>>
        %dma_start3A_79 = tpu.memref_squeeze %dma_start3A_78 : memref<1x1x128xi32, #tpu.memory_space<vmem>> -> memref<128xi32, #tpu.memory_space<vmem>>
        %dma_start3A_80 = arith.constant 0 : i32
        %dma_start3A_81 = arith.constant 0 : i32
        %dma_start3A_82 = tpu.memref_slice %arg8[%dma_start3A_80, %dma_start3A_81] : memref<10240x128xf32, #tpu.memory_space<vmem_shared>> -> memref<10240x128xf32, #tpu.memory_space<vmem_shared>>
        tpu.enqueue_indirect_dma source(%arg6 : memref<128x128xf32, #tpu.memory_space<vmem>>) target(%dma_start3A_82 : memref<10240x128xf32, #tpu.memory_space<vmem_shared>>) offsets(%dma_start3A_79 : memref<128xi32, #tpu.memory_space<vmem>>) semaphore(%run_scoped3A_76 : memref<!tpu.dma_semaphore, #tpu.memory_space<semaphore_mem>>) {add = true}
        %dma_wait3A_83 = arith.constant 0 : i32
        %dma_wait3A_84 = tpu.memref_slice %arg5[%add3A_46, %run_scoped3A, %dma_wait3A_83] : memref<40x2x128xi32, #tpu.memory_space<vmem>> -> memref<1x1x128xi32, #tpu.memory_space<vmem>>
        %dma_wait3A_85 = tpu.memref_squeeze %dma_wait3A_84 : memref<1x1x128xi32, #tpu.memory_space<vmem>> -> memref<128xi32, #tpu.memory_space<vmem>>
        %dma_wait3A_86 = arith.constant 0 : i32
        %dma_wait3A_87 = arith.constant 0 : i32
        %dma_wait3A_88 = tpu.memref_slice %arg8[%dma_wait3A_86, %dma_wait3A_87] : memref<10240x128xf32, #tpu.memory_space<vmem_shared>> -> memref<10240x128xf32, #tpu.memory_space<vmem_shared>>
        tpu.wait_indirect_dma semaphore(%run_scoped3A_76 : memref<!tpu.dma_semaphore, #tpu.memory_space<semaphore_mem>>) src(%arg6 : memref<128x128xf32, #tpu.memory_space<vmem>>) dst(%dma_wait3A_88 : memref<10240x128xf32, #tpu.memory_space<vmem_shared>>)
        tpu.yield
      }) : () -> ()
      %add3A_57 = arith.constant 2 : i32
      %add3A_58 = arith.addi %add3A_46, %add3A_57 : i32
      %lt3A_59 = arith.constant 40 : i32
      %lt3A_60 = arith.cmpi slt, %add3A_58, %lt3A_59 : i32
      %convert_element_type3A_61 = arith.extui %lt3A_60 : i1 to i32
      %cond3A_62 = arith.constant 0 : i32
      %cond3A_63 = arith.cmpi ne, %convert_element_type3A_61, %cond3A_62 : i32
      scf.if %cond3A_63 {
        %add3A_76 = arith.constant 2 : i32
        %add3A_77 = arith.addi %add3A_46, %add3A_76 : i32
        %dma_start3A_78 = arith.constant 0 : i32
        %dma_start3A_79 = arith.constant 0 : i32
        %dma_start3A_80 = tpu.memref_slice %arg5[%add3A_77, %dma_start3A_78, %dma_start3A_79] : memref<40x2x128xi32, #tpu.memory_space<vmem>> -> memref<1x1x128xi32, #tpu.memory_space<vmem>>
        %dma_start3A_81 = tpu.memref_squeeze %dma_start3A_80 : memref<1x1x128xi32, #tpu.memory_space<vmem>> -> memref<128xi32, #tpu.memory_space<vmem>>
        %dma_start3A_82 = arith.constant 0 : i32
        %dma_start3A_83 = arith.constant 0 : i32
        %dma_start3A_84 = tpu.memref_slice %arg2[%dma_start3A_82, %dma_start3A_83] : memref<10240x128xf32, #tpu.memory_space<hbm>> -> memref<10240x128xf32, #tpu.memory_space<hbm>>
        tpu.enqueue_indirect_dma source(%dma_start3A_84 : memref<10240x128xf32, #tpu.memory_space<hbm>>) target(%arg6 : memref<128x128xf32, #tpu.memory_space<vmem>>) offsets(%dma_start3A_81 : memref<128xi32, #tpu.memory_space<vmem>>) semaphore(%arg9 : memref<!tpu.dma_semaphore, #tpu.memory_space<semaphore_mem>>)
      } else {
      }
      %add3A_64 = arith.constant 1 : i32
      %add3A_65 = arith.addi %add3A_46, %add3A_64 : i32
      %dma_wait3A_66 = arith.constant 0 : i32
      %dma_wait3A_67 = arith.constant 0 : i32
      %dma_wait3A_68 = tpu.memref_slice %arg5[%add3A_65, %dma_wait3A_66, %dma_wait3A_67] : memref<40x2x128xi32, #tpu.memory_space<vmem>> -> memref<1x1x128xi32, #tpu.memory_space<vmem>>
      %dma_wait3A_69 = tpu.memref_squeeze %dma_wait3A_68 : memref<1x1x128xi32, #tpu.memory_space<vmem>> -> memref<128xi32, #tpu.memory_space<vmem>>
      %dma_wait3A_70 = arith.constant 0 : i32
      %dma_wait3A_71 = arith.constant 0 : i32
      %dma_wait3A_72 = tpu.memref_slice %arg2[%dma_wait3A_70, %dma_wait3A_71] : memref<10240x128xf32, #tpu.memory_space<hbm>> -> memref<10240x128xf32, #tpu.memory_space<hbm>>
      tpu.wait_indirect_dma semaphore(%arg10 : memref<!tpu.dma_semaphore, #tpu.memory_space<semaphore_mem>>) src(%dma_wait3A_72 : memref<10240x128xf32, #tpu.memory_space<hbm>>) dst(%arg7 : memref<128x128xf32, #tpu.memory_space<vmem>>)
      %add3A_73 = arith.constant 1 : i32
      %add3A_74 = arith.addi %add3A_46, %add3A_73 : i32
      %run_scoped3A_75 = arith.constant 1 : i32
      "tpu.region"() ({
        %run_scoped3A_76 = tpu.sem_alloc : memref<!tpu.dma_semaphore, #tpu.memory_space<semaphore_mem>>
        %dma_start3A_77 = arith.constant 0 : i32
        %dma_start3A_78 = tpu.memref_slice %arg5[%add3A_74, %run_scoped3A_75, %dma_start3A_77] : memref<40x2x128xi32, #tpu.memory_space<vmem>> -> memref<1x1x128xi32, #tpu.memory_space<vmem>>
        %dma_start3A_79 = tpu.memref_squeeze %dma_start3A_78 : memref<1x1x128xi32, #tpu.memory_space<vmem>> -> memref<128xi32, #tpu.memory_space<vmem>>
        %dma_start3A_80 = arith.constant 0 : i32
        %dma_start3A_81 = arith.constant 0 : i32
        %dma_start3A_82 = tpu.memref_slice %arg8[%dma_start3A_80, %dma_start3A_81] : memref<10240x128xf32, #tpu.memory_space<vmem_shared>> -> memref<10240x128xf32, #tpu.memory_space<vmem_shared>>
        tpu.enqueue_indirect_dma source(%arg7 : memref<128x128xf32, #tpu.memory_space<vmem>>) target(%dma_start3A_82 : memref<10240x128xf32, #tpu.memory_space<vmem_shared>>) offsets(%dma_start3A_79 : memref<128xi32, #tpu.memory_space<vmem>>) semaphore(%run_scoped3A_76 : memref<!tpu.dma_semaphore, #tpu.memory_space<semaphore_mem>>) {add = true}
        %dma_wait3A_83 = arith.constant 0 : i32
        %dma_wait3A_84 = tpu.memref_slice %arg5[%add3A_74, %run_scoped3A_75, %dma_wait3A_83] : memref<40x2x128xi32, #tpu.memory_space<vmem>> -> memref<1x1x128xi32, #tpu.memory_space<vmem>>
        %dma_wait3A_85 = tpu.memref_squeeze %dma_wait3A_84 : memref<1x1x128xi32, #tpu.memory_space<vmem>> -> memref<128xi32, #tpu.memory_space<vmem>>
        %dma_wait3A_86 = arith.constant 0 : i32
        %dma_wait3A_87 = arith.constant 0 : i32
        %dma_wait3A_88 = tpu.memref_slice %arg8[%dma_wait3A_86, %dma_wait3A_87] : memref<10240x128xf32, #tpu.memory_space<vmem_shared>> -> memref<10240x128xf32, #tpu.memory_space<vmem_shared>>
        tpu.wait_indirect_dma semaphore(%run_scoped3A_76 : memref<!tpu.dma_semaphore, #tpu.memory_space<semaphore_mem>>) src(%arg7 : memref<128x128xf32, #tpu.memory_space<vmem>>) dst(%dma_wait3A_88 : memref<10240x128xf32, #tpu.memory_space<vmem_shared>>)
        tpu.yield
      }) : () -> ()
    }
    %scan3A_19 = arith.constant 20 : i32
    %mul3A_20 = arith.constant 80 : i32
    %mul3A_21 = arith.muli %add3A, %mul3A_20 : i32
    %add3A_22 = arith.constant 40 : i32
    %add3A_23 = arith.addi %mul3A_21, %add3A_22 : i32
    "tpu.region"() ({
      %run_scoped3A = tpu.sem_alloc : memref<!tpu.dma_semaphore, #tpu.memory_space<semaphore_mem>>
      %dma_start3A_42 = arith.constant 0 : i32
      %dma_start3A_43 = arith.constant 0 : i32
      %dma_start3A_44 = tpu.memref_slice %arg3[%add3A_23, %dma_start3A_42, %dma_start3A_43] : memref<2560x2x128xi32, #tpu.memory_space<hbm>> -> memref<40x2x128xi32, #tpu.memory_space<hbm>>
      %dma_start3A_45 = arith.constant 0 : i32
      %dma_start3A_46 = arith.constant 0 : i32
      %dma_start3A_47 = tpu.memref_slice %arg3[%add3A_23, %dma_start3A_45, %dma_start3A_46] : memref<2560x2x128xi32, #tpu.memory_space<hbm>> -> memref<40x2x128xi32, #tpu.memory_space<hbm>>
      tpu.enqueue_dma source(%dma_start3A_47 : memref<40x2x128xi32, #tpu.memory_space<hbm>>) target(%arg5 : memref<40x2x128xi32, #tpu.memory_space<vmem>>) target_semaphore(%run_scoped3A : memref<!tpu.dma_semaphore, #tpu.memory_space<semaphore_mem>>)
      %dma_wait3A = arith.constant 0 : i32
      %dma_wait3A_48 = arith.constant 0 : i32
      %dma_wait3A_49 = tpu.memref_slice %arg3[%add3A_23, %dma_wait3A, %dma_wait3A_48] : memref<2560x2x128xi32, #tpu.memory_space<hbm>> -> memref<40x2x128xi32, #tpu.memory_space<hbm>>
      %dma_wait3A_50 = arith.constant 0 : i32
      %dma_wait3A_51 = arith.constant 0 : i32
      %dma_wait3A_52 = tpu.memref_slice %arg3[%add3A_23, %dma_wait3A_50, %dma_wait3A_51] : memref<2560x2x128xi32, #tpu.memory_space<hbm>> -> memref<40x2x128xi32, #tpu.memory_space<hbm>>
      tpu.wait_dma2 semaphore(%run_scoped3A : memref<!tpu.dma_semaphore, #tpu.memory_space<semaphore_mem>>) src(%dma_wait3A_52 : memref<40x2x128xi32, #tpu.memory_space<hbm>>) dst(%arg5 : memref<40x2x128xi32, #tpu.memory_space<vmem>>)
      tpu.yield
    }) : () -> ()
    %dma_start3A_24 = arith.constant 0 : i32
    %dma_start3A_25 = arith.constant 0 : i32
    %dma_start3A_26 = arith.constant 0 : i32
    %dma_start3A_27 = tpu.memref_slice %arg5[%dma_start3A_24, %dma_start3A_25, %dma_start3A_26] : memref<40x2x128xi32, #tpu.memory_space<vmem>> -> memref<1x1x128xi32, #tpu.memory_space<vmem>>
    %dma_start3A_28 = tpu.memref_squeeze %dma_start3A_27 : memref<1x1x128xi32, #tpu.memory_space<vmem>> -> memref<128xi32, #tpu.memory_space<vmem>>
    %dma_start3A_29 = arith.constant 0 : i32
    %dma_start3A_30 = arith.constant 0 : i32
    %dma_start3A_31 = tpu.memref_slice %arg2[%dma_start3A_29, %dma_start3A_30] : memref<10240x128xf32, #tpu.memory_space<hbm>> -> memref<10240x128xf32, #tpu.memory_space<hbm>>
    tpu.enqueue_indirect_dma source(%dma_start3A_31 : memref<10240x128xf32, #tpu.memory_space<hbm>>) target(%arg6 : memref<128x128xf32, #tpu.memory_space<vmem>>) offsets(%dma_start3A_28 : memref<128xi32, #tpu.memory_space<vmem>>) semaphore(%arg9 : memref<!tpu.dma_semaphore, #tpu.memory_space<semaphore_mem>>)
    %scan3A_32 = arith.constant 0 : i32
    %scan3A_33 = arith.constant 20 : i32
    %scan3A_34 = arith.addi %scan3A_32, %scan3A_33 : i32
    %scan3A_35 = arith.constant 1 : i32
    scf.for %scan3A_42 = %scan3A_32 to %scan3A_34 step %scan3A_35  : i32 {
      %mul3A_43 = arith.constant 2 : i32
      %mul3A_44 = arith.muli %scan3A_42, %mul3A_43 : i32
      %add3A_45 = arith.constant 0 : i32
      %add3A_46 = arith.addi %add3A_45, %mul3A_44 : i32
      %add3A_47 = arith.constant 1 : i32
      %add3A_48 = arith.addi %add3A_46, %add3A_47 : i32
      %lt3A = arith.constant 40 : i32
      %lt3A_49 = arith.cmpi slt, %add3A_48, %lt3A : i32
      %convert_element_type3A = arith.extui %lt3A_49 : i1 to i32
      %cond3A = arith.constant 0 : i32
      %cond3A_50 = arith.cmpi ne, %convert_element_type3A, %cond3A : i32
      scf.if %cond3A_50 {
        %add3A_76 = arith.constant 1 : i32
        %add3A_77 = arith.addi %add3A_46, %add3A_76 : i32
        %dma_start3A_78 = arith.constant 0 : i32
        %dma_start3A_79 = arith.constant 0 : i32
        %dma_start3A_80 = tpu.memref_slice %arg5[%add3A_77, %dma_start3A_78, %dma_start3A_79] : memref<40x2x128xi32, #tpu.memory_space<vmem>> -> memref<1x1x128xi32, #tpu.memory_space<vmem>>
        %dma_start3A_81 = tpu.memref_squeeze %dma_start3A_80 : memref<1x1x128xi32, #tpu.memory_space<vmem>> -> memref<128xi32, #tpu.memory_space<vmem>>
        %dma_start3A_82 = arith.constant 0 : i32
        %dma_start3A_83 = arith.constant 0 : i32
        %dma_start3A_84 = tpu.memref_slice %arg2[%dma_start3A_82, %dma_start3A_83] : memref<10240x128xf32, #tpu.memory_space<hbm>> -> memref<10240x128xf32, #tpu.memory_space<hbm>>
        tpu.enqueue_indirect_dma source(%dma_start3A_84 : memref<10240x128xf32, #tpu.memory_space<hbm>>) target(%arg7 : memref<128x128xf32, #tpu.memory_space<vmem>>) offsets(%dma_start3A_81 : memref<128xi32, #tpu.memory_space<vmem>>) semaphore(%arg10 : memref<!tpu.dma_semaphore, #tpu.memory_space<semaphore_mem>>)
      } else {
      }
      %dma_wait3A = arith.constant 0 : i32
      %dma_wait3A_51 = arith.constant 0 : i32
      %dma_wait3A_52 = tpu.memref_slice %arg5[%add3A_46, %dma_wait3A, %dma_wait3A_51] : memref<40x2x128xi32, #tpu.memory_space<vmem>> -> memref<1x1x128xi32, #tpu.memory_space<vmem>>
      %dma_wait3A_53 = tpu.memref_squeeze %dma_wait3A_52 : memref<1x1x128xi32, #tpu.memory_space<vmem>> -> memref<128xi32, #tpu.memory_space<vmem>>
      %dma_wait3A_54 = arith.constant 0 : i32
      %dma_wait3A_55 = arith.constant 0 : i32
      %dma_wait3A_56 = tpu.memref_slice %arg2[%dma_wait3A_54, %dma_wait3A_55] : memref<10240x128xf32, #tpu.memory_space<hbm>> -> memref<10240x128xf32, #tpu.memory_space<hbm>>
      tpu.wait_indirect_dma semaphore(%arg9 : memref<!tpu.dma_semaphore, #tpu.memory_space<semaphore_mem>>) src(%dma_wait3A_56 : memref<10240x128xf32, #tpu.memory_space<hbm>>) dst(%arg6 : memref<128x128xf32, #tpu.memory_space<vmem>>)
      %run_scoped3A = arith.constant 1 : i32
      "tpu.region"() ({
        %run_scoped3A_76 = tpu.sem_alloc : memref<!tpu.dma_semaphore, #tpu.memory_space<semaphore_mem>>
        %dma_start3A_77 = arith.constant 0 : i32
        %dma_start3A_78 = tpu.memref_slice %arg5[%add3A_46, %run_scoped3A, %dma_start3A_77] : memref<40x2x128xi32, #tpu.memory_space<vmem>> -> memref<1x1x128xi32, #tpu.memory_space<vmem>>
        %dma_start3A_79 = tpu.memref_squeeze %dma_start3A_78 : memref<1x1x128xi32, #tpu.memory_space<vmem>> -> memref<128xi32, #tpu.memory_space<vmem>>
        %dma_start3A_80 = arith.constant 0 : i32
        %dma_start3A_81 = arith.constant 0 : i32
        %dma_start3A_82 = tpu.memref_slice %arg8[%dma_start3A_80, %dma_start3A_81] : memref<10240x128xf32, #tpu.memory_space<vmem_shared>> -> memref<10240x128xf32, #tpu.memory_space<vmem_shared>>
        tpu.enqueue_indirect_dma source(%arg6 : memref<128x128xf32, #tpu.memory_space<vmem>>) target(%dma_start3A_82 : memref<10240x128xf32, #tpu.memory_space<vmem_shared>>) offsets(%dma_start3A_79 : memref<128xi32, #tpu.memory_space<vmem>>) semaphore(%run_scoped3A_76 : memref<!tpu.dma_semaphore, #tpu.memory_space<semaphore_mem>>) {add = true}
        %dma_wait3A_83 = arith.constant 0 : i32
        %dma_wait3A_84 = tpu.memref_slice %arg5[%add3A_46, %run_scoped3A, %dma_wait3A_83] : memref<40x2x128xi32, #tpu.memory_space<vmem>> -> memref<1x1x128xi32, #tpu.memory_space<vmem>>
        %dma_wait3A_85 = tpu.memref_squeeze %dma_wait3A_84 : memref<1x1x128xi32, #tpu.memory_space<vmem>> -> memref<128xi32, #tpu.memory_space<vmem>>
        %dma_wait3A_86 = arith.constant 0 : i32
        %dma_wait3A_87 = arith.constant 0 : i32
        %dma_wait3A_88 = tpu.memref_slice %arg8[%dma_wait3A_86, %dma_wait3A_87] : memref<10240x128xf32, #tpu.memory_space<vmem_shared>> -> memref<10240x128xf32, #tpu.memory_space<vmem_shared>>
        tpu.wait_indirect_dma semaphore(%run_scoped3A_76 : memref<!tpu.dma_semaphore, #tpu.memory_space<semaphore_mem>>) src(%arg6 : memref<128x128xf32, #tpu.memory_space<vmem>>) dst(%dma_wait3A_88 : memref<10240x128xf32, #tpu.memory_space<vmem_shared>>)
        tpu.yield
      }) : () -> ()
      %add3A_57 = arith.constant 2 : i32
      %add3A_58 = arith.addi %add3A_46, %add3A_57 : i32
      %lt3A_59 = arith.constant 40 : i32
      %lt3A_60 = arith.cmpi slt, %add3A_58, %lt3A_59 : i32
      %convert_element_type3A_61 = arith.extui %lt3A_60 : i1 to i32
      %cond3A_62 = arith.constant 0 : i32
      %cond3A_63 = arith.cmpi ne, %convert_element_type3A_61, %cond3A_62 : i32
      scf.if %cond3A_63 {
        %add3A_76 = arith.constant 2 : i32
        %add3A_77 = arith.addi %add3A_46, %add3A_76 : i32
        %dma_start3A_78 = arith.constant 0 : i32
        %dma_start3A_79 = arith.constant 0 : i32
        %dma_start3A_80 = tpu.memref_slice %arg5[%add3A_77, %dma_start3A_78, %dma_start3A_79] : memref<40x2x128xi32, #tpu.memory_space<vmem>> -> memref<1x1x128xi32, #tpu.memory_space<vmem>>
        %dma_start3A_81 = tpu.memref_squeeze %dma_start3A_80 : memref<1x1x128xi32, #tpu.memory_space<vmem>> -> memref<128xi32, #tpu.memory_space<vmem>>
        %dma_start3A_82 = arith.constant 0 : i32
        %dma_start3A_83 = arith.constant 0 : i32
        %dma_start3A_84 = tpu.memref_slice %arg2[%dma_start3A_82, %dma_start3A_83] : memref<10240x128xf32, #tpu.memory_space<hbm>> -> memref<10240x128xf32, #tpu.memory_space<hbm>>
        tpu.enqueue_indirect_dma source(%dma_start3A_84 : memref<10240x128xf32, #tpu.memory_space<hbm>>) target(%arg6 : memref<128x128xf32, #tpu.memory_space<vmem>>) offsets(%dma_start3A_81 : memref<128xi32, #tpu.memory_space<vmem>>) semaphore(%arg9 : memref<!tpu.dma_semaphore, #tpu.memory_space<semaphore_mem>>)
      } else {
      }
      %add3A_64 = arith.constant 1 : i32
      %add3A_65 = arith.addi %add3A_46, %add3A_64 : i32
      %dma_wait3A_66 = arith.constant 0 : i32
      %dma_wait3A_67 = arith.constant 0 : i32
      %dma_wait3A_68 = tpu.memref_slice %arg5[%add3A_65, %dma_wait3A_66, %dma_wait3A_67] : memref<40x2x128xi32, #tpu.memory_space<vmem>> -> memref<1x1x128xi32, #tpu.memory_space<vmem>>
      %dma_wait3A_69 = tpu.memref_squeeze %dma_wait3A_68 : memref<1x1x128xi32, #tpu.memory_space<vmem>> -> memref<128xi32, #tpu.memory_space<vmem>>
      %dma_wait3A_70 = arith.constant 0 : i32
      %dma_wait3A_71 = arith.constant 0 : i32
      %dma_wait3A_72 = tpu.memref_slice %arg2[%dma_wait3A_70, %dma_wait3A_71] : memref<10240x128xf32, #tpu.memory_space<hbm>> -> memref<10240x128xf32, #tpu.memory_space<hbm>>
      tpu.wait_indirect_dma semaphore(%arg10 : memref<!tpu.dma_semaphore, #tpu.memory_space<semaphore_mem>>) src(%dma_wait3A_72 : memref<10240x128xf32, #tpu.memory_space<hbm>>) dst(%arg7 : memref<128x128xf32, #tpu.memory_space<vmem>>)
      %add3A_73 = arith.constant 1 : i32
      %add3A_74 = arith.addi %add3A_46, %add3A_73 : i32
      %run_scoped3A_75 = arith.constant 1 : i32
      "tpu.region"() ({
        %run_scoped3A_76 = tpu.sem_alloc : memref<!tpu.dma_semaphore, #tpu.memory_space<semaphore_mem>>
        %dma_start3A_77 = arith.constant 0 : i32
        %dma_start3A_78 = tpu.memref_slice %arg5[%add3A_74, %run_scoped3A_75, %dma_start3A_77] : memref<40x2x128xi32, #tpu.memory_space<vmem>> -> memref<1x1x128xi32, #tpu.memory_space<vmem>>
        %dma_start3A_79 = tpu.memref_squeeze %dma_start3A_78 : memref<1x1x128xi32, #tpu.memory_space<vmem>> -> memref<128xi32, #tpu.memory_space<vmem>>
        %dma_start3A_80 = arith.constant 0 : i32
        %dma_start3A_81 = arith.constant 0 : i32
        %dma_start3A_82 = tpu.memref_slice %arg8[%dma_start3A_80, %dma_start3A_81] : memref<10240x128xf32, #tpu.memory_space<vmem_shared>> -> memref<10240x128xf32, #tpu.memory_space<vmem_shared>>
        tpu.enqueue_indirect_dma source(%arg7 : memref<128x128xf32, #tpu.memory_space<vmem>>) target(%dma_start3A_82 : memref<10240x128xf32, #tpu.memory_space<vmem_shared>>) offsets(%dma_start3A_79 : memref<128xi32, #tpu.memory_space<vmem>>) semaphore(%run_scoped3A_76 : memref<!tpu.dma_semaphore, #tpu.memory_space<semaphore_mem>>) {add = true}
        %dma_wait3A_83 = arith.constant 0 : i32
        %dma_wait3A_84 = tpu.memref_slice %arg5[%add3A_74, %run_scoped3A_75, %dma_wait3A_83] : memref<40x2x128xi32, #tpu.memory_space<vmem>> -> memref<1x1x128xi32, #tpu.memory_space<vmem>>
        %dma_wait3A_85 = tpu.memref_squeeze %dma_wait3A_84 : memref<1x1x128xi32, #tpu.memory_space<vmem>> -> memref<128xi32, #tpu.memory_space<vmem>>
        %dma_wait3A_86 = arith.constant 0 : i32
        %dma_wait3A_87 = arith.constant 0 : i32
        %dma_wait3A_88 = tpu.memref_slice %arg8[%dma_wait3A_86, %dma_wait3A_87] : memref<10240x128xf32, #tpu.memory_space<vmem_shared>> -> memref<10240x128xf32, #tpu.memory_space<vmem_shared>>
        tpu.wait_indirect_dma semaphore(%run_scoped3A_76 : memref<!tpu.dma_semaphore, #tpu.memory_space<semaphore_mem>>) src(%arg7 : memref<128x128xf32, #tpu.memory_space<vmem>>) dst(%dma_wait3A_88 : memref<10240x128xf32, #tpu.memory_space<vmem_shared>>)
        tpu.yield
      }) : () -> ()
    }
    %scan3A_36 = arith.constant 20 : i32
    %barrier3A_37 = arith.constant 0 : index
    tpu.barrier barrier_id(%barrier3A_37)
    %mul3A_38 = arith.constant 640 : i32
    %mul3A_39 = arith.muli %arg1, %mul3A_38 : i32
    %mul3A_40 = arith.constant 640 : i32
    %mul3A_41 = arith.muli %arg1, %mul3A_40 : i32
    "tpu.region"() ({
      %run_scoped3A = tpu.sem_alloc : memref<!tpu.dma_semaphore, #tpu.memory_space<semaphore_mem>>
      %dma_start3A_42 = arith.constant 0 : i32
      %dma_start3A_43 = tpu.memref_slice %arg4[%arg0, %mul3A_41, %dma_start3A_42] : memref<2x10240x128xf32, #tpu.memory_space<hbm>> -> memref<1x640x128xf32, #tpu.memory_space<hbm>>
      %dma_start3A_44 = tpu.memref_squeeze %dma_start3A_43 : memref<1x640x128xf32, #tpu.memory_space<hbm>> -> memref<640x128xf32, #tpu.memory_space<hbm>>
      %dma_start3A_45 = arith.constant 0 : i32
      %dma_start3A_46 = tpu.memref_slice %arg8[%mul3A_39, %dma_start3A_45] : memref<10240x128xf32, #tpu.memory_space<vmem_shared>> -> memref<640x128xf32, #tpu.memory_space<vmem_shared>>
      tpu.enqueue_dma source(%dma_start3A_46 : memref<640x128xf32, #tpu.memory_space<vmem_shared>>) target(%dma_start3A_44 : memref<640x128xf32, #tpu.memory_space<hbm>>) target_semaphore(%run_scoped3A : memref<!tpu.dma_semaphore, #tpu.memory_space<semaphore_mem>>)
      %dma_wait3A = arith.constant 0 : i32
      %dma_wait3A_47 = tpu.memref_slice %arg4[%arg0, %mul3A_41, %dma_wait3A] : memref<2x10240x128xf32, #tpu.memory_space<hbm>> -> memref<1x640x128xf32, #tpu.memory_space<hbm>>
      %dma_wait3A_48 = tpu.memref_squeeze %dma_wait3A_47 : memref<1x640x128xf32, #tpu.memory_space<hbm>> -> memref<640x128xf32, #tpu.memory_space<hbm>>
      %dma_wait3A_49 = arith.constant 0 : i32
      %dma_wait3A_50 = tpu.memref_slice %arg8[%mul3A_39, %dma_wait3A_49] : memref<10240x128xf32, #tpu.memory_space<vmem_shared>> -> memref<640x128xf32, #tpu.memory_space<vmem_shared>>
      tpu.wait_dma2 semaphore(%run_scoped3A : memref<!tpu.dma_semaphore, #tpu.memory_space<semaphore_mem>>) src(%dma_wait3A_50 : memref<640x128xf32, #tpu.memory_space<vmem_shared>>) dst(%dma_wait3A_48 : memref<640x128xf32, #tpu.memory_space<hbm>>)
      tpu.yield
    }) : () -> ()
    return
  }
}

module attributes {stable_mosaic.version = 14 : i64} {
  func.func @body(%arg0: i32, %arg1: memref<2x1024xf32, #tpu.memory_space<vmem>>, %arg2: memref<1024x128xf32, #tpu.memory_space<vmem>>, %arg3: memref<128x128xf32, #tpu.memory_space<vmem>>, %arg4: memref<1024x128xf32, #tpu.memory_space<vmem>>) attributes {dimension_semantics = [#tpu.dimension_semantics<arbitrary>], iteration_bounds = array<i64: 10>, scalar_prefetch = 0 : i64, scratch_operands = 0 : i64, tpu.core_type = #tpu.core_type<tc>, window_params = [{transform_indices = @transform_0, window_bounds = array<i64: 2, 1024>}, {transform_indices = @transform_1, window_bounds = array<i64: 1024, 128>}, {pipeline_mode = #tpu.pipeline_mode<synchronous>, transform_indices = @transform_2, window_bounds = array<i64: 128, 128>}, {transform_indices = @transform_3, window_bounds = array<i64: 1024, 128>}]} {
    %get3A = arith.constant 0 : index
    %get3A_0 = arith.constant 0 : index
    %get3A_1 = vector.load %arg1[%get3A, %get3A_0] : memref<2x1024xf32, #tpu.memory_space<vmem>>, vector<2x1024xf32>
    %slice3A = vector.extract_strided_slice %get3A_1 {offsets = [0, 0], sizes = [1, 1024], strides = [1, 1]} : vector<2x1024xf32> to vector<1x1024xf32>
    %squeeze3A = vector.shape_cast %slice3A : vector<1x1024xf32> to vector<1024xf32>
    %slice3A_2 = vector.extract_strided_slice %get3A_1 {offsets = [1, 0], sizes = [1, 1024], strides = [1, 1]} : vector<2x1024xf32> to vector<1x1024xf32>
    %squeeze3A_3 = vector.shape_cast %slice3A_2 : vector<1x1024xf32> to vector<1024xf32>
    %add3A = arith.addf %squeeze3A, %squeeze3A_3 : vector<1024xf32>
    %sub3A = arith.constant 1.000000e+00 : f32
    %sub3A_4 = vector.broadcast %sub3A : f32 to vector<1024xf32>
    %sub3A_5 = arith.subf %add3A, %sub3A_4 : vector<1024xf32>
    %rsqrt3A = math.rsqrt %sub3A_5 : vector<1024xf32>
    %get3A_6 = arith.constant 0 : index
    %get3A_7 = arith.constant 0 : index
    %get3A_8 = vector.load %arg2[%get3A_6, %get3A_7] : memref<1024x128xf32, #tpu.memory_space<vmem>>, vector<1024x128xf32>
    %get3A_9 = arith.constant 0 : index
    %get3A_10 = arith.constant 0 : index
    %get3A_11 = vector.load %arg3[%get3A_9, %get3A_10] : memref<128x128xf32, #tpu.memory_space<vmem>>, vector<128x128xf32>
    %dot_general3A = arith.constant dense<0.000000e+00> : vector<1024x128xf32>
    %dot_general3A_12 = tpu.matmul %get3A_8, %get3A_11, %dot_general3A {dimension_numbers = #tpu.dot_dimension_numbers<[1], [0], [0], [1], [0, 0, 1, 1], [], []>, transpose_lhs_hint = false} : vector<1024x128xf32>, vector<128x128xf32>, vector<1024x128xf32> -> vector<1024x128xf32>
    %broadcast_in_dim3A = vector.shape_cast %rsqrt3A : vector<1024xf32> to vector<1024x1xf32>
    %mul3A = vector.broadcast %broadcast_in_dim3A : vector<1024x1xf32> to vector<1024x128xf32>
    %mul3A_13 = arith.mulf %mul3A, %dot_general3A_12 : vector<1024x128xf32>
    %swap3A = arith.constant 0 : index
    %swap3A_14 = arith.constant 0 : index
    %swap3A_15 = vector.load %arg4[%swap3A, %swap3A_14] : memref<1024x128xf32, #tpu.memory_space<vmem>>, vector<1024x128xf32>
    tpu.vector_store %arg4[%swap3A, %swap3A_14], %mul3A_13 {strides = array<i32>} : memref<1024x128xf32, #tpu.memory_space<vmem>>, vector<1024x128xf32>,
    return
  }
  func.func @transform_0(%arg0: i32) -> (i32, i32) {
    %c0_i32 = arith.constant 0 : i32
    %c0_i32_0 = arith.constant 0 : i32
    return %c0_i32, %arg0 : i32, i32
  }
  func.func @transform_1(%arg0: i32) -> (i32, i32) {
    %c0_i32 = arith.constant 0 : i32
    %c0_i32_0 = arith.constant 0 : i32
    return %arg0, %c0_i32 : i32, i32
  }
  func.func @transform_2(%arg0: i32) -> (i32, i32) {
    %c0_i32 = arith.constant 0 : i32
    %c0_i32_0 = arith.constant 0 : i32
    %c0_i32_1 = arith.constant 0 : i32
    return %c0_i32, %c0_i32_0 : i32, i32
  }
  func.func @transform_3(%arg0: i32) -> (i32, i32) {
    %c0_i32 = arith.constant 0 : i32
    %c0_i32_0 = arith.constant 0 : i32
    return %arg0, %c0_i32 : i32, i32
  }
}

module attributes {stable_mosaic.version = 14 : i64} {
  func.func @body(%arg0: i32, %arg1: memref<2x1024x128xf32, #tpu.memory_space<vmem>>, %arg2: memref<1024x128xf32, #tpu.memory_space<vmem>>, %arg3: memref<2x1024xf32, #tpu.memory_space<vmem>>, %arg4: memref<1x128xf32, #tpu.memory_space<vmem>>, %arg5: memref<128x128xf32, #tpu.memory_space<vmem>>, %arg6: memref<1024x128xf32, #tpu.memory_space<vmem>>) attributes {dimension_semantics = [#tpu.dimension_semantics<arbitrary>], iteration_bounds = array<i64: 10>, scalar_prefetch = 0 : i64, scratch_operands = 0 : i64, tpu.core_type = #tpu.core_type<tc>, window_params = [{transform_indices = @transform_0, window_bounds = array<i64: 2, 1024, 128>}, {transform_indices = @transform_1, window_bounds = array<i64: 1024, 128>}, {transform_indices = @transform_2, window_bounds = array<i64: 2, 1024>}, {pipeline_mode = #tpu.pipeline_mode<synchronous>, transform_indices = @transform_3, window_bounds = array<i64: 1, 128>}, {pipeline_mode = #tpu.pipeline_mode<synchronous>, transform_indices = @transform_4, window_bounds = array<i64: 128, 128>}, {transform_indices = @transform_5, window_bounds = array<i64: 1024, 128>}]} {
    %get3A = arith.constant 0 : index
    %get3A_0 = arith.constant 0 : index
    %get3A_1 = vector.load %arg3[%get3A, %get3A_0] : memref<2x1024xf32, #tpu.memory_space<vmem>>, vector<2x1024xf32>
    %slice3A = vector.extract_strided_slice %get3A_1 {offsets = [0, 0], sizes = [1, 1024], strides = [1, 1]} : vector<2x1024xf32> to vector<1x1024xf32>
    %squeeze3A = vector.shape_cast %slice3A : vector<1x1024xf32> to vector<1024xf32>
    %slice3A_2 = vector.extract_strided_slice %get3A_1 {offsets = [1, 0], sizes = [1, 1024], strides = [1, 1]} : vector<2x1024xf32> to vector<1x1024xf32>
    %squeeze3A_3 = vector.shape_cast %slice3A_2 : vector<1x1024xf32> to vector<1024xf32>
    %add3A = arith.addf %squeeze3A, %squeeze3A_3 : vector<1024xf32>
    %sub3A = arith.constant 1.000000e+00 : f32
    %sub3A_4 = vector.broadcast %sub3A : f32 to vector<1024xf32>
    %sub3A_5 = arith.subf %add3A, %sub3A_4 : vector<1024xf32>
    %rsqrt3A = math.rsqrt %sub3A_5 : vector<1024xf32>
    %get3A_6 = arith.constant 0 : index
    %get3A_7 = arith.constant 0 : index
    %get3A_8 = arith.constant 0 : index
    %get3A_9 = vector.load %arg1[%get3A_6, %get3A_7, %get3A_8] : memref<2x1024x128xf32, #tpu.memory_space<vmem>>, vector<2x1024x128xf32>
    %broadcast_in_dim3A = vector.shape_cast %rsqrt3A : vector<1024xf32> to vector<1024x1xf32>
    %slice3A_10 = vector.extract_strided_slice %get3A_9 {offsets = [0, 0, 0], sizes = [1, 1024, 128], strides = [1, 1, 1]} : vector<2x1024x128xf32> to vector<1x1024x128xf32>
    %squeeze3A_11 = vector.shape_cast %slice3A_10 : vector<1x1024x128xf32> to vector<1024x128xf32>
    %slice3A_12 = vector.extract_strided_slice %get3A_9 {offsets = [1, 0, 0], sizes = [1, 1024, 128], strides = [1, 1, 1]} : vector<2x1024x128xf32> to vector<1x1024x128xf32>
    %squeeze3A_13 = vector.shape_cast %slice3A_12 : vector<1x1024x128xf32> to vector<1024x128xf32>
    %add3A_14 = arith.addf %squeeze3A_11, %squeeze3A_13 : vector<1024x128xf32>
    %get3A_15 = arith.constant 0 : index
    %get3A_16 = arith.constant 0 : index
    %get3A_17 = vector.load %arg2[%get3A_15, %get3A_16] : memref<1024x128xf32, #tpu.memory_space<vmem>>, vector<1024x128xf32>
    %sub3A_18 = arith.subf %add3A_14, %get3A_17 : vector<1024x128xf32>
    %mul3A = vector.broadcast %broadcast_in_dim3A : vector<1024x1xf32> to vector<1024x128xf32>
    %mul3A_19 = arith.mulf %mul3A, %sub3A_18 : vector<1024x128xf32>
    %get3A_20 = arith.constant 0 : index
    %get3A_21 = arith.constant 0 : index
    %get3A_22 = vector.load %arg4[%get3A_20, %get3A_21] : memref<1x128xf32, #tpu.memory_space<vmem>>, vector<1x128xf32>
    %add3A_23 = vector.broadcast %get3A_22 : vector<1x128xf32> to vector<1024x128xf32>
    %add3A_24 = arith.addf %mul3A_19, %add3A_23 : vector<1024x128xf32>
    %max3A = arith.constant 0.000000e+00 : f32
    %max3A_25 = vector.broadcast %max3A : f32 to vector<1024x128xf32>
    %max3A_26 = arith.maximumf %add3A_24, %max3A_25 : vector<1024x128xf32>
    %broadcast_in_dim3A_27 = vector.shape_cast %rsqrt3A : vector<1024xf32> to vector<1024x1xf32>
    %get3A_28 = arith.constant 0 : index
    %get3A_29 = arith.constant 0 : index
    %get3A_30 = vector.load %arg5[%get3A_28, %get3A_29] : memref<128x128xf32, #tpu.memory_space<vmem>>, vector<128x128xf32>
    %dot_general3A = arith.constant dense<0.000000e+00> : vector<1024x128xf32>
    %dot_general3A_31 = tpu.matmul %max3A_26, %get3A_30, %dot_general3A {dimension_numbers = #tpu.dot_dimension_numbers<[1], [0], [0], [1], [0, 0, 1, 1], [], []>, transpose_lhs_hint = false} : vector<1024x128xf32>, vector<128x128xf32>, vector<1024x128xf32> -> vector<1024x128xf32>
    %mul3A_32 = vector.broadcast %broadcast_in_dim3A_27 : vector<1024x1xf32> to vector<1024x128xf32>
    %mul3A_33 = arith.mulf %mul3A_32, %dot_general3A_31 : vector<1024x128xf32>
    %swap3A = arith.constant 0 : index
    %swap3A_34 = arith.constant 0 : index
    %swap3A_35 = vector.load %arg6[%swap3A, %swap3A_34] : memref<1024x128xf32, #tpu.memory_space<vmem>>, vector<1024x128xf32>
    tpu.vector_store %arg6[%swap3A, %swap3A_34], %mul3A_33 {strides = array<i32>} : memref<1024x128xf32, #tpu.memory_space<vmem>>, vector<1024x128xf32>,
    return
  }
  func.func @transform_0(%arg0: i32) -> (i32, i32, i32) {
    %c0_i32 = arith.constant 0 : i32
    %c0_i32_0 = arith.constant 0 : i32
    %c0_i32_1 = arith.constant 0 : i32
    return %c0_i32, %arg0, %c0_i32_0 : i32, i32, i32
  }
  func.func @transform_1(%arg0: i32) -> (i32, i32) {
    %c0_i32 = arith.constant 0 : i32
    %c0_i32_0 = arith.constant 0 : i32
    return %arg0, %c0_i32 : i32, i32
  }
  func.func @transform_2(%arg0: i32) -> (i32, i32) {
    %c0_i32 = arith.constant 0 : i32
    %c0_i32_0 = arith.constant 0 : i32
    return %c0_i32, %arg0 : i32, i32
  }
  func.func @transform_3(%arg0: i32) -> (i32, i32) {
    %c0_i32 = arith.constant 0 : i32
    %c0_i32_0 = arith.constant 0 : i32
    %c0_i32_1 = arith.constant 0 : i32
    return %c0_i32, %c0_i32_0 : i32, i32
  }
  func.func @transform_4(%arg0: i32) -> (i32, i32) {
    %c0_i32 = arith.constant 0 : i32
    %c0_i32_0 = arith.constant 0 : i32
    %c0_i32_1 = arith.constant 0 : i32
    return %c0_i32, %c0_i32_0 : i32, i32
  }
  func.func @transform_5(%arg0: i32) -> (i32, i32) {
    %c0_i32 = arith.constant 0 : i32
    %c0_i32_0 = arith.constant 0 : i32
    return %arg0, %c0_i32 : i32, i32
  }
}

module attributes {stable_mosaic.version = 14 : i64} {
  func.func @body(%arg0: i32, %arg1: memref<2x1024x128xf32, #tpu.memory_space<vmem>>, %arg2: memref<1024x128xf32, #tpu.memory_space<vmem>>, %arg3: memref<2x1024xf32, #tpu.memory_space<vmem>>, %arg4: memref<1x128xf32, #tpu.memory_space<vmem>>, %arg5: memref<128x128xf32, #tpu.memory_space<vmem>>, %arg6: memref<1024x128xf32, #tpu.memory_space<vmem>>) attributes {dimension_semantics = [#tpu.dimension_semantics<arbitrary>], iteration_bounds = array<i64: 10>, scalar_prefetch = 0 : i64, scratch_operands = 0 : i64, tpu.core_type = #tpu.core_type<tc>, window_params = [{transform_indices = @transform_0, window_bounds = array<i64: 2, 1024, 128>}, {transform_indices = @transform_1, window_bounds = array<i64: 1024, 128>}, {transform_indices = @transform_2, window_bounds = array<i64: 2, 1024>}, {pipeline_mode = #tpu.pipeline_mode<synchronous>, transform_indices = @transform_3, window_bounds = array<i64: 1, 128>}, {pipeline_mode = #tpu.pipeline_mode<synchronous>, transform_indices = @transform_4, window_bounds = array<i64: 128, 128>}, {transform_indices = @transform_5, window_bounds = array<i64: 1024, 128>}]} {
    %get3A = arith.constant 0 : index
    %get3A_0 = arith.constant 0 : index
    %get3A_1 = vector.load %arg3[%get3A, %get3A_0] : memref<2x1024xf32, #tpu.memory_space<vmem>>, vector<2x1024xf32>
    %slice3A = vector.extract_strided_slice %get3A_1 {offsets = [0, 0], sizes = [1, 1024], strides = [1, 1]} : vector<2x1024xf32> to vector<1x1024xf32>
    %squeeze3A = vector.shape_cast %slice3A : vector<1x1024xf32> to vector<1024xf32>
    %slice3A_2 = vector.extract_strided_slice %get3A_1 {offsets = [1, 0], sizes = [1, 1024], strides = [1, 1]} : vector<2x1024xf32> to vector<1x1024xf32>
    %squeeze3A_3 = vector.shape_cast %slice3A_2 : vector<1x1024xf32> to vector<1024xf32>
    %add3A = arith.addf %squeeze3A, %squeeze3A_3 : vector<1024xf32>
    %sub3A = arith.constant 1.000000e+00 : f32
    %sub3A_4 = vector.broadcast %sub3A : f32 to vector<1024xf32>
    %sub3A_5 = arith.subf %add3A, %sub3A_4 : vector<1024xf32>
    %rsqrt3A = math.rsqrt %sub3A_5 : vector<1024xf32>
    %get3A_6 = arith.constant 0 : index
    %get3A_7 = arith.constant 0 : index
    %get3A_8 = arith.constant 0 : index
    %get3A_9 = vector.load %arg1[%get3A_6, %get3A_7, %get3A_8] : memref<2x1024x128xf32, #tpu.memory_space<vmem>>, vector<2x1024x128xf32>
    %broadcast_in_dim3A = vector.shape_cast %rsqrt3A : vector<1024xf32> to vector<1024x1xf32>
    %slice3A_10 = vector.extract_strided_slice %get3A_9 {offsets = [0, 0, 0], sizes = [1, 1024, 128], strides = [1, 1, 1]} : vector<2x1024x128xf32> to vector<1x1024x128xf32>
    %squeeze3A_11 = vector.shape_cast %slice3A_10 : vector<1x1024x128xf32> to vector<1024x128xf32>
    %slice3A_12 = vector.extract_strided_slice %get3A_9 {offsets = [1, 0, 0], sizes = [1, 1024, 128], strides = [1, 1, 1]} : vector<2x1024x128xf32> to vector<1x1024x128xf32>
    %squeeze3A_13 = vector.shape_cast %slice3A_12 : vector<1x1024x128xf32> to vector<1024x128xf32>
    %add3A_14 = arith.addf %squeeze3A_11, %squeeze3A_13 : vector<1024x128xf32>
    %get3A_15 = arith.constant 0 : index
    %get3A_16 = arith.constant 0 : index
    %get3A_17 = vector.load %arg2[%get3A_15, %get3A_16] : memref<1024x128xf32, #tpu.memory_space<vmem>>, vector<1024x128xf32>
    %sub3A_18 = arith.subf %add3A_14, %get3A_17 : vector<1024x128xf32>
    %mul3A = vector.broadcast %broadcast_in_dim3A : vector<1024x1xf32> to vector<1024x128xf32>
    %mul3A_19 = arith.mulf %mul3A, %sub3A_18 : vector<1024x128xf32>
    %get3A_20 = arith.constant 0 : index
    %get3A_21 = arith.constant 0 : index
    %get3A_22 = vector.load %arg4[%get3A_20, %get3A_21] : memref<1x128xf32, #tpu.memory_space<vmem>>, vector<1x128xf32>
    %add3A_23 = vector.broadcast %get3A_22 : vector<1x128xf32> to vector<1024x128xf32>
    %add3A_24 = arith.addf %mul3A_19, %add3A_23 : vector<1024x128xf32>
    %broadcast_in_dim3A_25 = vector.shape_cast %rsqrt3A : vector<1024xf32> to vector<1024x1xf32>
    %get3A_26 = arith.constant 0 : index
    %get3A_27 = arith.constant 0 : index
    %get3A_28 = vector.load %arg5[%get3A_26, %get3A_27] : memref<128x128xf32, #tpu.memory_space<vmem>>, vector<128x128xf32>
    %dot_general3A = arith.constant dense<0.000000e+00> : vector<1024x128xf32>
    %dot_general3A_29 = tpu.matmul %add3A_24, %get3A_28, %dot_general3A {dimension_numbers = #tpu.dot_dimension_numbers<[1], [0], [0], [1], [0, 0, 1, 1], [], []>, transpose_lhs_hint = false} : vector<1024x128xf32>, vector<128x128xf32>, vector<1024x128xf32> -> vector<1024x128xf32>
    %mul3A_30 = vector.broadcast %broadcast_in_dim3A_25 : vector<1024x1xf32> to vector<1024x128xf32>
    %mul3A_31 = arith.mulf %mul3A_30, %dot_general3A_29 : vector<1024x128xf32>
    %swap3A = arith.constant 0 : index
    %swap3A_32 = arith.constant 0 : index
    %swap3A_33 = vector.load %arg6[%swap3A, %swap3A_32] : memref<1024x128xf32, #tpu.memory_space<vmem>>, vector<1024x128xf32>
    tpu.vector_store %arg6[%swap3A, %swap3A_32], %mul3A_31 {strides = array<i32>} : memref<1024x128xf32, #tpu.memory_space<vmem>>, vector<1024x128xf32>,
    return
  }
  func.func @transform_0(%arg0: i32) -> (i32, i32, i32) {
    %c0_i32 = arith.constant 0 : i32
    %c0_i32_0 = arith.constant 0 : i32
    %c0_i32_1 = arith.constant 0 : i32
    return %c0_i32, %arg0, %c0_i32_0 : i32, i32, i32
  }
  func.func @transform_1(%arg0: i32) -> (i32, i32) {
    %c0_i32 = arith.constant 0 : i32
    %c0_i32_0 = arith.constant 0 : i32
    return %arg0, %c0_i32 : i32, i32
  }
  func.func @transform_2(%arg0: i32) -> (i32, i32) {
    %c0_i32 = arith.constant 0 : i32
    %c0_i32_0 = arith.constant 0 : i32
    return %c0_i32, %arg0 : i32, i32
  }
  func.func @transform_3(%arg0: i32) -> (i32, i32) {
    %c0_i32 = arith.constant 0 : i32
    %c0_i32_0 = arith.constant 0 : i32
    %c0_i32_1 = arith.constant 0 : i32
    return %c0_i32, %c0_i32_0 : i32, i32
  }
  func.func @transform_4(%arg0: i32) -> (i32, i32) {
    %c0_i32 = arith.constant 0 : i32
    %c0_i32_0 = arith.constant 0 : i32
    %c0_i32_1 = arith.constant 0 : i32
    return %c0_i32, %c0_i32_0 : i32, i32
  }
  func.func @transform_5(%arg0: i32) -> (i32, i32) {
    %c0_i32 = arith.constant 0 : i32
    %c0_i32_0 = arith.constant 0 : i32
    return %arg0, %c0_i32 : i32, i32
  }
}

module attributes {stable_mosaic.version = 14 : i64} {
  func.func @body(%arg0: i32, %arg1: memref<2x1024x128xf32, #tpu.memory_space<vmem>>, %arg2: memref<1024x128xf32, #tpu.memory_space<vmem>>, %arg3: memref<2x1024xf32, #tpu.memory_space<vmem>>, %arg4: memref<1x128xf32, #tpu.memory_space<vmem>>, %arg5: memref<1x1024xi32, #tpu.memory_space<vmem>>, %arg6: memref<64x128xf32, #tpu.memory_space<vmem>>, %arg7: memref<64x128xf32, #tpu.memory_space<vmem>>, %arg8: memref<64x128xf32, #tpu.memory_space<vmem>>) attributes {dimension_semantics = [#tpu.dimension_semantics<arbitrary>], iteration_bounds = array<i64: 10>, scalar_prefetch = 0 : i64, scratch_operands = 2 : i64, tpu.core_type = #tpu.core_type<tc>, window_params = [{transform_indices = @transform_0, window_bounds = array<i64: 2, 1024, 128>}, {transform_indices = @transform_1, window_bounds = array<i64: 1024, 128>}, {transform_indices = @transform_2, window_bounds = array<i64: 2, 1024>}, {pipeline_mode = #tpu.pipeline_mode<synchronous>, transform_indices = @transform_3, window_bounds = array<i64: 1, 128>}, {transform_indices = @transform_4, window_bounds = array<i64: 1, 1024>}, {pipeline_mode = #tpu.pipeline_mode<synchronous>, transform_indices = @transform_5, window_bounds = array<i64: 64, 128>}]} {
    %get3A = arith.constant 0 : index
    %get3A_0 = arith.constant 0 : index
    %get3A_1 = vector.load %arg3[%get3A, %get3A_0] : memref<2x1024xf32, #tpu.memory_space<vmem>>, vector<2x1024xf32>
    %slice3A = vector.extract_strided_slice %get3A_1 {offsets = [0, 0], sizes = [1, 1024], strides = [1, 1]} : vector<2x1024xf32> to vector<1x1024xf32>
    %squeeze3A = vector.shape_cast %slice3A : vector<1x1024xf32> to vector<1024xf32>
    %slice3A_2 = vector.extract_strided_slice %get3A_1 {offsets = [1, 0], sizes = [1, 1024], strides = [1, 1]} : vector<2x1024xf32> to vector<1x1024xf32>
    %squeeze3A_3 = vector.shape_cast %slice3A_2 : vector<1x1024xf32> to vector<1024xf32>
    %add3A = arith.addf %squeeze3A, %squeeze3A_3 : vector<1024xf32>
    %sub3A = arith.constant 1.000000e+00 : f32
    %sub3A_4 = vector.broadcast %sub3A : f32 to vector<1024xf32>
    %sub3A_5 = arith.subf %add3A, %sub3A_4 : vector<1024xf32>
    %rsqrt3A = math.rsqrt %sub3A_5 : vector<1024xf32>
    %get3A_6 = arith.constant 0 : index
    %get3A_7 = arith.constant 0 : index
    %get3A_8 = arith.constant 0 : index
    %get3A_9 = vector.load %arg1[%get3A_6, %get3A_7, %get3A_8] : memref<2x1024x128xf32, #tpu.memory_space<vmem>>, vector<2x1024x128xf32>
    %broadcast_in_dim3A = vector.shape_cast %rsqrt3A : vector<1024xf32> to vector<1024x1xf32>
    %slice3A_10 = vector.extract_strided_slice %get3A_9 {offsets = [0, 0, 0], sizes = [1, 1024, 128], strides = [1, 1, 1]} : vector<2x1024x128xf32> to vector<1x1024x128xf32>
    %squeeze3A_11 = vector.shape_cast %slice3A_10 : vector<1x1024x128xf32> to vector<1024x128xf32>
    %slice3A_12 = vector.extract_strided_slice %get3A_9 {offsets = [1, 0, 0], sizes = [1, 1024, 128], strides = [1, 1, 1]} : vector<2x1024x128xf32> to vector<1x1024x128xf32>
    %squeeze3A_13 = vector.shape_cast %slice3A_12 : vector<1x1024x128xf32> to vector<1024x128xf32>
    %add3A_14 = arith.addf %squeeze3A_11, %squeeze3A_13 : vector<1024x128xf32>
    %get3A_15 = arith.constant 0 : index
    %get3A_16 = arith.constant 0 : index
    %get3A_17 = vector.load %arg2[%get3A_15, %get3A_16] : memref<1024x128xf32, #tpu.memory_space<vmem>>, vector<1024x128xf32>
    %sub3A_18 = arith.subf %add3A_14, %get3A_17 : vector<1024x128xf32>
    %mul3A = vector.broadcast %broadcast_in_dim3A : vector<1024x1xf32> to vector<1024x128xf32>
    %mul3A_19 = arith.mulf %mul3A, %sub3A_18 : vector<1024x128xf32>
    %get3A_20 = arith.constant 0 : index
    %get3A_21 = arith.constant 0 : index
    %get3A_22 = vector.load %arg4[%get3A_20, %get3A_21] : memref<1x128xf32, #tpu.memory_space<vmem>>, vector<1x128xf32>
    %add3A_23 = vector.broadcast %get3A_22 : vector<1x128xf32> to vector<1024x128xf32>
    %add3A_24 = arith.addf %mul3A_19, %add3A_23 : vector<1024x128xf32>
    %iota3A = tpu.iota {dimensions = array<i32: 0>} : vector<64x1xi32>
    %get3A_25 = arith.constant 0 : index
    %get3A_26 = arith.constant 0 : index
    %get3A_27 = vector.load %arg5[%get3A_25, %get3A_26] : memref<1x1024xi32, #tpu.memory_space<vmem>>, vector<1x1024xi32>
    %eq3A = vector.broadcast %get3A_27 : vector<1x1024xi32> to vector<64x1024xi32>
    %eq3A_28 = vector.broadcast %iota3A : vector<64x1xi32> to vector<64x1024xi32>
    %eq3A_29 = arith.cmpi eq, %eq3A, %eq3A_28 : vector<64x1024xi32>
    %convert_element_type3A = arith.extui %eq3A_29 : vector<64x1024xi1> to vector<64x1024xi32>
    %convert_element_type3A_30 = arith.sitofp %convert_element_type3A : vector<64x1024xi32> to vector<64x1024xf32>
    %dot_general3A = arith.constant dense<0.000000e+00> : vector<64x128xf32>
    %dot_general3A_31 = tpu.matmul %convert_element_type3A_30, %add3A_24, %dot_general3A {dimension_numbers = #tpu.dot_dimension_numbers<[1], [0], [0], [1], [0, 0, 1, 1], [], []>, transpose_lhs_hint = false} : vector<64x1024xf32>, vector<1024x128xf32>, vector<64x128xf32> -> vector<64x128xf32>
    %reduce_sum3A = arith.constant dense<0.000000e+00> : vector<64xf32>
    %reduce_sum3A_32 = vector.multi_reduction <add>, %convert_element_type3A_30, %reduce_sum3A [1] : vector<64x1024xf32> to vector<64xf32>
    %broadcast_in_dim3A_33 = vector.shape_cast %reduce_sum3A_32 : vector<64xf32> to vector<64x1xf32>
    %broadcast_in_dim3A_34 = vector.shape_cast %broadcast_in_dim3A_33 : vector<64x1xf32> to vector<64x1xf32>
    %broadcast_in_dim3A_35 = vector.broadcast %broadcast_in_dim3A_34 : vector<64x1xf32> to vector<64x128xf32>
    %eq3A_36 = arith.constant 0 : i32
    %eq3A_37 = arith.cmpi eq, %arg0, %eq3A_36 : i32
    %convert_element_type3A_38 = arith.extui %eq3A_37 : i1 to i32
    %cond3A = arith.constant 0 : i32
    %cond3A_39 = arith.cmpi ne, %convert_element_type3A_38, %cond3A : i32
    scf.if %cond3A_39 {
      %swap3A = arith.constant 0 : index
      %swap3A_49 = arith.constant 0 : index
      %swap3A_50 = vector.load %arg7[%swap3A, %swap3A_49] : memref<64x128xf32, #tpu.memory_space<vmem>>, vector<64x128xf32>
      tpu.vector_store %arg7[%swap3A, %swap3A_49], %dot_general3A_31 {strides = array<i32>} : memref<64x128xf32, #tpu.memory_space<vmem>>, vector<64x128xf32>,
      %swap3A_51 = arith.constant 0 : index
      %swap3A_52 = arith.constant 0 : index
      %swap3A_53 = vector.load %arg8[%swap3A_51, %swap3A_52] : memref<64x128xf32, #tpu.memory_space<vmem>>, vector<64x128xf32>
      tpu.vector_store %arg8[%swap3A_51, %swap3A_52], %broadcast_in_dim3A_35 {strides = array<i32>} : memref<64x128xf32, #tpu.memory_space<vmem>>, vector<64x128xf32>,
    } else {
    }
    %gt3A = arith.constant 0 : i32
    %gt3A_40 = arith.cmpi sgt, %arg0, %gt3A : i32
    %convert_element_type3A_41 = arith.extui %gt3A_40 : i1 to i32
    %cond3A_42 = arith.constant 0 : i32
    %cond3A_43 = arith.cmpi ne, %convert_element_type3A_41, %cond3A_42 : i32
    scf.if %cond3A_43 {
      %get3A_49 = arith.constant 0 : index
      %get3A_50 = arith.constant 0 : index
      %get3A_51 = vector.load %arg7[%get3A_49, %get3A_50] : memref<64x128xf32, #tpu.memory_space<vmem>>, vector<64x128xf32>
      %add3A_52 = arith.addf %get3A_51, %dot_general3A_31 : vector<64x128xf32>
      %swap3A = arith.constant 0 : index
      %swap3A_53 = arith.constant 0 : index
      %swap3A_54 = vector.load %arg7[%swap3A, %swap3A_53] : memref<64x128xf32, #tpu.memory_space<vmem>>, vector<64x128xf32>
      tpu.vector_store %arg7[%swap3A, %swap3A_53], %add3A_52 {strides = array<i32>} : memref<64x128xf32, #tpu.memory_space<vmem>>, vector<64x128xf32>,
      %get3A_55 = arith.constant 0 : index
      %get3A_56 = arith.constant 0 : index
      %get3A_57 = vector.load %arg8[%get3A_55, %get3A_56] : memref<64x128xf32, #tpu.memory_space<vmem>>, vector<64x128xf32>
      %add3A_58 = arith.addf %get3A_57, %broadcast_in_dim3A_35 : vector<64x128xf32>
      %swap3A_59 = arith.constant 0 : index
      %swap3A_60 = arith.constant 0 : index
      %swap3A_61 = vector.load %arg8[%swap3A_59, %swap3A_60] : memref<64x128xf32, #tpu.memory_space<vmem>>, vector<64x128xf32>
      tpu.vector_store %arg8[%swap3A_59, %swap3A_60], %add3A_58 {strides = array<i32>} : memref<64x128xf32, #tpu.memory_space<vmem>>, vector<64x128xf32>,
    } else {
    }
    %eq3A_44 = arith.constant 9 : i32
    %eq3A_45 = arith.cmpi eq, %arg0, %eq3A_44 : i32
    %convert_element_type3A_46 = arith.extui %eq3A_45 : i1 to i32
    %cond3A_47 = arith.constant 0 : i32
    %cond3A_48 = arith.cmpi ne, %convert_element_type3A_46, %cond3A_47 : i32
    scf.if %cond3A_48 {
      %get3A_49 = arith.constant 0 : index
      %get3A_50 = arith.constant 0 : index
      %get3A_51 = vector.load %arg7[%get3A_49, %get3A_50] : memref<64x128xf32, #tpu.memory_space<vmem>>, vector<64x128xf32>
      %get3A_52 = arith.constant 0 : index
      %get3A_53 = arith.constant 0 : index
      %get3A_54 = vector.load %arg8[%get3A_52, %get3A_53] : memref<64x128xf32, #tpu.memory_space<vmem>>, vector<64x128xf32>
      %max3A = arith.constant 1.000000e+00 : f32
      %max3A_55 = vector.broadcast %max3A : f32 to vector<64x128xf32>
      %max3A_56 = arith.maximumf %get3A_54, %max3A_55 : vector<64x128xf32>
      %div3A = arith.divf %get3A_51, %max3A_56 : vector<64x128xf32>
      %swap3A = arith.constant 0 : index
      %swap3A_57 = arith.constant 0 : index
      %swap3A_58 = vector.load %arg6[%swap3A, %swap3A_57] : memref<64x128xf32, #tpu.memory_space<vmem>>, vector<64x128xf32>
      tpu.vector_store %arg6[%swap3A, %swap3A_57], %div3A {strides = array<i32>} : memref<64x128xf32, #tpu.memory_space<vmem>>, vector<64x128xf32>,
    } else {
    }
    return
  }
  func.func @transform_0(%arg0: i32) -> (i32, i32, i32) {
    %c0_i32 = arith.constant 0 : i32
    %c0_i32_0 = arith.constant 0 : i32
    %c0_i32_1 = arith.constant 0 : i32
    return %c0_i32, %arg0, %c0_i32_0 : i32, i32, i32
  }
  func.func @transform_1(%arg0: i32) -> (i32, i32) {
    %c0_i32 = arith.constant 0 : i32
    %c0_i32_0 = arith.constant 0 : i32
    return %arg0, %c0_i32 : i32, i32
  }
  func.func @transform_2(%arg0: i32) -> (i32, i32) {
    %c0_i32 = arith.constant 0 : i32
    %c0_i32_0 = arith.constant 0 : i32
    return %c0_i32, %arg0 : i32, i32
  }
  func.func @transform_3(%arg0: i32) -> (i32, i32) {
    %c0_i32 = arith.constant 0 : i32
    %c0_i32_0 = arith.constant 0 : i32
    %c0_i32_1 = arith.constant 0 : i32
    return %c0_i32, %c0_i32_0 : i32, i32
  }
  func.func @transform_4(%arg0: i32) -> (i32, i32) {
    %c0_i32 = arith.constant 0 : i32
    %c0_i32_0 = arith.constant 0 : i32
    return %c0_i32, %arg0 : i32, i32
  }
  func.func @transform_5(%arg0: i32) -> (i32, i32) {
    %c0_i32 = arith.constant 0 : i32
    %c0_i32_0 = arith.constant 0 : i32
    %c0_i32_1 = arith.constant 0 : i32
    return %c0_i32, %c0_i32_0 : i32, i32
  }
}

</mosaic_0001>

<sc_bundles>
// kernel: kernel.10.cloned.1.call-start
scs
__scs_entry_jumppad:
0x0: {  	(pc) =	sbr.rel $0x88, $3  }
0x1: {  	(tag) =	ssettag $0x0;
	lr =	simm.s32 $0x1  }
0x2: {  	[smem:$0x3F98] =	sst lr;
	_ =	strace $0xD0000000  }
0x3: {  	_ = 	snop  }
0x4: {  	_ = 	snop  }
0x5: {  	_ = 	snop  }
0x6: {  	_ = 	snop  }
0x7: {  	_ = 	snop  }
__scs_overlays_trampoline_lowered:
0x8: {  	[smem:$0x3FA7] =	sst s0  }
0x9: {  	[smem:$0x3FA8] =	sst s1  }
0xa: {  	[smem:$0x3FA9] =	sst s2  }
0xb: {  	[smem:$0x3FAA] =	sst s3  }
0xc: {  	[smem:$0x3FAB] =	sst s4  }
0xd: {  	[smem:$0x3FAC] =	sst s5  }
0xe: {  	[smem:$0x3FAD] =	sst s6  }
0xf: {  	[smem:$0x3FAE] =	sst s7  }
0x10: {  	[smem:$0x3FAF] =	sst s8  }
0x11: {  	[smem:$0x3FB0] =	sst s9;
	s0 =	simm.s32 @!p0 $0x0  }
0x12: {  	s1 =	sld [smem:$0x3F96];
	s0 =	simm.s32 @p0 $0x1  }
0x13: {  	[smem:$0x3FB1] =	sst s0;
	s0 =	simm.s32 @!p1 $0x0  }
0x14: {  	s2 =	sld [smem:$0x3F95];
	s0 =	simm.s32 @p1 $0x1  }
0x15: {  	[smem:$0x3FB2] =	sst s0;
	s0 =	simm.s32 @!p2 $0x0  }
0x16: {  	s3 =	sld [smem:$0x3FDB];
	s0 =	simm.s32 @p2 $0x1  }
0x17: {  	s4 =	simm.s32 $0x1BF5;
	[smem:$0x3FB4] =	sst s0  }
0x18: {  	s0 =	sld [smem:$0x3F97];
	_ =	swait.ge [sflag:s4], $0x0  }
0x19: {  	s7 =	sld [smem:$0x3F98]  }
0x1a: {  	s8 =	sadd.s32 $0xFFFFE003, lr  }
0x1b: {  	s9 =	sadd.s32 $0xFFFFFEF7, lr;
	s5 =	simm.s32 $0xFFFFFFFF;
	p2 =	slt.u32 s8, $0xFFFFF086  }
0x1c: {  	p1 =	slt.u32 s9, $0xF7A;
	s5 =	simm.s32 @!p2 $0x0  }
0x1d: {  	s5 =	simm.s32 @p1 $0x1;
	p0 =	seq.s32 s7, s2  }
0x1e: {  	s7 =	smul.u32 @!p0 $0xF7A, s2;
	p2 =	seq.s32 @!p0 s5, $0x0  }
0x1f: {  	s9 =	smul.u32 $0xF7A, s1;
	s8 =	simm.s32 @!p0 $0x1BF5;
	p2 =	por !p2, p0  }
0x20: {  	[sflag:s8] =	ssyncset.s32 @!p0 $0xFFFFF086;
	s6 =	sadd.s32 @!p0 s3, s7;
	s7 =	simm.s32 @!p0 $0x108  }
0x21: {  	s3 =	sadd.s32 s3, s9;
	s6 =	sadd.s32 @!p0 $0x88, s6;
	s7 =	simm.s32 @p2 $0x1082  }
0x22: {  	[simem:s7], [sflag:s8] =	dma.local @!p0 [hbm:s6], $0xF7A  }
0x23: {  	s9 =	sor.u32 $0xD0000000, s2;
	s6 =	simm.s32 $0x108;
	_ =	swait.ge @!p0 [sflag:s8], $0x0  }
0x24: {  	s3 =	sadd.s32 $0x88, s3;
	s6 =	simm.s32 @!p1 $0x1082;
	[sflag:s4] =	ssyncset.s32 $0xFFFFF086  }
0x25: {  	[simem:s6], [sflag:s4] =	dma.local [hbm:s3], $0xF7A  }
0x26: {  	[smem:$0x3F98] =	sst s1;
	(tag) =	ssettag s2;
	_ =	strace s9  }
0x27: {  	s1 =	sld [smem:$0x3FA8]  }
0x28: {  	s2 =	sld [smem:$0x3FA9]  }
0x29: {  	s4 =	sld [smem:$0x3FAB]  }
0x2a: {  	p0 =	seq.s32 s5, $0x0;
	s5 =	sld [smem:$0x3FAC]  }
0x2b: {  	s6 =	sld [smem:$0x3FAD]  }
0x2c: {  	s7 =	sld [smem:$0x3FAE]  }
0x2d: {  	s3 =	simm.s32 $0x108;
	s8 =	sld [smem:$0x3FAF]  }
0x2e: {  	s3 =	simm.s32 @!p0 $0x1082;
	s9 =	sld [smem:$0x3FB0]  }
0x2f: {  	lr =	sadd.s32 s0, s3;
	s0 =	sld [smem:$0x3FA7]  }
0x30: {  	s3 =	sld [smem:$0x3FAA]  }
0x31: {  	[smem:$0x3FB3] =	sst s10  }
0x32: {  	s10 =	sld [smem:$0x3FB1];
	_ =	sdelay $0x3  }
0x33: {  	p0 =	seq.s32 s10, $0x1;
	s10 =	sld [smem:$0x3FB3];
	_ =	sdelay $0x3  }
0x34: {  	[smem:$0x3FB3] =	sst s10  }
0x35: {  	s10 =	sld [smem:$0x3FB2];
	_ =	sdelay $0x3  }
0x36: {  	p1 =	seq.s32 s10, $0x1;
	s10 =	sld [smem:$0x3FB3];
	_ =	sdelay $0x3  }
0x37: {  	[smem:$0x3FB3] =	sst s10  }
0x38: {  	s10 =	sld [smem:$0x3FB4]  }
0x39: {  	_ = 	snop;
	(pc) =	sbr.ind lr, $3  }
0x3a: {  	_ = 	snop  }
0x3b: {  	_ = 	snop  }
0x3c: {  	p2 =	seq.s32 s10, $0x1;
	s10 =	sld [smem:$0x3FB3]  }
0x3d: {  	_ =	shalt  }
0x3e: {  	_ =	shalt  }
0x3f: {  	_ =	shalt  }
0x40: {  	_ =	shalt  }
0x41: {  	_ =	shalt  }
0x42: {  	_ =	shalt  }
0x43: {  	_ =	shalt  }
0x44: {  	_ =	shalt  }
0x45: {  	_ =	shalt  }
0x46: {  	_ =	shalt  }
0x47: {  	_ =	shalt  }
0x48: {  	_ =	shalt  }
0x49: {  	_ =	shalt  }
0x4a: {  	_ =	shalt  }
0x4b: {  	_ =	shalt  }
0x4c: {  	_ =	shalt  }
0x4d: {  	_ =	shalt  }
0x4e: {  	_ =	shalt  }
0x4f: {  	_ =	shalt  }
0x50: {  	_ =	shalt  }
0x51: {  	_ =	shalt  }
0x52: {  	_ =	shalt  }
0x53: {  	_ =	shalt  }
0x54: {  	_ =	shalt  }
0x55: {  	_ =	shalt  }
0x56: {  	_ =	shalt  }
0x57: {  	_ =	shalt  }
0x58: {  	_ =	shalt  }
0x59: {  	_ =	shalt  }
0x5a: {  	_ =	shalt  }
0x5b: {  	_ =	shalt  }
0x5c: {  	_ =	shalt  }
0x5d: {  	_ =	shalt  }
0x5e: {  	_ =	shalt  }
0x5f: {  	_ =	shalt  }
0x60: {  	_ =	shalt  }
0x61: {  	_ =	shalt  }
0x62: {  	_ =	shalt  }
0x63: {  	_ =	shalt  }
0x64: {  	_ =	shalt  }
0x65: {  	_ =	shalt  }
0x66: {  	_ =	shalt  }
0x67: {  	_ =	shalt  }
0x68: {  	_ =	shalt  }
0x69: {  	_ =	shalt  }
0x6a: {  	_ =	shalt  }
0x6b: {  	_ =	shalt  }
0x6c: {  	_ =	shalt  }
0x6d: {  	_ =	shalt  }
0x6e: {  	_ =	shalt  }
0x6f: {  	_ =	shalt  }
0x70: {  	_ =	shalt  }
0x71: {  	_ =	shalt  }
0x72: {  	_ =	shalt  }
0x73: {  	_ =	shalt  }
0x74: {  	_ =	shalt  }
0x75: {  	_ =	shalt  }
0x76: {  	_ =	shalt  }
0x77: {  	_ =	shalt  }
0x78: {  	_ =	shalt  }
0x79: {  	_ =	shalt  }
0x7a: {  	_ =	shalt  }
0x7b: {  	_ =	shalt  }
0x7c: {  	_ =	shalt  }
0x7d: {  	_ =	shalt  }
0x7e: {  	_ =	shalt  }
0x7f: {  	_ =	shalt  }
0x80: {  	_ =	shalt  }
0x81: {  	_ =	shalt  }
0x82: {  	_ =	shalt  }
0x83: {  	_ =	shalt  }
0x84: {  	_ =	shalt  }
0x85: {  	_ =	shalt  }
0x86: {  	_ =	shalt  }
0x87: {  	_ =	shalt  }
.Lfunc_end0:
.L_simem_size_0:
called_computation_lowered:
.L_overlay_start_0:
0x88: {  	s2 =	sld [smem:$0x3FD9]  }
0x89: {  	s3 =	sld [smem:$0x3FFE];
	_ =	sdelay $0x1  }
0x8a: {  	s1 =	srdreg.scid  }
0x8b: {  	s0 =	sand.u32 $0x1, s1  }
0x8c: {  	s16 =	sshll.u32 s0, $0xA;
	s2 =	sadd.s32 s3, s2  }
0x8d: {  	s2 =	sadd.s32 s2, s16  }
0x8e: {  	[smem:$0x3FBF] =	sst s2  }
0x8f: {  	_ = 	snop  }
0x90: {  	(tm) =	ssettm $0x1  }
0x91: {  	s17 =	sld [smem:$0x3FFB];
	_ =	sdelay $0x3  }
0x92: {  	_ =	strace s17  }
0x93: {  	s2 =	sld [smem:$0x3FFC];
	_ =	sdelay $0x3  }
0x94: {  	_ =	strace s2  }
0x95: {  	s2 =	sld [smem:$0x3FFD];
	_ =	sdelay $0x3  }
0x96: {  	_ =	strace s2  }
0x97: {  	_ =	strace $0x8FFFFFFF  }
0x98: {  	s18 =	sld [smem:$0x3FDB];
	_ =	sdelay $0x1  }
0x99: {  	s19 =	simm.s32 $_scs_section_size  }
0x9a: {  	s4 =	simm.s32 $_size__tile_overlayer_lowered;
	s5 =	simm.s32 $_tile_overlayer_lowered  }
0x9b: {  	s22 =	simm.s32 $0x1BFF;
	s21 =	sshll.u32 s5, $0x1;
	s2 =	sadd.s32 s19, s18  }
0x9c: {  	s6 =	simm.s32 $0x0;
	s20 =	sshll.u32 s4, $0x1;
	s4 =	sadd.s32 s21, s2  }
0x9d: {  	[timem:s6], [sflag:s22] =	dma.local [hbm:s4], s20  }
0x9e: {  	_ =	swait.ge [sflag:s22], s20  }
0x9f: {  	s3 =	ssub.s32 $0x0, s20;
	[sflag:s22] =	ssyncset.done $0x0  }
0xa0: {  	[sflag:s22] =	ssyncadd.s32 s3;
	_ =	sdelay $0x1  }
0xa1: {  	s23 =	simm.s32 $0x1B8B  }
0xa2: {  	_ =	swait.ge [sflag:s23], $0x1  }
0xa3: {  	[sflag:s23] =	ssyncset.done $0x0  }
0xa4: {  	s25 =	simm.s32 $0x1B8E;
	s24 =	sld [smem:$0x3FFE];
	[sflag:s23] =	ssyncadd.s32 $0xFFFFFFFF  }
0xa5: {  	s26 =	simm.s32 $execute0_lowered;
	[smem:$0x3FD2] =	sst s25  }
0xa6: {  	s4 =	sshll.u32 s26, $0x1;
	_ =	strace $0x80000046;
	[dreg:$0x1] =	wrdreg $0xFFFFFFFF  }
0xa7: {  	s28 =	simm.s32 $_size_execute0_lowered;
	s2 =	sadd.s32 s2, s4;
	[dreg:$0x0] =	wrdreg $0x0  }
0xa8: {  	s4 =	sshll.u32 s28, $0x1;
	[dreg:$0x2] =	wrdreg s2  }
0xa9: {  	[dreg:$0x3] =	wrdreg s4  }
0xaa: {  	[dreg:$0x4] =	wrdreg $0xC0  }
0xab: {  	_ =	task [dreg:s6], $0x5FFFF  }
0xac: {  	[dreg:$0x1] =	wrdreg $0xFFFFFFFF  }
0xad: {  	[dreg:$0x0] =	wrdreg $0x60  }
0xae: {  	[dreg:$0x2] =	wrdreg s24  }
0xaf: {  	[dreg:$0x3] =	wrdreg $0x50800  }
0xb0: {  	[dreg:$0x4] =	wrdreg $0x9  }
0xb1: {  	_ =	task.clear_ibuf [dreg:s6], $0x5FFFF;
	_ =	strace $0x90000046  }
0xb2: {  	s29 =	simm.s32 $0x9;
	_ =	strace $0x80000048  }
0xb3: {  	_ =	swait.ge [sflag:s29], $0x1  }
0xb4: {  	[sflag:s29] =	ssyncadd.s32 $0xFFFFFFFF  }
0xb5: {  	_ =	strace $0x90000048  }
0xb6: {  	_ =	sfence  }
0xb7: {  	s30 =	sld [smem:$0x0];
	_ =	sdelay $0x2  }
0xb8: {  	s31 =	sshll.u32 s1, $0xD;
	s1 =	sshrl.u32 s1, $0x2  }
0xb9: {  	s3 =	sand.u32 $0x4000, s31;
	s1 =	sadd.s32 s1, s30  }
0xba: {  	s0 =	sor.u32 s3, s0;
	s1 =	sshll.u32 s1, $0x11  }
0xbb: {  	s0 =	sor.u32 s1, s0  }
0xbc: {  	s0 =	sadd.s32 $0x8F2B, s0  }
0xbd: {  	[sflag:s0] =	ssyncadd.remote.s32 $0x1  }
0xbe: {  	_ =	sfence.sel $0xFFFF  }
0xbf: {  	[dreg:$0x0] =	wrdreg $0xFFFFFFFF;
	(pc) =	sbr.abs _section_cstart, $3  }
0xc0: {  	[dreg:$0x1] =	wrdreg $0xFFFFFFFF  }
0xc1: {  	_ =	task.clear_ibuf [dreg:s6], $0x2FFFF;
	_ =	strace $0x9FFFFFFF  }
0xc2: {  	(tm) =	ssettm $0x7FFFFFFF  }
0xc3: {  	_ =	shalt  }
tec
execute0_lowered:
.L_overlay_start_1:
0x0: {  	(tag) =	ssettag $0x1  }
0x1: {  	s0 =	srdreg.scid;
	s5 =	rddreg [dreg:$0x0]  }
0x2: {  	s2 =	rddreg [dreg:$0x1];
	s3 =	simm.s32 $0x0;
	s14 =	simm.s32 $0x20  }
0x3: {  	s15 =	simm.s32 $0x10;
	s16 =	simm.s32 $0x0;
	s4 =	sand.u32 $0x1, s0  }
0x4: {  	s0 =	stileid.u32;
	[smem:$0x7FF] =	sst s3;
	s1 =	sshll.u32 s4, $0x4  }
0x5: {  	s7 =	smul.u32 $0x500, s0;
	s8 =	sshll.u32 s4, $0x7;
	s28 =	ssub.s32 $0x2, s4  }
0x6: {  	s10 =	smul.u32 $0x280, s0;
	s4 =	sadd.s32 $0x17A00, s5;
	s31 =	sshll.u32 s0, $0x6  }
0x7: {  	s6 =	sor.u32 s0, s1;
	s1 =	rddreg [dreg:$0x2];
	_ =	strace $0x80000047  }
0x8: {  	s29 =	sshrl.u32 s28, $0x1;
	s6 =	smul.u32 $0xA00, s6;
	s26 =	sor.u32 s8, s7  }
0x9: {  	s12 =	ssub.s32 s28, s29;
	s13 =	sadd.s32 s10, s2;
	s30 =	sshrl.u32 s10, $0x3  }
0xa: {  	s10 =	sshrl.u32 s13, $0x3;
	s9 =	sadd.s32 s6, s5;
	s6 =	sshrl.u32 s26, $0x3  }
0xb: {  	s13 =	simm.s32 $0x80;
	s11 =	sadd.s32 s6, s5;
	s5 =	sadd.s32 s4, s30  }
0xc: {  	s6 =	sor.u32 $0x1C01, s31;
	s7 =	sadd.s32 $0x3A00, s9;
	s9 =	smax.u32 s12, $0x1  }
0xd: {  	s12 =	simm.s32 $0x5000;
	s8 =	sadd.s32 $0x18000, s11;
	s11 =	simm.s32 $0x1  }
.LBB2_1:
0xe: {  	[spmem:s10], [sflag:s6] =	dma.local [hbm:s5], $0x50  }
0xf: {  	_ =	swait.ge [sflag:s11], $0x50  }
0x10: {  	[sflag:s11] =	ssyncset.done $0x0  }
0x11: {  	[sflag:s11] =	ssyncadd.s32 $0xFFFFFFB0  }
0x12: {  	[tilespmem:s12], [sflag:$0x1] =	stream.linear.gather [hbm4b:s4+s3], $0x80, $0x38;
	[tilespmem:$0x5300] =	vst v63  }
0x13: {  	_ =	swait.ge [sflag:s11], $0x80  }
0x14: {  	[sflag:s11] =	ssyncset.done $0x0  }
0x15: {  	[sflag:s11] =	ssyncadd.s32 $0xFFFFFF80  }
0x16: {  	[tilespmem:s3], [sflag:$0x1] =	stream.linear.gather [hbm4b:s7+s3], $0x5000, $0x38;
	[tilespmem:$0x5300] =	vst v63  }
0x17: {  	_ =	swait.ge [sflag:s11], $0x5000  }
0x18: {  	[sflag:s11] =	ssyncset.done $0x0  }
0x19: {  	[sflag:s11] =	ssyncadd.s32 $0xFFFFB000  }
0x1a: {  	s17 =	simm.s32 $0x80;
	[bflag:$0x0] =	sbarrier.arrive $0xFFFF  }
0x1b: {  	[spmem:s2] =	stream.indirect.scatter.add.f32 [tilespmem:s12], [sflag:$0x1], $0x1, s17, s13, $0xb8;
	[tilespmem:$0x5300] =	vst v63  }
0x1c: {  	_ =	swait.ge [sflag:s11], $0x80  }
0x1d: {  	s17 =	simm.s32 $0x600;
	[sflag:s11] =	ssyncset.done $0x0  }
.LBB2_2:
0x1e: {  	s18 =	sshra.s32 s17, $0x2;
	[sflag:s11] =	ssyncadd.s32 $0xFFFFFF80;
	p0 =	sne.s32 s17, $0x13E00  }
0x1f: {  	[spmem:s2] =	stream.indirect.scatter.add.f32 [tilespmem:s12], [sflag:$0x1], $0x1, s18, s13, $0xb8;
	[tilespmem:$0x5300] =	vst v63  }
.Ltmp0:
0x20: {  	_ = 	snop;
	(pc) =	sbr.rel @p0 .LBB2_2-.Ltmp0, $4  }
0x21: {  	_ = 	snop  }
0x22: {  	s17 =	sadd.s32 $0x400, s17  }
0x23: {  	_ =	swait.ge [sflag:s11], $0x80  }
0x24: {  	[sflag:s11] =	ssyncset.done $0x0  }
0x25: {  	s16 =	sadd.s32 $0x1, s16  }
0x26: {  	[sflag:s11] =	ssyncadd.s32 $0xFFFFFF80;
	p0 =	sne.s32 s16, s9  }
.Ltmp1:
0x27: {  	[bflag:$0x0] =	sbarrier.arrive $0xFFFF;
	(pc) =	sbr.rel @p0 .LBB2_1-.Ltmp1, $4  }
0x28: {  	[hbm:s8@s14], [sflag:s6] =	dma.strided [spmem:s10@s15], $0x50, s11, $0x10   }
0x29: {  	_ =	swait.ge [sflag:s11], $0x50  }
0x2a: {  	[sflag:s11] =	ssyncset.done $0x0  }
0x2b: {  	[sflag:s11] =	ssyncadd.s32 $0xFFFFFFB0  }
0x2c: {  	_ =	sfence.sel $0x180000  }
0x2d: {  	[bflag:$0x0] =	sbarrier.arrive $0xFFFF  }
0x2e: {  	p0 =	sne.s32 s0, $0x0;
	_ =	strace $0x90000047  }
0x2f: {  	s0 =	sadd.s32 @!p0 $0x100000, s1;
	[bflag:$0x2] =	sbarrier.arrive $0xFFFF  }
0x30: {  	[sflag:s0] =	ssyncadd.tile.s32 @!p0 $0x1;
	_ =	shalt  }
.Lfunc_end2:
_tile_overlayer_lowered:
.L_overlay_start_2:
0x31: {  	(tag) =	ssettag $0x2  }
0x32: {  	s0 =	rddreg [dreg:$0x0];
	s2 =	stileid.u32  }
0x33: {  	s1 =	rddreg [dreg:$0x1];
	p0 =	sne.s32 s2, $0x0  }
0x34: {  	s3 =	rddreg [dreg:$0x2];
	[bflag:$0x3] =	sbarrier.arrive $0xFFFF;
	s2 =	simm.s32 @!p0 $0x1C01  }
0x35: {  	[timem:s3], [sflag:s2] =	dma.local @!p0 [hbm:s0], s1  }
0x36: {  	s0 =	simm.s32 @!p0 $0x1  }
0x37: {  	_ =	swait.ge @!p0 [sflag:s0], s1  }
0x38: {  	s1 =	ssub.s32 @!p0 $0x0, s1;
	[sflag:s0] =	ssyncset.done @!p0 $0x0  }
0x39: {  	[sflag:s0] =	ssyncadd.s32 @!p0 s1  }
0x3a: {  	[bflag:$0x3] =	sbarrier.arrive $0xFFFF  }
0x3b: {  	_ =	shalt  }

// kernel: kernel.13.cloned.1.call-start
scs
__scs_entry_jumppad:
0x0: {  	(pc) =	sbr.rel $0x88, $3  }
0x1: {  	(tag) =	ssettag $0x0;
	lr =	simm.s32 $0x1  }
0x2: {  	[smem:$0x3F98] =	sst lr;
	_ =	strace $0xD0000000  }
0x3: {  	_ = 	snop  }
0x4: {  	_ = 	snop  }
0x5: {  	_ = 	snop  }
0x6: {  	_ = 	snop  }
0x7: {  	_ = 	snop  }
__scs_overlays_trampoline_lowered:
0x8: {  	[smem:$0x3FA7] =	sst s0  }
0x9: {  	[smem:$0x3FA8] =	sst s1  }
0xa: {  	[smem:$0x3FA9] =	sst s2  }
0xb: {  	[smem:$0x3FAA] =	sst s3  }
0xc: {  	[smem:$0x3FAB] =	sst s4  }
0xd: {  	[smem:$0x3FAC] =	sst s5  }
0xe: {  	[smem:$0x3FAD] =	sst s6  }
0xf: {  	[smem:$0x3FAE] =	sst s7  }
0x10: {  	[smem:$0x3FAF] =	sst s8  }
0x11: {  	[smem:$0x3FB0] =	sst s9;
	s0 =	simm.s32 @!p0 $0x0  }
0x12: {  	s1 =	sld [smem:$0x3F96];
	s0 =	simm.s32 @p0 $0x1  }
0x13: {  	[smem:$0x3FB1] =	sst s0;
	s0 =	simm.s32 @!p1 $0x0  }
0x14: {  	s2 =	sld [smem:$0x3F95];
	s0 =	simm.s32 @p1 $0x1  }
0x15: {  	[smem:$0x3FB2] =	sst s0;
	s0 =	simm.s32 @!p2 $0x0  }
0x16: {  	s3 =	sld [smem:$0x3FDB];
	s0 =	simm.s32 @p2 $0x1  }
0x17: {  	s4 =	simm.s32 $0x1BF5;
	[smem:$0x3FB4] =	sst s0  }
0x18: {  	s0 =	sld [smem:$0x3F97];
	_ =	swait.ge [sflag:s4], $0x0  }
0x19: {  	s7 =	sld [smem:$0x3F98]  }
0x1a: {  	s8 =	sadd.s32 $0xFFFFE003, lr  }
0x1b: {  	s9 =	sadd.s32 $0xFFFFFEF7, lr;
	s5 =	simm.s32 $0xFFFFFFFF;
	p2 =	slt.u32 s8, $0xFFFFF086  }
0x1c: {  	p1 =	slt.u32 s9, $0xF7A;
	s5 =	simm.s32 @!p2 $0x0  }
0x1d: {  	s5 =	simm.s32 @p1 $0x1;
	p0 =	seq.s32 s7, s2  }
0x1e: {  	s7 =	smul.u32 @!p0 $0xF7A, s2;
	p2 =	seq.s32 @!p0 s5, $0x0  }
0x1f: {  	s9 =	smul.u32 $0xF7A, s1;
	s8 =	simm.s32 @!p0 $0x1BF5;
	p2 =	por !p2, p0  }
0x20: {  	[sflag:s8] =	ssyncset.s32 @!p0 $0xFFFFF086;
	s6 =	sadd.s32 @!p0 s3, s7;
	s7 =	simm.s32 @!p0 $0x108  }
0x21: {  	s3 =	sadd.s32 s3, s9;
	s6 =	sadd.s32 @!p0 $0x88, s6;
	s7 =	simm.s32 @p2 $0x1082  }
0x22: {  	[simem:s7], [sflag:s8] =	dma.local @!p0 [hbm:s6], $0xF7A  }
0x23: {  	s9 =	sor.u32 $0xD0000000, s2;
	s6 =	simm.s32 $0x108;
	_ =	swait.ge @!p0 [sflag:s8], $0x0  }
0x24: {  	s3 =	sadd.s32 $0x88, s3;
	s6 =	simm.s32 @!p1 $0x1082;
	[sflag:s4] =	ssyncset.s32 $0xFFFFF086  }
0x25: {  	[simem:s6], [sflag:s4] =	dma.local [hbm:s3], $0xF7A  }
0x26: {  	[smem:$0x3F98] =	sst s1;
	(tag) =	ssettag s2;
	_ =	strace s9  }
0x27: {  	s1 =	sld [smem:$0x3FA8]  }
0x28: {  	s2 =	sld [smem:$0x3FA9]  }
0x29: {  	s4 =	sld [smem:$0x3FAB]  }
0x2a: {  	p0 =	seq.s32 s5, $0x0;
	s5 =	sld [smem:$0x3FAC]  }
0x2b: {  	s6 =	sld [smem:$0x3FAD]  }
0x2c: {  	s7 =	sld [smem:$0x3FAE]  }
0x2d: {  	s3 =	simm.s32 $0x108;
	s8 =	sld [smem:$0x3FAF]  }
0x2e: {  	s3 =	simm.s32 @!p0 $0x1082;
	s9 =	sld [smem:$0x3FB0]  }
0x2f: {  	lr =	sadd.s32 s0, s3;
	s0 =	sld [smem:$0x3FA7]  }
0x30: {  	s3 =	sld [smem:$0x3FAA]  }
0x31: {  	[smem:$0x3FB3] =	sst s10  }
0x32: {  	s10 =	sld [smem:$0x3FB1];
	_ =	sdelay $0x3  }
0x33: {  	p0 =	seq.s32 s10, $0x1;
	s10 =	sld [smem:$0x3FB3];
	_ =	sdelay $0x3  }
0x34: {  	[smem:$0x3FB3] =	sst s10  }
0x35: {  	s10 =	sld [smem:$0x3FB2];
	_ =	sdelay $0x3  }
0x36: {  	p1 =	seq.s32 s10, $0x1;
	s10 =	sld [smem:$0x3FB3];
	_ =	sdelay $0x3  }
0x37: {  	[smem:$0x3FB3] =	sst s10  }
0x38: {  	s10 =	sld [smem:$0x3FB4]  }
0x39: {  	_ = 	snop;
	(pc) =	sbr.ind lr, $3  }
0x3a: {  	_ = 	snop  }
0x3b: {  	_ = 	snop  }
0x3c: {  	p2 =	seq.s32 s10, $0x1;
	s10 =	sld [smem:$0x3FB3]  }
0x3d: {  	_ =	shalt  }
0x3e: {  	_ =	shalt  }
0x3f: {  	_ =	shalt  }
0x40: {  	_ =	shalt  }
0x41: {  	_ =	shalt  }
0x42: {  	_ =	shalt  }
0x43: {  	_ =	shalt  }
0x44: {  	_ =	shalt  }
0x45: {  	_ =	shalt  }
0x46: {  	_ =	shalt  }
0x47: {  	_ =	shalt  }
0x48: {  	_ =	shalt  }
0x49: {  	_ =	shalt  }
0x4a: {  	_ =	shalt  }
0x4b: {  	_ =	shalt  }
0x4c: {  	_ =	shalt  }
0x4d: {  	_ =	shalt  }
0x4e: {  	_ =	shalt  }
0x4f: {  	_ =	shalt  }
0x50: {  	_ =	shalt  }
0x51: {  	_ =	shalt  }
0x52: {  	_ =	shalt  }
0x53: {  	_ =	shalt  }
0x54: {  	_ =	shalt  }
0x55: {  	_ =	shalt  }
0x56: {  	_ =	shalt  }
0x57: {  	_ =	shalt  }
0x58: {  	_ =	shalt  }
0x59: {  	_ =	shalt  }
0x5a: {  	_ =	shalt  }
0x5b: {  	_ =	shalt  }
0x5c: {  	_ =	shalt  }
0x5d: {  	_ =	shalt  }
0x5e: {  	_ =	shalt  }
0x5f: {  	_ =	shalt  }
0x60: {  	_ =	shalt  }
0x61: {  	_ =	shalt  }
0x62: {  	_ =	shalt  }
0x63: {  	_ =	shalt  }
0x64: {  	_ =	shalt  }
0x65: {  	_ =	shalt  }
0x66: {  	_ =	shalt  }
0x67: {  	_ =	shalt  }
0x68: {  	_ =	shalt  }
0x69: {  	_ =	shalt  }
0x6a: {  	_ =	shalt  }
0x6b: {  	_ =	shalt  }
0x6c: {  	_ =	shalt  }
0x6d: {  	_ =	shalt  }
0x6e: {  	_ =	shalt  }
0x6f: {  	_ =	shalt  }
0x70: {  	_ =	shalt  }
0x71: {  	_ =	shalt  }
0x72: {  	_ =	shalt  }
0x73: {  	_ =	shalt  }
0x74: {  	_ =	shalt  }
0x75: {  	_ =	shalt  }
0x76: {  	_ =	shalt  }
0x77: {  	_ =	shalt  }
0x78: {  	_ =	shalt  }
0x79: {  	_ =	shalt  }
0x7a: {  	_ =	shalt  }
0x7b: {  	_ =	shalt  }
0x7c: {  	_ =	shalt  }
0x7d: {  	_ =	shalt  }
0x7e: {  	_ =	shalt  }
0x7f: {  	_ =	shalt  }
0x80: {  	_ =	shalt  }
0x81: {  	_ =	shalt  }
0x82: {  	_ =	shalt  }
0x83: {  	_ =	shalt  }
0x84: {  	_ =	shalt  }
0x85: {  	_ =	shalt  }
0x86: {  	_ =	shalt  }
0x87: {  	_ =	shalt  }
.Lfunc_end0:
.L_simem_size_0:
called_computation.1_lowered:
.L_overlay_start_0:
0x88: {  	s2 =	sld [smem:$0x3FD9]  }
0x89: {  	s3 =	sld [smem:$0x3FFE];
	_ =	sdelay $0x1  }
0x8a: {  	s1 =	srdreg.scid  }
0x8b: {  	s0 =	sand.u32 $0x1, s1  }
0x8c: {  	s16 =	sshll.u32 s0, $0xA;
	s2 =	sadd.s32 s3, s2  }
0x8d: {  	s2 =	sadd.s32 s2, s16  }
0x8e: {  	[smem:$0x3FBF] =	sst s2  }
0x8f: {  	_ = 	snop  }
0x90: {  	(tm) =	ssettm $0x1  }
0x91: {  	s17 =	sld [smem:$0x3FFB];
	_ =	sdelay $0x3  }
0x92: {  	_ =	strace s17  }
0x93: {  	s2 =	sld [smem:$0x3FFC];
	_ =	sdelay $0x3  }
0x94: {  	_ =	strace s2  }
0x95: {  	s2 =	sld [smem:$0x3FFD];
	_ =	sdelay $0x3  }
0x96: {  	_ =	strace s2  }
0x97: {  	_ =	strace $0x8FFFFFFF  }
0x98: {  	s18 =	sld [smem:$0x3FDB];
	_ =	sdelay $0x1  }
0x99: {  	s19 =	simm.s32 $_scs_section_size  }
0x9a: {  	s4 =	simm.s32 $_size__tile_overlayer_lowered;
	s5 =	simm.s32 $_tile_overlayer_lowered  }
0x9b: {  	s22 =	simm.s32 $0x1BFF;
	s21 =	sshll.u32 s5, $0x1;
	s2 =	sadd.s32 s19, s18  }
0x9c: {  	s6 =	simm.s32 $0x0;
	s20 =	sshll.u32 s4, $0x1;
	s4 =	sadd.s32 s21, s2  }
0x9d: {  	[timem:s6], [sflag:s22] =	dma.local [hbm:s4], s20  }
0x9e: {  	_ =	swait.ge [sflag:s22], s20  }
0x9f: {  	s3 =	ssub.s32 $0x0, s20;
	[sflag:s22] =	ssyncset.done $0x0  }
0xa0: {  	[sflag:s22] =	ssyncadd.s32 s3;
	_ =	sdelay $0x1  }
0xa1: {  	s23 =	simm.s32 $0x1B8B  }
0xa2: {  	_ =	swait.ge [sflag:s23], $0x1  }
0xa3: {  	[sflag:s23] =	ssyncset.done $0x0  }
0xa4: {  	s25 =	simm.s32 $0x1B8E;
	s24 =	sld [smem:$0x3FFE];
	[sflag:s23] =	ssyncadd.s32 $0xFFFFFFFF  }
0xa5: {  	s26 =	simm.s32 $execute0_lowered;
	[smem:$0x3FD2] =	sst s25  }
0xa6: {  	s4 =	sshll.u32 s26, $0x1;
	_ =	strace $0x80000049;
	[dreg:$0x1] =	wrdreg $0xFFFFFFFF  }
0xa7: {  	s28 =	simm.s32 $_size_execute0_lowered;
	s2 =	sadd.s32 s2, s4;
	[dreg:$0x0] =	wrdreg $0x0  }
0xa8: {  	s4 =	sshll.u32 s28, $0x1;
	[dreg:$0x2] =	wrdreg s2  }
0xa9: {  	[dreg:$0x3] =	wrdreg s4  }
0xaa: {  	[dreg:$0x4] =	wrdreg $0xC0  }
0xab: {  	_ =	task [dreg:s6], $0x5FFFF  }
0xac: {  	[dreg:$0x1] =	wrdreg $0xFFFFFFFF  }
0xad: {  	[dreg:$0x0] =	wrdreg $0x60  }
0xae: {  	[dreg:$0x2] =	wrdreg s24  }
0xaf: {  	[dreg:$0x3] =	wrdreg $0xA8000  }
0xb0: {  	[dreg:$0x4] =	wrdreg $0x9  }
0xb1: {  	_ =	task.clear_ibuf [dreg:s6], $0x5FFFF;
	_ =	strace $0x90000049  }
0xb2: {  	s29 =	simm.s32 $0x9;
	_ =	strace $0x8000004B  }
0xb3: {  	_ =	swait.ge [sflag:s29], $0x1  }
0xb4: {  	[sflag:s29] =	ssyncadd.s32 $0xFFFFFFFF  }
0xb5: {  	_ =	strace $0x9000004B  }
0xb6: {  	_ =	sfence  }
0xb7: {  	s30 =	sld [smem:$0x0];
	_ =	sdelay $0x2  }
0xb8: {  	s31 =	sshll.u32 s1, $0xD;
	s1 =	sshrl.u32 s1, $0x2  }
0xb9: {  	s3 =	sand.u32 $0x4000, s31;
	s1 =	sadd.s32 s1, s30  }
0xba: {  	s0 =	sor.u32 s3, s0;
	s1 =	sshll.u32 s1, $0x11  }
0xbb: {  	s0 =	sor.u32 s1, s0  }
0xbc: {  	s0 =	sadd.s32 $0x8F2B, s0  }
0xbd: {  	[sflag:s0] =	ssyncadd.remote.s32 $0x1  }
0xbe: {  	_ =	sfence.sel $0xFFFF  }
0xbf: {  	[dreg:$0x0] =	wrdreg $0xFFFFFFFF;
	(pc) =	sbr.abs _section_cstart, $3  }
0xc0: {  	[dreg:$0x1] =	wrdreg $0xFFFFFFFF  }
0xc1: {  	_ =	task.clear_ibuf [dreg:s6], $0x2FFFF;
	_ =	strace $0x9FFFFFFF  }
0xc2: {  	(tm) =	ssettm $0x7FFFFFFF  }
0xc3: {  	_ =	shalt  }
tec
execute0_lowered:
.L_overlay_start_1:
0x0: {  	(tag) =	ssettag $0x1  }
0x1: {  	s5 =	rddreg [dreg:$0x0]  }
0x2: {  	s2 =	rddreg [dreg:$0x1]  }
0x3: {  	s0 =	rddreg [dreg:$0x2]  }
0x4: {  	s4 =	srdreg.scid;
	s1 =	stileid.u32  }
0x5: {  	s3 =	simm.s32 $0x0;
	s15 =	simm.s32 $0x6800;
	s16 =	simm.s32 $0x1  }
0x6: {  	s17 =	simm.s32 $0x2;
	s18 =	simm.s32 $0x2700;
	s19 =	simm.s32 $0x2680  }
0x7: {  	s20 =	simm.s32 $0x2780;
	s21 =	simm.s32 $0x0;
	s6 =	sand.u32 $0x1, s4  }
0x8: {  	s7 =	smul.u32 $0x14000, s1;
	[smem:$0x7FF] =	sst s3;
	s4 =	sadd.s32 $0x17A00, s5  }
0x9: {  	s9 =	sadd.s32 $0x3A00, s5;
	s11 =	smul.u32 $0x50000, s1;
	s29 =	sshll.u32 s1, $0x6  }
0xa: {  	s8 =	smul.u32 $0x140000, s6;
	_ =	strace $0x8000004A;
	s10 =	sshll.u32 s6, $0x4  }
0xb: {  	s22 =	ssub.s32 $0x2, s6;
	s6 =	sor.u32 $0x1C03, s29;
	s23 =	sor.u32 s1, s10  }
0xc: {  	s24 =	sshrl.u32 s22, $0x1;
	s25 =	sshrl.u32 s11, $0x2;
	s28 =	sshrl.u32 s7, $0x3  }
0xd: {  	s8 =	sadd.s32 s7, s8;
	s26 =	smul.u32 $0x5000, s23;
	s13 =	ssub.s32 s22, s24  }
0xe: {  	s14 =	sadd.s32 s25, s2;
	s30 =	smul.u32 $0xA00, s23;
	s8 =	sshrl.u32 s8, $0x3  }
0xf: {  	s11 =	sshrl.u32 s14, $0x3;
	s14 =	simm.s32 $0x2800;
	s12 =	sadd.s32 s8, s5  }
0x10: {  	s31 =	sshrl.u32 s26, $0x3;
	s5 =	sadd.s32 s4, s28;
	s7 =	sadd.s32 s9, s30  }
0x11: {  	s10 =	sadd.s32 s9, s31;
	s9 =	sadd.s32 $0x3FA00, s12;
	s12 =	simm.s32 $0x3  }
0x12: {  	s8 =	sadd.s32 $0x500, s10;
	s10 =	smax.u32 s13, $0x1;
	s13 =	simm.s32 $0x80  }
.LBB2_1:
0x13: {  	[spmem:s11], [sflag:s6] =	dma.local [hbm:s5], $0x2800  }
0x14: {  	_ =	swait.ge [sflag:s12], $0x2800  }
0x15: {  	[sflag:s12] =	ssyncset.done $0x0  }
0x16: {  	[sflag:s12] =	ssyncadd.s32 $0xFFFFD800  }
0x17: {  	[bflag:$0x0] =	sbarrier.arrive $0xFFFF  }
0x18: {  	[tilespmem:s3], [sflag:$0x3] =	stream.linear.gather [hbm4b:s7+s3], $0x2800, $0x38;
	[tilespmem:$0x1E800] =	vst v63  }
0x19: {  	_ =	swait.ge [sflag:s12], $0x2800  }
0x1a: {  	[sflag:s12] =	ssyncset.done $0x0  }
0x1b: {  	[sflag:s12] =	ssyncadd.s32 $0xFFFFD800  }
0x1c: {  	[tilespmem:s14], [sflag:$0x1] =	stream.indirect.gather [hbm4b:s4+s13], $0x80, s3, s13, $0xb8;
	[tilespmem:$0x1E800] =	vst v63  }
0x1d: {  	s22 =	simm.s32 $0x100  }
0x1e: {  	[tilespmem:s15], [sflag:$0x2] =	stream.indirect.gather [hbm4b:s4+s13], $0x80, s22, s13, $0xb8;
	[tilespmem:$0x1E800] =	vst v63  }
0x1f: {  	_ =	swait.ge [sflag:s16], $0x4000  }
0x20: {  	[sflag:s16] =	ssyncset.done $0x0  }
0x21: {  	s29 =	simm.s32 $0x80;
	[sflag:s16] =	ssyncadd.s32 $0xFFFFC000  }
0x22: {  	[spmem:s2] =	stream.indirect.scatter.add.f32 [tilespmem:s14], [sflag:$0x3], $0x80, s29, s13, $0xb8;
	[tilespmem:$0x1E800] =	vst v63  }
0x23: {  	_ =	swait.ge [sflag:s12], $0x4000  }
0x24: {  	[sflag:s12] =	ssyncset.done $0x0  }
0x25: {  	s30 =	simm.s32 $0x200;
	[sflag:s12] =	ssyncadd.s32 $0xFFFFC000  }
0x26: {  	[tilespmem:s14], [sflag:$0x1] =	stream.indirect.gather [hbm4b:s4+s13], $0x80, s30, s13, $0xb8;
	[tilespmem:$0x1E800] =	vst v63  }
0x27: {  	_ =	swait.ge [sflag:s17], $0x4000  }
0x28: {  	[sflag:s17] =	ssyncset.done $0x0  }
0x29: {  	s31 =	simm.s32 $0x180;
	[sflag:s17] =	ssyncadd.s32 $0xFFFFC000  }
0x2a: {  	[spmem:s2] =	stream.indirect.scatter.add.f32 [tilespmem:s15], [sflag:$0x3], $0x80, s31, s13, $0xb8;
	[tilespmem:$0x1E800] =	vst v63  }
0x2b: {  	_ =	swait.ge [sflag:s12], $0x4000  }
0x2c: {  	s23 =	simm.s32 $0xFFFF7800;
	s22 =	simm.s32 $0xFFFFDC00;
	[sflag:s12] =	ssyncset.done $0x0  }
.LBB2_2:
0x2d: {  	s24 =	sadd.s32 $0x2700, s22  }
0x2e: {  	[sflag:s12] =	ssyncadd.s32 $0xFFFFC000;
	s25 =	smov.u32 s23;
	s26 =	sadd.s32 $0x800, s23  }
0x2f: {  	[tilespmem:s15], [sflag:$0x2] =	stream.indirect.gather [hbm4b:s4+s13], $0x80, s24, s13, $0xb8;
	[tilespmem:$0x1E800] =	vst v63  }
0x30: {  	p0 =	sne.s32 s23, $0xFFFFF800;
	_ =	swait.ge [sflag:s16], $0x4000  }
0x31: {  	[sflag:s16] =	ssyncset.done $0x0  }
0x32: {  	s23 =	sadd.s32 $0x2680, s22;
	[sflag:s16] =	ssyncadd.s32 $0xFFFFC000  }
0x33: {  	[spmem:s2] =	stream.indirect.scatter.add.f32 [tilespmem:s14], [sflag:$0x3], $0x80, s23, s13, $0xb8;
	[tilespmem:$0x1E800] =	vst v63  }
0x34: {  	_ =	swait.ge [sflag:s12], $0x4000  }
0x35: {  	[sflag:s12] =	ssyncset.done $0x0  }
0x36: {  	s23 =	sadd.s32 $0x2800, s22;
	[sflag:s12] =	ssyncadd.s32 $0xFFFFC000  }
0x37: {  	[tilespmem:s14], [sflag:$0x1] =	stream.indirect.gather [hbm4b:s4+s13], $0x80, s23, s13, $0xb8;
	[tilespmem:$0x1E800] =	vst v63  }
0x38: {  	_ =	swait.ge [sflag:s17], $0x4000  }
.Ltmp0:
0x39: {  	[sflag:s17] =	ssyncset.done $0x0;
	(pc) =	sbr.rel @p0 .LBB2_2-.Ltmp0, $4  }
0x3a: {  	s22 =	sadd.s32 $0x2780, s22;
	[sflag:s17] =	ssyncadd.s32 $0xFFFFC000  }
0x3b: {  	[spmem:s2] =	stream.indirect.scatter.add.f32 [tilespmem:s15], [sflag:$0x3], $0x80, s22, s13, $0xb8;
	[tilespmem:$0x1E800] =	vst v63  }
0x3c: {  	_ =	swait.ge [sflag:s12], $0x4000  }
0x3d: {  	s23 =	smov.u32 s26;
	s22 =	sshra.s32 s25, $0x2;
	[sflag:s12] =	ssyncset.done $0x0  }
0x3e: {  	s23 =	sadd.s32 $0x2700, s22;
	[sflag:s12] =	ssyncadd.s32 $0xFFFFC000  }
0x3f: {  	[tilespmem:s15], [sflag:$0x2] =	stream.indirect.gather [hbm4b:s4+s13], $0x80, s23, s13, $0xb8;
	[tilespmem:$0x1E800] =	vst v63  }
0x40: {  	_ =	swait.ge [sflag:s16], $0x4000  }
0x41: {  	[sflag:s16] =	ssyncset.done $0x0  }
0x42: {  	s24 =	sadd.s32 $0x2680, s22;
	[sflag:s16] =	ssyncadd.s32 $0xFFFFC000  }
0x43: {  	[spmem:s2] =	stream.indirect.scatter.add.f32 [tilespmem:s14], [sflag:$0x3], $0x80, s24, s13, $0xb8;
	[tilespmem:$0x1E800] =	vst v63  }
0x44: {  	_ =	swait.ge [sflag:s12], $0x4000  }
0x45: {  	[sflag:s12] =	ssyncset.done $0x0  }
0x46: {  	s25 =	sadd.s32 $0x2800, s22;
	[sflag:s12] =	ssyncadd.s32 $0xFFFFC000  }
0x47: {  	[tilespmem:s14], [sflag:$0x1] =	stream.indirect.gather [hbm4b:s4+s13], $0x80, s25, s13, $0xb8;
	[tilespmem:$0x1E800] =	vst v63  }
0x48: {  	_ =	swait.ge [sflag:s17], $0x4000  }
0x49: {  	[sflag:s17] =	ssyncset.done $0x0  }
0x4a: {  	s26 =	sadd.s32 $0x2780, s22;
	[sflag:s17] =	ssyncadd.s32 $0xFFFFC000  }
0x4b: {  	[spmem:s2] =	stream.indirect.scatter.add.f32 [tilespmem:s15], [sflag:$0x3], $0x80, s26, s13, $0xb8;
	[tilespmem:$0x1E800] =	vst v63  }
0x4c: {  	_ =	swait.ge [sflag:s12], $0x4000  }
0x4d: {  	[sflag:s12] =	ssyncset.done $0x0  }
0x4e: {  	[sflag:s12] =	ssyncadd.s32 $0xFFFFC000  }
0x4f: {  	[tilespmem:s15], [sflag:$0x2] =	stream.indirect.gather [hbm4b:s4+s13], $0x80, s18, s13, $0xb8;
	[tilespmem:$0x1E800] =	vst v63  }
0x50: {  	_ =	swait.ge [sflag:s16], $0x4000  }
0x51: {  	[sflag:s16] =	ssyncset.done $0x0  }
0x52: {  	[sflag:s16] =	ssyncadd.s32 $0xFFFFC000  }
0x53: {  	[spmem:s2] =	stream.indirect.scatter.add.f32 [tilespmem:s14], [sflag:$0x3], $0x80, s19, s13, $0xb8;
	[tilespmem:$0x1E800] =	vst v63  }
0x54: {  	_ =	swait.ge [sflag:s12], $0x4000  }
0x55: {  	[sflag:s12] =	ssyncset.done $0x0  }
0x56: {  	[sflag:s12] =	ssyncadd.s32 $0xFFFFC000  }
0x57: {  	_ =	swait.ge [sflag:s17], $0x4000  }
0x58: {  	[sflag:s17] =	ssyncset.done $0x0  }
0x59: {  	[sflag:s17] =	ssyncadd.s32 $0xFFFFC000  }
0x5a: {  	[spmem:s2] =	stream.indirect.scatter.add.f32 [tilespmem:s15], [sflag:$0x3], $0x80, s20, s13, $0xb8;
	[tilespmem:$0x1E800] =	vst v63  }
0x5b: {  	_ =	swait.ge [sflag:s12], $0x4000  }
0x5c: {  	[sflag:s12] =	ssyncset.done $0x0  }
0x5d: {  	[sflag:s12] =	ssyncadd.s32 $0xFFFFC000  }
0x5e: {  	[tilespmem:s3], [sflag:$0x3] =	stream.linear.gather [hbm4b:s8+s3], $0x2800, $0x38;
	[tilespmem:$0x1E800] =	vst v63  }
0x5f: {  	_ =	swait.ge [sflag:s12], $0x2800  }
0x60: {  	[sflag:s12] =	ssyncset.done $0x0  }
0x61: {  	[sflag:s12] =	ssyncadd.s32 $0xFFFFD800  }
0x62: {  	[tilespmem:s14], [sflag:$0x1] =	stream.indirect.gather [hbm4b:s4+s13], $0x80, s3, s13, $0xb8;
	[tilespmem:$0x1E800] =	vst v63  }
0x63: {  	s28 =	simm.s32 $0x100  }
0x64: {  	[tilespmem:s15], [sflag:$0x2] =	stream.indirect.gather [hbm4b:s4+s13], $0x80, s28, s13, $0xb8;
	[tilespmem:$0x1E800] =	vst v63  }
0x65: {  	_ =	swait.ge [sflag:s16], $0x4000  }
0x66: {  	[sflag:s16] =	ssyncset.done $0x0  }
0x67: {  	s29 =	simm.s32 $0x80;
	[sflag:s16] =	ssyncadd.s32 $0xFFFFC000  }
0x68: {  	[spmem:s2] =	stream.indirect.scatter.add.f32 [tilespmem:s14], [sflag:$0x3], $0x80, s29, s13, $0xb8;
	[tilespmem:$0x1E800] =	vst v63  }
0x69: {  	_ =	swait.ge [sflag:s12], $0x4000  }
0x6a: {  	[sflag:s12] =	ssyncset.done $0x0  }
0x6b: {  	s30 =	simm.s32 $0x200;
	[sflag:s12] =	ssyncadd.s32 $0xFFFFC000  }
0x6c: {  	[tilespmem:s14], [sflag:$0x1] =	stream.indirect.gather [hbm4b:s4+s13], $0x80, s30, s13, $0xb8;
	[tilespmem:$0x1E800] =	vst v63  }
0x6d: {  	_ =	swait.ge [sflag:s17], $0x4000  }
0x6e: {  	[sflag:s17] =	ssyncset.done $0x0  }
0x6f: {  	s31 =	simm.s32 $0x180;
	[sflag:s17] =	ssyncadd.s32 $0xFFFFC000  }
0x70: {  	[spmem:s2] =	stream.indirect.scatter.add.f32 [tilespmem:s15], [sflag:$0x3], $0x80, s31, s13, $0xb8;
	[tilespmem:$0x1E800] =	vst v63  }
0x71: {  	_ =	swait.ge [sflag:s12], $0x4000  }
0x72: {  	s22 =	simm.s32 $0xFFFFDC00;
	s23 =	simm.s32 $0xFFFF7800;
	[sflag:s12] =	ssyncset.done $0x0  }
.LBB2_4:
0x73: {  	s24 =	sadd.s32 $0x2700, s22  }
0x74: {  	[sflag:s12] =	ssyncadd.s32 $0xFFFFC000;
	s25 =	smov.u32 s23;
	s26 =	sadd.s32 $0x800, s23  }
0x75: {  	[tilespmem:s15], [sflag:$0x2] =	stream.indirect.gather [hbm4b:s4+s13], $0x80, s24, s13, $0xb8;
	[tilespmem:$0x1E800] =	vst v63  }
0x76: {  	p0 =	sne.s32 s23, $0xFFFFF800;
	_ =	swait.ge [sflag:s16], $0x4000  }
0x77: {  	[sflag:s16] =	ssyncset.done $0x0  }
0x78: {  	s23 =	sadd.s32 $0x2680, s22;
	[sflag:s16] =	ssyncadd.s32 $0xFFFFC000  }
0x79: {  	[spmem:s2] =	stream.indirect.scatter.add.f32 [tilespmem:s14], [sflag:$0x3], $0x80, s23, s13, $0xb8;
	[tilespmem:$0x1E800] =	vst v63  }
0x7a: {  	_ =	swait.ge [sflag:s12], $0x4000  }
0x7b: {  	[sflag:s12] =	ssyncset.done $0x0  }
0x7c: {  	s23 =	sadd.s32 $0x2800, s22;
	[sflag:s12] =	ssyncadd.s32 $0xFFFFC000  }
0x7d: {  	[tilespmem:s14], [sflag:$0x1] =	stream.indirect.gather [hbm4b:s4+s13], $0x80, s23, s13, $0xb8;
	[tilespmem:$0x1E800] =	vst v63  }
0x7e: {  	_ =	swait.ge [sflag:s17], $0x4000  }
.Ltmp1:
0x7f: {  	[sflag:s17] =	ssyncset.done $0x0;
	(pc) =	sbr.rel @p0 .LBB2_4-.Ltmp1, $4  }
0x80: {  	s22 =	sadd.s32 $0x2780, s22;
	[sflag:s17] =	ssyncadd.s32 $0xFFFFC000  }
0x81: {  	[spmem:s2] =	stream.indirect.scatter.add.f32 [tilespmem:s15], [sflag:$0x3], $0x80, s22, s13, $0xb8;
	[tilespmem:$0x1E800] =	vst v63  }
0x82: {  	_ =	swait.ge [sflag:s12], $0x4000  }
0x83: {  	s23 =	smov.u32 s26;
	s22 =	sshra.s32 s25, $0x2;
	[sflag:s12] =	ssyncset.done $0x0  }
0x84: {  	s23 =	sadd.s32 $0x2700, s22;
	[sflag:s12] =	ssyncadd.s32 $0xFFFFC000  }
0x85: {  	[tilespmem:s15], [sflag:$0x2] =	stream.indirect.gather [hbm4b:s4+s13], $0x80, s23, s13, $0xb8;
	[tilespmem:$0x1E800] =	vst v63  }
0x86: {  	_ =	swait.ge [sflag:s16], $0x4000  }
0x87: {  	[sflag:s16] =	ssyncset.done $0x0  }
0x88: {  	s29 =	sadd.s32 $0x2680, s22;
	[sflag:s16] =	ssyncadd.s32 $0xFFFFC000  }
0x89: {  	[spmem:s2] =	stream.indirect.scatter.add.f32 [tilespmem:s14], [sflag:$0x3], $0x80, s29, s13, $0xb8;
	[tilespmem:$0x1E800] =	vst v63  }
0x8a: {  	_ =	swait.ge [sflag:s12], $0x4000  }
0x8b: {  	[sflag:s12] =	ssyncset.done $0x0  }
0x8c: {  	s30 =	sadd.s32 $0x2800, s22;
	[sflag:s12] =	ssyncadd.s32 $0xFFFFC000  }
0x8d: {  	[tilespmem:s14], [sflag:$0x1] =	stream.indirect.gather [hbm4b:s4+s13], $0x80, s30, s13, $0xb8;
	[tilespmem:$0x1E800] =	vst v63  }
0x8e: {  	_ =	swait.ge [sflag:s17], $0x4000  }
0x8f: {  	[sflag:s17] =	ssyncset.done $0x0  }
0x90: {  	s31 =	sadd.s32 $0x2780, s22;
	[sflag:s17] =	ssyncadd.s32 $0xFFFFC000  }
0x91: {  	[spmem:s2] =	stream.indirect.scatter.add.f32 [tilespmem:s15], [sflag:$0x3], $0x80, s31, s13, $0xb8;
	[tilespmem:$0x1E800] =	vst v63  }
0x92: {  	_ =	swait.ge [sflag:s12], $0x4000  }
0x93: {  	[sflag:s12] =	ssyncset.done $0x0  }
0x94: {  	[sflag:s12] =	ssyncadd.s32 $0xFFFFC000  }
0x95: {  	[tilespmem:s15], [sflag:$0x2] =	stream.indirect.gather [hbm4b:s4+s13], $0x80, s18, s13, $0xb8;
	[tilespmem:$0x1E800] =	vst v63  }
0x96: {  	_ =	swait.ge [sflag:s16], $0x4000  }
0x97: {  	[sflag:s16] =	ssyncset.done $0x0  }
0x98: {  	[sflag:s16] =	ssyncadd.s32 $0xFFFFC000  }
0x99: {  	[spmem:s2] =	stream.indirect.scatter.add.f32 [tilespmem:s14], [sflag:$0x3], $0x80, s19, s13, $0xb8;
	[tilespmem:$0x1E800] =	vst v63  }
0x9a: {  	_ =	swait.ge [sflag:s12], $0x4000  }
0x9b: {  	[sflag:s12] =	ssyncset.done $0x0  }
0x9c: {  	[sflag:s12] =	ssyncadd.s32 $0xFFFFC000  }
0x9d: {  	_ =	swait.ge [sflag:s17], $0x4000  }
0x9e: {  	[sflag:s17] =	ssyncset.done $0x0  }
0x9f: {  	[sflag:s17] =	ssyncadd.s32 $0xFFFFC000  }
0xa0: {  	[spmem:s2] =	stream.indirect.scatter.add.f32 [tilespmem:s15], [sflag:$0x3], $0x80, s20, s13, $0xb8;
	[tilespmem:$0x1E800] =	vst v63  }
0xa1: {  	_ =	swait.ge [sflag:s12], $0x4000  }
0xa2: {  	s21 =	sadd.s32 $0x1, s21;
	[sflag:s12] =	ssyncset.done $0x0  }
0xa3: {  	p0 =	sne.s32 s21, s10;
	[sflag:s12] =	ssyncadd.s32 $0xFFFFC000  }
.Ltmp2:
0xa4: {  	[bflag:$0x0] =	sbarrier.arrive $0xFFFF;
	(pc) =	sbr.rel @p0 .LBB2_1-.Ltmp2, $4  }
0xa5: {  	[hbm:s9], [sflag:s6] =	dma.local [spmem:s11], $0x2800  }
0xa6: {  	_ =	swait.ge [sflag:s12], $0x2800  }
0xa7: {  	[sflag:s12] =	ssyncset.done $0x0  }
0xa8: {  	[sflag:s12] =	ssyncadd.s32 $0xFFFFD800  }
0xa9: {  	_ =	sfence.sel $0x180000  }
0xaa: {  	[bflag:$0x0] =	sbarrier.arrive $0xFFFF  }
0xab: {  	p0 =	sne.s32 s1, $0x0;
	_ =	strace $0x9000004A  }
0xac: {  	s0 =	sadd.s32 @!p0 $0x100000, s0;
	[bflag:$0x2] =	sbarrier.arrive $0xFFFF  }
0xad: {  	[sflag:s0] =	ssyncadd.tile.s32 @!p0 $0x1;
	_ =	shalt  }
.Lfunc_end2:
_tile_overlayer_lowered:
.L_overlay_start_2:
0xae: {  	(tag) =	ssettag $0x2  }
0xaf: {  	s0 =	rddreg [dreg:$0x0];
	s2 =	stileid.u32  }
0xb0: {  	s1 =	rddreg [dreg:$0x1];
	p0 =	sne.s32 s2, $0x0  }
0xb1: {  	s3 =	rddreg [dreg:$0x2];
	[bflag:$0x3] =	sbarrier.arrive $0xFFFF;
	s2 =	simm.s32 @!p0 $0x1C03  }
0xb2: {  	[timem:s3], [sflag:s2] =	dma.local @!p0 [hbm:s0], s1  }
0xb3: {  	s0 =	simm.s32 @!p0 $0x3  }
0xb4: {  	_ =	swait.ge @!p0 [sflag:s0], s1  }
0xb5: {  	s1 =	ssub.s32 @!p0 $0x0, s1;
	[sflag:s0] =	ssyncset.done @!p0 $0x0  }
0xb6: {  	[sflag:s0] =	ssyncadd.s32 @!p0 s1  }
0xb7: {  	[bflag:$0x3] =	sbarrier.arrive $0xFFFF  }
0xb8: {  	_ =	shalt  }

// kernel: kernel.16.cloned.1.call-start
scs
__scs_entry_jumppad:
0x0: {  	(pc) =	sbr.rel $0x88, $3  }
0x1: {  	(tag) =	ssettag $0x0;
	lr =	simm.s32 $0x1  }
0x2: {  	[smem:$0x3F98] =	sst lr;
	_ =	strace $0xD0000000  }
0x3: {  	_ = 	snop  }
0x4: {  	_ = 	snop  }
0x5: {  	_ = 	snop  }
0x6: {  	_ = 	snop  }
0x7: {  	_ = 	snop  }
__scs_overlays_trampoline_lowered:
0x8: {  	[smem:$0x3FA7] =	sst s0  }
0x9: {  	[smem:$0x3FA8] =	sst s1  }
0xa: {  	[smem:$0x3FA9] =	sst s2  }
0xb: {  	[smem:$0x3FAA] =	sst s3  }
0xc: {  	[smem:$0x3FAB] =	sst s4  }
0xd: {  	[smem:$0x3FAC] =	sst s5  }
0xe: {  	[smem:$0x3FAD] =	sst s6  }
0xf: {  	[smem:$0x3FAE] =	sst s7  }
0x10: {  	[smem:$0x3FAF] =	sst s8  }
0x11: {  	[smem:$0x3FB0] =	sst s9;
	s0 =	simm.s32 @!p0 $0x0  }
0x12: {  	s1 =	sld [smem:$0x3F96];
	s0 =	simm.s32 @p0 $0x1  }
0x13: {  	[smem:$0x3FB1] =	sst s0;
	s0 =	simm.s32 @!p1 $0x0  }
0x14: {  	s2 =	sld [smem:$0x3F95];
	s0 =	simm.s32 @p1 $0x1  }
0x15: {  	[smem:$0x3FB2] =	sst s0;
	s0 =	simm.s32 @!p2 $0x0  }
0x16: {  	s3 =	sld [smem:$0x3FDB];
	s0 =	simm.s32 @p2 $0x1  }
0x17: {  	s4 =	simm.s32 $0x1BF5;
	[smem:$0x3FB4] =	sst s0  }
0x18: {  	s0 =	sld [smem:$0x3F97];
	_ =	swait.ge [sflag:s4], $0x0  }
0x19: {  	s7 =	sld [smem:$0x3F98]  }
0x1a: {  	s8 =	sadd.s32 $0xFFFFE003, lr  }
0x1b: {  	s9 =	sadd.s32 $0xFFFFFEF7, lr;
	s5 =	simm.s32 $0xFFFFFFFF;
	p2 =	slt.u32 s8, $0xFFFFF086  }
0x1c: {  	p1 =	slt.u32 s9, $0xF7A;
	s5 =	simm.s32 @!p2 $0x0  }
0x1d: {  	s5 =	simm.s32 @p1 $0x1;
	p0 =	seq.s32 s7, s2  }
0x1e: {  	s7 =	smul.u32 @!p0 $0xF7A, s2;
	p2 =	seq.s32 @!p0 s5, $0x0  }
0x1f: {  	s9 =	smul.u32 $0xF7A, s1;
	s8 =	simm.s32 @!p0 $0x1BF5;
	p2 =	por !p2, p0  }
0x20: {  	[sflag:s8] =	ssyncset.s32 @!p0 $0xFFFFF086;
	s6 =	sadd.s32 @!p0 s3, s7;
	s7 =	simm.s32 @!p0 $0x108  }
0x21: {  	s3 =	sadd.s32 s3, s9;
	s6 =	sadd.s32 @!p0 $0x88, s6;
	s7 =	simm.s32 @p2 $0x1082  }
0x22: {  	[simem:s7], [sflag:s8] =	dma.local @!p0 [hbm:s6], $0xF7A  }
0x23: {  	s9 =	sor.u32 $0xD0000000, s2;
	s6 =	simm.s32 $0x108;
	_ =	swait.ge @!p0 [sflag:s8], $0x0  }
0x24: {  	s3 =	sadd.s32 $0x88, s3;
	s6 =	simm.s32 @!p1 $0x1082;
	[sflag:s4] =	ssyncset.s32 $0xFFFFF086  }
0x25: {  	[simem:s6], [sflag:s4] =	dma.local [hbm:s3], $0xF7A  }
0x26: {  	[smem:$0x3F98] =	sst s1;
	(tag) =	ssettag s2;
	_ =	strace s9  }
0x27: {  	s1 =	sld [smem:$0x3FA8]  }
0x28: {  	s2 =	sld [smem:$0x3FA9]  }
0x29: {  	s4 =	sld [smem:$0x3FAB]  }
0x2a: {  	p0 =	seq.s32 s5, $0x0;
	s5 =	sld [smem:$0x3FAC]  }
0x2b: {  	s6 =	sld [smem:$0x3FAD]  }
0x2c: {  	s7 =	sld [smem:$0x3FAE]  }
0x2d: {  	s3 =	simm.s32 $0x108;
	s8 =	sld [smem:$0x3FAF]  }
0x2e: {  	s3 =	simm.s32 @!p0 $0x1082;
	s9 =	sld [smem:$0x3FB0]  }
0x2f: {  	lr =	sadd.s32 s0, s3;
	s0 =	sld [smem:$0x3FA7]  }
0x30: {  	s3 =	sld [smem:$0x3FAA]  }
0x31: {  	[smem:$0x3FB3] =	sst s10  }
0x32: {  	s10 =	sld [smem:$0x3FB1];
	_ =	sdelay $0x3  }
0x33: {  	p0 =	seq.s32 s10, $0x1;
	s10 =	sld [smem:$0x3FB3];
	_ =	sdelay $0x3  }
0x34: {  	[smem:$0x3FB3] =	sst s10  }
0x35: {  	s10 =	sld [smem:$0x3FB2];
	_ =	sdelay $0x3  }
0x36: {  	p1 =	seq.s32 s10, $0x1;
	s10 =	sld [smem:$0x3FB3];
	_ =	sdelay $0x3  }
0x37: {  	[smem:$0x3FB3] =	sst s10  }
0x38: {  	s10 =	sld [smem:$0x3FB4]  }
0x39: {  	_ = 	snop;
	(pc) =	sbr.ind lr, $3  }
0x3a: {  	_ = 	snop  }
0x3b: {  	_ = 	snop  }
0x3c: {  	p2 =	seq.s32 s10, $0x1;
	s10 =	sld [smem:$0x3FB3]  }
0x3d: {  	_ =	shalt  }
0x3e: {  	_ =	shalt  }
0x3f: {  	_ =	shalt  }
0x40: {  	_ =	shalt  }
0x41: {  	_ =	shalt  }
0x42: {  	_ =	shalt  }
0x43: {  	_ =	shalt  }
0x44: {  	_ =	shalt  }
0x45: {  	_ =	shalt  }
0x46: {  	_ =	shalt  }
0x47: {  	_ =	shalt  }
0x48: {  	_ =	shalt  }
0x49: {  	_ =	shalt  }
0x4a: {  	_ =	shalt  }
0x4b: {  	_ =	shalt  }
0x4c: {  	_ =	shalt  }
0x4d: {  	_ =	shalt  }
0x4e: {  	_ =	shalt  }
0x4f: {  	_ =	shalt  }
0x50: {  	_ =	shalt  }
0x51: {  	_ =	shalt  }
0x52: {  	_ =	shalt  }
0x53: {  	_ =	shalt  }
0x54: {  	_ =	shalt  }
0x55: {  	_ =	shalt  }
0x56: {  	_ =	shalt  }
0x57: {  	_ =	shalt  }
0x58: {  	_ =	shalt  }
0x59: {  	_ =	shalt  }
0x5a: {  	_ =	shalt  }
0x5b: {  	_ =	shalt  }
0x5c: {  	_ =	shalt  }
0x5d: {  	_ =	shalt  }
0x5e: {  	_ =	shalt  }
0x5f: {  	_ =	shalt  }
0x60: {  	_ =	shalt  }
0x61: {  	_ =	shalt  }
0x62: {  	_ =	shalt  }
0x63: {  	_ =	shalt  }
0x64: {  	_ =	shalt  }
0x65: {  	_ =	shalt  }
0x66: {  	_ =	shalt  }
0x67: {  	_ =	shalt  }
0x68: {  	_ =	shalt  }
0x69: {  	_ =	shalt  }
0x6a: {  	_ =	shalt  }
0x6b: {  	_ =	shalt  }
0x6c: {  	_ =	shalt  }
0x6d: {  	_ =	shalt  }
0x6e: {  	_ =	shalt  }
0x6f: {  	_ =	shalt  }
0x70: {  	_ =	shalt  }
0x71: {  	_ =	shalt  }
0x72: {  	_ =	shalt  }
0x73: {  	_ =	shalt  }
0x74: {  	_ =	shalt  }
0x75: {  	_ =	shalt  }
0x76: {  	_ =	shalt  }
0x77: {  	_ =	shalt  }
0x78: {  	_ =	shalt  }
0x79: {  	_ =	shalt  }
0x7a: {  	_ =	shalt  }
0x7b: {  	_ =	shalt  }
0x7c: {  	_ =	shalt  }
0x7d: {  	_ =	shalt  }
0x7e: {  	_ =	shalt  }
0x7f: {  	_ =	shalt  }
0x80: {  	_ =	shalt  }
0x81: {  	_ =	shalt  }
0x82: {  	_ =	shalt  }
0x83: {  	_ =	shalt  }
0x84: {  	_ =	shalt  }
0x85: {  	_ =	shalt  }
0x86: {  	_ =	shalt  }
0x87: {  	_ =	shalt  }
.Lfunc_end0:
.L_simem_size_0:
called_computation.2_lowered:
.L_overlay_start_0:
0x88: {  	s2 =	sld [smem:$0x3FD9]  }
0x89: {  	s3 =	sld [smem:$0x3FFE];
	_ =	sdelay $0x1  }
0x8a: {  	s1 =	srdreg.scid  }
0x8b: {  	s0 =	sand.u32 $0x1, s1  }
0x8c: {  	s16 =	sshll.u32 s0, $0xA;
	s2 =	sadd.s32 s3, s2  }
0x8d: {  	s2 =	sadd.s32 s2, s16  }
0x8e: {  	[smem:$0x3FBF] =	sst s2  }
0x8f: {  	_ = 	snop  }
0x90: {  	(tm) =	ssettm $0x1  }
0x91: {  	s17 =	sld [smem:$0x3FFB];
	_ =	sdelay $0x3  }
0x92: {  	_ =	strace s17  }
0x93: {  	s2 =	sld [smem:$0x3FFC];
	_ =	sdelay $0x3  }
0x94: {  	_ =	strace s2  }
0x95: {  	s2 =	sld [smem:$0x3FFD];
	_ =	sdelay $0x3  }
0x96: {  	_ =	strace s2  }
0x97: {  	_ =	strace $0x8FFFFFFF  }
0x98: {  	s18 =	sld [smem:$0x3FDB];
	_ =	sdelay $0x1  }
0x99: {  	s19 =	simm.s32 $_scs_section_size  }
0x9a: {  	s4 =	simm.s32 $_size__tile_overlayer_lowered;
	s5 =	simm.s32 $_tile_overlayer_lowered  }
0x9b: {  	s22 =	simm.s32 $0x1BFF;
	s21 =	sshll.u32 s5, $0x1;
	s2 =	sadd.s32 s19, s18  }
0x9c: {  	s6 =	simm.s32 $0x0;
	s20 =	sshll.u32 s4, $0x1;
	s4 =	sadd.s32 s21, s2  }
0x9d: {  	[timem:s6], [sflag:s22] =	dma.local [hbm:s4], s20  }
0x9e: {  	_ =	swait.ge [sflag:s22], s20  }
0x9f: {  	s3 =	ssub.s32 $0x0, s20;
	[sflag:s22] =	ssyncset.done $0x0  }
0xa0: {  	[sflag:s22] =	ssyncadd.s32 s3;
	_ =	sdelay $0x1  }
0xa1: {  	s23 =	simm.s32 $0x1B8B  }
0xa2: {  	_ =	swait.ge [sflag:s23], $0x1  }
0xa3: {  	[sflag:s23] =	ssyncset.done $0x0  }
0xa4: {  	s25 =	simm.s32 $0x1B8E;
	s24 =	sld [smem:$0x3FFE];
	[sflag:s23] =	ssyncadd.s32 $0xFFFFFFFF  }
0xa5: {  	s26 =	simm.s32 $execute0_lowered;
	[smem:$0x3FD2] =	sst s25  }
0xa6: {  	s4 =	sshll.u32 s26, $0x1;
	_ =	strace $0x8000004C;
	[dreg:$0x1] =	wrdreg $0xFFFFFFFF  }
0xa7: {  	s28 =	simm.s32 $_size_execute0_lowered;
	s2 =	sadd.s32 s2, s4;
	[dreg:$0x0] =	wrdreg $0x0  }
0xa8: {  	s4 =	sshll.u32 s28, $0x1;
	[dreg:$0x2] =	wrdreg s2  }
0xa9: {  	[dreg:$0x3] =	wrdreg s4  }
0xaa: {  	[dreg:$0x4] =	wrdreg $0xC0  }
0xab: {  	_ =	task [dreg:s6], $0x5FFFF  }
0xac: {  	[dreg:$0x1] =	wrdreg $0xFFFFFFFF  }
0xad: {  	[dreg:$0x0] =	wrdreg $0x60  }
0xae: {  	[dreg:$0x2] =	wrdreg s24  }
0xaf: {  	[dreg:$0x3] =	wrdreg $0xA8000  }
0xb0: {  	[dreg:$0x4] =	wrdreg $0x9  }
0xb1: {  	_ =	task.clear_ibuf [dreg:s6], $0x5FFFF;
	_ =	strace $0x9000004C  }
0xb2: {  	s29 =	simm.s32 $0x9;
	_ =	strace $0x8000004E  }
0xb3: {  	_ =	swait.ge [sflag:s29], $0x1  }
0xb4: {  	[sflag:s29] =	ssyncadd.s32 $0xFFFFFFFF  }
0xb5: {  	_ =	strace $0x9000004E  }
0xb6: {  	_ =	sfence  }
0xb7: {  	s30 =	sld [smem:$0x0];
	_ =	sdelay $0x2  }
0xb8: {  	s31 =	sshll.u32 s1, $0xD;
	s1 =	sshrl.u32 s1, $0x2  }
0xb9: {  	s3 =	sand.u32 $0x4000, s31;
	s1 =	sadd.s32 s1, s30  }
0xba: {  	s0 =	sor.u32 s3, s0;
	s1 =	sshll.u32 s1, $0x11  }
0xbb: {  	s0 =	sor.u32 s1, s0  }
0xbc: {  	s0 =	sadd.s32 $0x8F2B, s0  }
0xbd: {  	[sflag:s0] =	ssyncadd.remote.s32 $0x1  }
0xbe: {  	_ =	sfence.sel $0xFFFF  }
0xbf: {  	[dreg:$0x0] =	wrdreg $0xFFFFFFFF;
	(pc) =	sbr.abs _section_cstart, $3  }
0xc0: {  	[dreg:$0x1] =	wrdreg $0xFFFFFFFF  }
0xc1: {  	_ =	task.clear_ibuf [dreg:s6], $0x2FFFF;
	_ =	strace $0x9FFFFFFF  }
0xc2: {  	(tm) =	ssettm $0x7FFFFFFF  }
0xc3: {  	_ =	shalt  }
tec
execute0_lowered:
.L_overlay_start_1:
0x0: {  	(tag) =	ssettag $0x1  }
0x1: {  	s5 =	rddreg [dreg:$0x0]  }
0x2: {  	s2 =	rddreg [dreg:$0x1]  }
0x3: {  	s0 =	rddreg [dreg:$0x2]  }
0x4: {  	s4 =	srdreg.scid;
	s1 =	stileid.u32  }
0x5: {  	s3 =	simm.s32 $0x0;
	s15 =	simm.s32 $0x6800;
	s16 =	simm.s32 $0x1  }
0x6: {  	s17 =	simm.s32 $0x2;
	s18 =	simm.s32 $0x2700;
	s19 =	simm.s32 $0x2680  }
0x7: {  	s20 =	simm.s32 $0x2780;
	s21 =	simm.s32 $0x0;
	s6 =	sand.u32 $0x1, s4  }
0x8: {  	s7 =	smul.u32 $0x14000, s1;
	[smem:$0x7FF] =	sst s3;
	s4 =	sadd.s32 $0x17A00, s5  }
0x9: {  	s9 =	sadd.s32 $0x3A00, s5;
	s11 =	smul.u32 $0x50000, s1;
	s29 =	sshll.u32 s1, $0x6  }
0xa: {  	s8 =	smul.u32 $0x140000, s6;
	_ =	strace $0x8000004D;
	s10 =	sshll.u32 s6, $0x4  }
0xb: {  	s22 =	ssub.s32 $0x2, s6;
	s6 =	sor.u32 $0x1C03, s29;
	s23 =	sor.u32 s1, s10  }
0xc: {  	s24 =	sshrl.u32 s22, $0x1;
	s25 =	sshrl.u32 s11, $0x2;
	s28 =	sshrl.u32 s7, $0x3  }
0xd: {  	s8 =	sadd.s32 s7, s8;
	s26 =	smul.u32 $0x5000, s23;
	s13 =	ssub.s32 s22, s24  }
0xe: {  	s14 =	sadd.s32 s25, s2;
	s30 =	smul.u32 $0xA00, s23;
	s8 =	sshrl.u32 s8, $0x3  }
0xf: {  	s11 =	sshrl.u32 s14, $0x3;
	s14 =	simm.s32 $0x2800;
	s12 =	sadd.s32 s8, s5  }
0x10: {  	s31 =	sshrl.u32 s26, $0x3;
	s5 =	sadd.s32 s4, s28;
	s7 =	sadd.s32 s9, s30  }
0x11: {  	s10 =	sadd.s32 s9, s31;
	s9 =	sadd.s32 $0x3FA00, s12;
	s12 =	simm.s32 $0x3  }
0x12: {  	s8 =	sadd.s32 $0x500, s10;
	s10 =	smax.u32 s13, $0x1;
	s13 =	simm.s32 $0x80  }
.LBB2_1:
0x13: {  	[spmem:s11], [sflag:s6] =	dma.local [hbm:s5], $0x2800  }
0x14: {  	_ =	swait.ge [sflag:s12], $0x2800  }
0x15: {  	[sflag:s12] =	ssyncset.done $0x0  }
0x16: {  	[sflag:s12] =	ssyncadd.s32 $0xFFFFD800  }
0x17: {  	[bflag:$0x0] =	sbarrier.arrive $0xFFFF  }
0x18: {  	[tilespmem:s3], [sflag:$0x3] =	stream.linear.gather [hbm4b:s7+s3], $0x2800, $0x38;
	[tilespmem:$0x1E800] =	vst v63  }
0x19: {  	_ =	swait.ge [sflag:s12], $0x2800  }
0x1a: {  	[sflag:s12] =	ssyncset.done $0x0  }
0x1b: {  	[sflag:s12] =	ssyncadd.s32 $0xFFFFD800  }
0x1c: {  	[tilespmem:s14], [sflag:$0x1] =	stream.indirect.gather [hbm4b:s4+s13], $0x80, s3, s13, $0xb8;
	[tilespmem:$0x1E800] =	vst v63  }
0x1d: {  	s22 =	simm.s32 $0x100  }
0x1e: {  	[tilespmem:s15], [sflag:$0x2] =	stream.indirect.gather [hbm4b:s4+s13], $0x80, s22, s13, $0xb8;
	[tilespmem:$0x1E800] =	vst v63  }
0x1f: {  	_ =	swait.ge [sflag:s16], $0x4000  }
0x20: {  	[sflag:s16] =	ssyncset.done $0x0  }
0x21: {  	s29 =	simm.s32 $0x80;
	[sflag:s16] =	ssyncadd.s32 $0xFFFFC000  }
0x22: {  	[spmem:s2] =	stream.indirect.scatter.add.f32 [tilespmem:s14], [sflag:$0x3], $0x80, s29, s13, $0xb8;
	[tilespmem:$0x1E800] =	vst v63  }
0x23: {  	_ =	swait.ge [sflag:s12], $0x4000  }
0x24: {  	[sflag:s12] =	ssyncset.done $0x0  }
0x25: {  	s30 =	simm.s32 $0x200;
	[sflag:s12] =	ssyncadd.s32 $0xFFFFC000  }
0x26: {  	[tilespmem:s14], [sflag:$0x1] =	stream.indirect.gather [hbm4b:s4+s13], $0x80, s30, s13, $0xb8;
	[tilespmem:$0x1E800] =	vst v63  }
0x27: {  	_ =	swait.ge [sflag:s17], $0x4000  }
0x28: {  	[sflag:s17] =	ssyncset.done $0x0  }
0x29: {  	s31 =	simm.s32 $0x180;
	[sflag:s17] =	ssyncadd.s32 $0xFFFFC000  }
0x2a: {  	[spmem:s2] =	stream.indirect.scatter.add.f32 [tilespmem:s15], [sflag:$0x3], $0x80, s31, s13, $0xb8;
	[tilespmem:$0x1E800] =	vst v63  }
0x2b: {  	_ =	swait.ge [sflag:s12], $0x4000  }
0x2c: {  	s23 =	simm.s32 $0xFFFF7800;
	s22 =	simm.s32 $0xFFFFDC00;
	[sflag:s12] =	ssyncset.done $0x0  }
.LBB2_2:
0x2d: {  	s24 =	sadd.s32 $0x2700, s22  }
0x2e: {  	[sflag:s12] =	ssyncadd.s32 $0xFFFFC000;
	s25 =	smov.u32 s23;
	s26 =	sadd.s32 $0x800, s23  }
0x2f: {  	[tilespmem:s15], [sflag:$0x2] =	stream.indirect.gather [hbm4b:s4+s13], $0x80, s24, s13, $0xb8;
	[tilespmem:$0x1E800] =	vst v63  }
0x30: {  	p0 =	sne.s32 s23, $0xFFFFF800;
	_ =	swait.ge [sflag:s16], $0x4000  }
0x31: {  	[sflag:s16] =	ssyncset.done $0x0  }
0x32: {  	s23 =	sadd.s32 $0x2680, s22;
	[sflag:s16] =	ssyncadd.s32 $0xFFFFC000  }
0x33: {  	[spmem:s2] =	stream.indirect.scatter.add.f32 [tilespmem:s14], [sflag:$0x3], $0x80, s23, s13, $0xb8;
	[tilespmem:$0x1E800] =	vst v63  }
0x34: {  	_ =	swait.ge [sflag:s12], $0x4000  }
0x35: {  	[sflag:s12] =	ssyncset.done $0x0  }
0x36: {  	s23 =	sadd.s32 $0x2800, s22;
	[sflag:s12] =	ssyncadd.s32 $0xFFFFC000  }
0x37: {  	[tilespmem:s14], [sflag:$0x1] =	stream.indirect.gather [hbm4b:s4+s13], $0x80, s23, s13, $0xb8;
	[tilespmem:$0x1E800] =	vst v63  }
0x38: {  	_ =	swait.ge [sflag:s17], $0x4000  }
.Ltmp0:
0x39: {  	[sflag:s17] =	ssyncset.done $0x0;
	(pc) =	sbr.rel @p0 .LBB2_2-.Ltmp0, $4  }
0x3a: {  	s22 =	sadd.s32 $0x2780, s22;
	[sflag:s17] =	ssyncadd.s32 $0xFFFFC000  }
0x3b: {  	[spmem:s2] =	stream.indirect.scatter.add.f32 [tilespmem:s15], [sflag:$0x3], $0x80, s22, s13, $0xb8;
	[tilespmem:$0x1E800] =	vst v63  }
0x3c: {  	_ =	swait.ge [sflag:s12], $0x4000  }
0x3d: {  	s23 =	smov.u32 s26;
	s22 =	sshra.s32 s25, $0x2;
	[sflag:s12] =	ssyncset.done $0x0  }
0x3e: {  	s23 =	sadd.s32 $0x2700, s22;
	[sflag:s12] =	ssyncadd.s32 $0xFFFFC000  }
0x3f: {  	[tilespmem:s15], [sflag:$0x2] =	stream.indirect.gather [hbm4b:s4+s13], $0x80, s23, s13, $0xb8;
	[tilespmem:$0x1E800] =	vst v63  }
0x40: {  	_ =	swait.ge [sflag:s16], $0x4000  }
0x41: {  	[sflag:s16] =	ssyncset.done $0x0  }
0x42: {  	s24 =	sadd.s32 $0x2680, s22;
	[sflag:s16] =	ssyncadd.s32 $0xFFFFC000  }
0x43: {  	[spmem:s2] =	stream.indirect.scatter.add.f32 [tilespmem:s14], [sflag:$0x3], $0x80, s24, s13, $0xb8;
	[tilespmem:$0x1E800] =	vst v63  }
0x44: {  	_ =	swait.ge [sflag:s12], $0x4000  }
0x45: {  	[sflag:s12] =	ssyncset.done $0x0  }
0x46: {  	s25 =	sadd.s32 $0x2800, s22;
	[sflag:s12] =	ssyncadd.s32 $0xFFFFC000  }
0x47: {  	[tilespmem:s14], [sflag:$0x1] =	stream.indirect.gather [hbm4b:s4+s13], $0x80, s25, s13, $0xb8;
	[tilespmem:$0x1E800] =	vst v63  }
0x48: {  	_ =	swait.ge [sflag:s17], $0x4000  }
0x49: {  	[sflag:s17] =	ssyncset.done $0x0  }
0x4a: {  	s26 =	sadd.s32 $0x2780, s22;
	[sflag:s17] =	ssyncadd.s32 $0xFFFFC000  }
0x4b: {  	[spmem:s2] =	stream.indirect.scatter.add.f32 [tilespmem:s15], [sflag:$0x3], $0x80, s26, s13, $0xb8;
	[tilespmem:$0x1E800] =	vst v63  }
0x4c: {  	_ =	swait.ge [sflag:s12], $0x4000  }
0x4d: {  	[sflag:s12] =	ssyncset.done $0x0  }
0x4e: {  	[sflag:s12] =	ssyncadd.s32 $0xFFFFC000  }
0x4f: {  	[tilespmem:s15], [sflag:$0x2] =	stream.indirect.gather [hbm4b:s4+s13], $0x80, s18, s13, $0xb8;
	[tilespmem:$0x1E800] =	vst v63  }
0x50: {  	_ =	swait.ge [sflag:s16], $0x4000  }
0x51: {  	[sflag:s16] =	ssyncset.done $0x0  }
0x52: {  	[sflag:s16] =	ssyncadd.s32 $0xFFFFC000  }
0x53: {  	[spmem:s2] =	stream.indirect.scatter.add.f32 [tilespmem:s14], [sflag:$0x3], $0x80, s19, s13, $0xb8;
	[tilespmem:$0x1E800] =	vst v63  }
0x54: {  	_ =	swait.ge [sflag:s12], $0x4000  }
0x55: {  	[sflag:s12] =	ssyncset.done $0x0  }
0x56: {  	[sflag:s12] =	ssyncadd.s32 $0xFFFFC000  }
0x57: {  	_ =	swait.ge [sflag:s17], $0x4000  }
0x58: {  	[sflag:s17] =	ssyncset.done $0x0  }
0x59: {  	[sflag:s17] =	ssyncadd.s32 $0xFFFFC000  }
0x5a: {  	[spmem:s2] =	stream.indirect.scatter.add.f32 [tilespmem:s15], [sflag:$0x3], $0x80, s20, s13, $0xb8;
	[tilespmem:$0x1E800] =	vst v63  }
0x5b: {  	_ =	swait.ge [sflag:s12], $0x4000  }
0x5c: {  	[sflag:s12] =	ssyncset.done $0x0  }
0x5d: {  	[sflag:s12] =	ssyncadd.s32 $0xFFFFC000  }
0x5e: {  	[tilespmem:s3], [sflag:$0x3] =	stream.linear.gather [hbm4b:s8+s3], $0x2800, $0x38;
	[tilespmem:$0x1E800] =	vst v63  }
0x5f: {  	_ =	swait.ge [sflag:s12], $0x2800  }
0x60: {  	[sflag:s12] =	ssyncset.done $0x0  }
0x61: {  	[sflag:s12] =	ssyncadd.s32 $0xFFFFD800  }
0x62: {  	[tilespmem:s14], [sflag:$0x1] =	stream.indirect.gather [hbm4b:s4+s13], $0x80, s3, s13, $0xb8;
	[tilespmem:$0x1E800] =	vst v63  }
0x63: {  	s28 =	simm.s32 $0x100  }
0x64: {  	[tilespmem:s15], [sflag:$0x2] =	stream.indirect.gather [hbm4b:s4+s13], $0x80, s28, s13, $0xb8;
	[tilespmem:$0x1E800] =	vst v63  }
0x65: {  	_ =	swait.ge [sflag:s16], $0x4000  }
0x66: {  	[sflag:s16] =	ssyncset.done $0x0  }
0x67: {  	s29 =	simm.s32 $0x80;
	[sflag:s16] =	ssyncadd.s32 $0xFFFFC000  }
0x68: {  	[spmem:s2] =	stream.indirect.scatter.add.f32 [tilespmem:s14], [sflag:$0x3], $0x80, s29, s13, $0xb8;
	[tilespmem:$0x1E800] =	vst v63  }
0x69: {  	_ =	swait.ge [sflag:s12], $0x4000  }
0x6a: {  	[sflag:s12] =	ssyncset.done $0x0  }
0x6b: {  	s30 =	simm.s32 $0x200;
	[sflag:s12] =	ssyncadd.s32 $0xFFFFC000  }
0x6c: {  	[tilespmem:s14], [sflag:$0x1] =	stream.indirect.gather [hbm4b:s4+s13], $0x80, s30, s13, $0xb8;
	[tilespmem:$0x1E800] =	vst v63  }
0x6d: {  	_ =	swait.ge [sflag:s17], $0x4000  }
0x6e: {  	[sflag:s17] =	ssyncset.done $0x0  }
0x6f: {  	s31 =	simm.s32 $0x180;
	[sflag:s17] =	ssyncadd.s32 $0xFFFFC000  }
0x70: {  	[spmem:s2] =	stream.indirect.scatter.add.f32 [tilespmem:s15], [sflag:$0x3], $0x80, s31, s13, $0xb8;
	[tilespmem:$0x1E800] =	vst v63  }
0x71: {  	_ =	swait.ge [sflag:s12], $0x4000  }
0x72: {  	s22 =	simm.s32 $0xFFFFDC00;
	s23 =	simm.s32 $0xFFFF7800;
	[sflag:s12] =	ssyncset.done $0x0  }
.LBB2_4:
0x73: {  	s24 =	sadd.s32 $0x2700, s22  }
0x74: {  	[sflag:s12] =	ssyncadd.s32 $0xFFFFC000;
	s25 =	smov.u32 s23;
	s26 =	sadd.s32 $0x800, s23  }
0x75: {  	[tilespmem:s15], [sflag:$0x2] =	stream.indirect.gather [hbm4b:s4+s13], $0x80, s24, s13, $0xb8;
	[tilespmem:$0x1E800] =	vst v63  }
0x76: {  	p0 =	sne.s32 s23, $0xFFFFF800;
	_ =	swait.ge [sflag:s16], $0x4000  }
0x77: {  	[sflag:s16] =	ssyncset.done $0x0  }
0x78: {  	s23 =	sadd.s32 $0x2680, s22;
	[sflag:s16] =	ssyncadd.s32 $0xFFFFC000  }
0x79: {  	[spmem:s2] =	stream.indirect.scatter.add.f32 [tilespmem:s14], [sflag:$0x3], $0x80, s23, s13, $0xb8;
	[tilespmem:$0x1E800] =	vst v63  }
0x7a: {  	_ =	swait.ge [sflag:s12], $0x4000  }
0x7b: {  	[sflag:s12] =	ssyncset.done $0x0  }
0x7c: {  	s23 =	sadd.s32 $0x2800, s22;
	[sflag:s12] =	ssyncadd.s32 $0xFFFFC000  }
0x7d: {  	[tilespmem:s14], [sflag:$0x1] =	stream.indirect.gather [hbm4b:s4+s13], $0x80, s23, s13, $0xb8;
	[tilespmem:$0x1E800] =	vst v63  }
0x7e: {  	_ =	swait.ge [sflag:s17], $0x4000  }
.Ltmp1:
0x7f: {  	[sflag:s17] =	ssyncset.done $0x0;
	(pc) =	sbr.rel @p0 .LBB2_4-.Ltmp1, $4  }
0x80: {  	s22 =	sadd.s32 $0x2780, s22;
	[sflag:s17] =	ssyncadd.s32 $0xFFFFC000  }
0x81: {  	[spmem:s2] =	stream.indirect.scatter.add.f32 [tilespmem:s15], [sflag:$0x3], $0x80, s22, s13, $0xb8;
	[tilespmem:$0x1E800] =	vst v63  }
0x82: {  	_ =	swait.ge [sflag:s12], $0x4000  }
0x83: {  	s23 =	smov.u32 s26;
	s22 =	sshra.s32 s25, $0x2;
	[sflag:s12] =	ssyncset.done $0x0  }
0x84: {  	s23 =	sadd.s32 $0x2700, s22;
	[sflag:s12] =	ssyncadd.s32 $0xFFFFC000  }
0x85: {  	[tilespmem:s15], [sflag:$0x2] =	stream.indirect.gather [hbm4b:s4+s13], $0x80, s23, s13, $0xb8;
	[tilespmem:$0x1E800] =	vst v63  }
0x86: {  	_ =	swait.ge [sflag:s16], $0x4000  }
0x87: {  	[sflag:s16] =	ssyncset.done $0x0  }
0x88: {  	s29 =	sadd.s32 $0x2680, s22;
	[sflag:s16] =	ssyncadd.s32 $0xFFFFC000  }
0x89: {  	[spmem:s2] =	stream.indirect.scatter.add.f32 [tilespmem:s14], [sflag:$0x3], $0x80, s29, s13, $0xb8;
	[tilespmem:$0x1E800] =	vst v63  }
0x8a: {  	_ =	swait.ge [sflag:s12], $0x4000  }
0x8b: {  	[sflag:s12] =	ssyncset.done $0x0  }
0x8c: {  	s30 =	sadd.s32 $0x2800, s22;
	[sflag:s12] =	ssyncadd.s32 $0xFFFFC000  }
0x8d: {  	[tilespmem:s14], [sflag:$0x1] =	stream.indirect.gather [hbm4b:s4+s13], $0x80, s30, s13, $0xb8;
	[tilespmem:$0x1E800] =	vst v63  }
0x8e: {  	_ =	swait.ge [sflag:s17], $0x4000  }
0x8f: {  	[sflag:s17] =	ssyncset.done $0x0  }
0x90: {  	s31 =	sadd.s32 $0x2780, s22;
	[sflag:s17] =	ssyncadd.s32 $0xFFFFC000  }
0x91: {  	[spmem:s2] =	stream.indirect.scatter.add.f32 [tilespmem:s15], [sflag:$0x3], $0x80, s31, s13, $0xb8;
	[tilespmem:$0x1E800] =	vst v63  }
0x92: {  	_ =	swait.ge [sflag:s12], $0x4000  }
0x93: {  	[sflag:s12] =	ssyncset.done $0x0  }
0x94: {  	[sflag:s12] =	ssyncadd.s32 $0xFFFFC000  }
0x95: {  	[tilespmem:s15], [sflag:$0x2] =	stream.indirect.gather [hbm4b:s4+s13], $0x80, s18, s13, $0xb8;
	[tilespmem:$0x1E800] =	vst v63  }
0x96: {  	_ =	swait.ge [sflag:s16], $0x4000  }
0x97: {  	[sflag:s16] =	ssyncset.done $0x0  }
0x98: {  	[sflag:s16] =	ssyncadd.s32 $0xFFFFC000  }
0x99: {  	[spmem:s2] =	stream.indirect.scatter.add.f32 [tilespmem:s14], [sflag:$0x3], $0x80, s19, s13, $0xb8;
	[tilespmem:$0x1E800] =	vst v63  }
0x9a: {  	_ =	swait.ge [sflag:s12], $0x4000  }
0x9b: {  	[sflag:s12] =	ssyncset.done $0x0  }
0x9c: {  	[sflag:s12] =	ssyncadd.s32 $0xFFFFC000  }
0x9d: {  	_ =	swait.ge [sflag:s17], $0x4000  }
0x9e: {  	[sflag:s17] =	ssyncset.done $0x0  }
0x9f: {  	[sflag:s17] =	ssyncadd.s32 $0xFFFFC000  }
0xa0: {  	[spmem:s2] =	stream.indirect.scatter.add.f32 [tilespmem:s15], [sflag:$0x3], $0x80, s20, s13, $0xb8;
	[tilespmem:$0x1E800] =	vst v63  }
0xa1: {  	_ =	swait.ge [sflag:s12], $0x4000  }
0xa2: {  	s21 =	sadd.s32 $0x1, s21;
	[sflag:s12] =	ssyncset.done $0x0  }
0xa3: {  	p0 =	sne.s32 s21, s10;
	[sflag:s12] =	ssyncadd.s32 $0xFFFFC000  }
.Ltmp2:
0xa4: {  	[bflag:$0x0] =	sbarrier.arrive $0xFFFF;
	(pc) =	sbr.rel @p0 .LBB2_1-.Ltmp2, $4  }
0xa5: {  	[hbm:s9], [sflag:s6] =	dma.local [spmem:s11], $0x2800  }
0xa6: {  	_ =	swait.ge [sflag:s12], $0x2800  }
0xa7: {  	[sflag:s12] =	ssyncset.done $0x0  }
0xa8: {  	[sflag:s12] =	ssyncadd.s32 $0xFFFFD800  }
0xa9: {  	_ =	sfence.sel $0x180000  }
0xaa: {  	[bflag:$0x0] =	sbarrier.arrive $0xFFFF  }
0xab: {  	p0 =	sne.s32 s1, $0x0;
	_ =	strace $0x9000004D  }
0xac: {  	s0 =	sadd.s32 @!p0 $0x100000, s0;
	[bflag:$0x2] =	sbarrier.arrive $0xFFFF  }
0xad: {  	[sflag:s0] =	ssyncadd.tile.s32 @!p0 $0x1;
	_ =	shalt  }
.Lfunc_end2:
_tile_overlayer_lowered:
.L_overlay_start_2:
0xae: {  	(tag) =	ssettag $0x2  }
0xaf: {  	s0 =	rddreg [dreg:$0x0];
	s2 =	stileid.u32  }
0xb0: {  	s1 =	rddreg [dreg:$0x1];
	p0 =	sne.s32 s2, $0x0  }
0xb1: {  	s3 =	rddreg [dreg:$0x2];
	[bflag:$0x3] =	sbarrier.arrive $0xFFFF;
	s2 =	simm.s32 @!p0 $0x1C03  }
0xb2: {  	[timem:s3], [sflag:s2] =	dma.local @!p0 [hbm:s0], s1  }
0xb3: {  	s0 =	simm.s32 @!p0 $0x3  }
0xb4: {  	_ =	swait.ge @!p0 [sflag:s0], s1  }
0xb5: {  	s1 =	ssub.s32 @!p0 $0x0, s1;
	[sflag:s0] =	ssyncset.done @!p0 $0x0  }
0xb6: {  	[sflag:s0] =	ssyncadd.s32 @!p0 s1  }
0xb7: {  	[bflag:$0x3] =	sbarrier.arrive $0xFFFF  }
0xb8: {  	_ =	shalt  }

// kernel: kernel.19.cloned.1.call-start
scs
__scs_entry_jumppad:
0x0: {  	(pc) =	sbr.rel $0x88, $3  }
0x1: {  	(tag) =	ssettag $0x0;
	lr =	simm.s32 $0x1  }
0x2: {  	[smem:$0x3F98] =	sst lr;
	_ =	strace $0xD0000000  }
0x3: {  	_ = 	snop  }
0x4: {  	_ = 	snop  }
0x5: {  	_ = 	snop  }
0x6: {  	_ = 	snop  }
0x7: {  	_ = 	snop  }
__scs_overlays_trampoline_lowered:
0x8: {  	[smem:$0x3FA7] =	sst s0  }
0x9: {  	[smem:$0x3FA8] =	sst s1  }
0xa: {  	[smem:$0x3FA9] =	sst s2  }
0xb: {  	[smem:$0x3FAA] =	sst s3  }
0xc: {  	[smem:$0x3FAB] =	sst s4  }
0xd: {  	[smem:$0x3FAC] =	sst s5  }
0xe: {  	[smem:$0x3FAD] =	sst s6  }
0xf: {  	[smem:$0x3FAE] =	sst s7  }
0x10: {  	[smem:$0x3FAF] =	sst s8  }
0x11: {  	[smem:$0x3FB0] =	sst s9;
	s0 =	simm.s32 @!p0 $0x0  }
0x12: {  	s1 =	sld [smem:$0x3F96];
	s0 =	simm.s32 @p0 $0x1  }
0x13: {  	[smem:$0x3FB1] =	sst s0;
	s0 =	simm.s32 @!p1 $0x0  }
0x14: {  	s2 =	sld [smem:$0x3F95];
	s0 =	simm.s32 @p1 $0x1  }
0x15: {  	[smem:$0x3FB2] =	sst s0;
	s0 =	simm.s32 @!p2 $0x0  }
0x16: {  	s3 =	sld [smem:$0x3FDB];
	s0 =	simm.s32 @p2 $0x1  }
0x17: {  	s4 =	simm.s32 $0x1BF5;
	[smem:$0x3FB4] =	sst s0  }
0x18: {  	s0 =	sld [smem:$0x3F97];
	_ =	swait.ge [sflag:s4], $0x0  }
0x19: {  	s7 =	sld [smem:$0x3F98]  }
0x1a: {  	s8 =	sadd.s32 $0xFFFFE003, lr  }
0x1b: {  	s9 =	sadd.s32 $0xFFFFFEF7, lr;
	s5 =	simm.s32 $0xFFFFFFFF;
	p2 =	slt.u32 s8, $0xFFFFF086  }
0x1c: {  	p1 =	slt.u32 s9, $0xF7A;
	s5 =	simm.s32 @!p2 $0x0  }
0x1d: {  	s5 =	simm.s32 @p1 $0x1;
	p0 =	seq.s32 s7, s2  }
0x1e: {  	s7 =	smul.u32 @!p0 $0xF7A, s2;
	p2 =	seq.s32 @!p0 s5, $0x0  }
0x1f: {  	s9 =	smul.u32 $0xF7A, s1;
	s8 =	simm.s32 @!p0 $0x1BF5;
	p2 =	por !p2, p0  }
0x20: {  	[sflag:s8] =	ssyncset.s32 @!p0 $0xFFFFF086;
	s6 =	sadd.s32 @!p0 s3, s7;
	s7 =	simm.s32 @!p0 $0x108  }
0x21: {  	s3 =	sadd.s32 s3, s9;
	s6 =	sadd.s32 @!p0 $0x88, s6;
	s7 =	simm.s32 @p2 $0x1082  }
0x22: {  	[simem:s7], [sflag:s8] =	dma.local @!p0 [hbm:s6], $0xF7A  }
0x23: {  	s9 =	sor.u32 $0xD0000000, s2;
	s6 =	simm.s32 $0x108;
	_ =	swait.ge @!p0 [sflag:s8], $0x0  }
0x24: {  	s3 =	sadd.s32 $0x88, s3;
	s6 =	simm.s32 @!p1 $0x1082;
	[sflag:s4] =	ssyncset.s32 $0xFFFFF086  }
0x25: {  	[simem:s6], [sflag:s4] =	dma.local [hbm:s3], $0xF7A  }
0x26: {  	[smem:$0x3F98] =	sst s1;
	(tag) =	ssettag s2;
	_ =	strace s9  }
0x27: {  	s1 =	sld [smem:$0x3FA8]  }
0x28: {  	s2 =	sld [smem:$0x3FA9]  }
0x29: {  	s4 =	sld [smem:$0x3FAB]  }
0x2a: {  	p0 =	seq.s32 s5, $0x0;
	s5 =	sld [smem:$0x3FAC]  }
0x2b: {  	s6 =	sld [smem:$0x3FAD]  }
0x2c: {  	s7 =	sld [smem:$0x3FAE]  }
0x2d: {  	s3 =	simm.s32 $0x108;
	s8 =	sld [smem:$0x3FAF]  }
0x2e: {  	s3 =	simm.s32 @!p0 $0x1082;
	s9 =	sld [smem:$0x3FB0]  }
0x2f: {  	lr =	sadd.s32 s0, s3;
	s0 =	sld [smem:$0x3FA7]  }
0x30: {  	s3 =	sld [smem:$0x3FAA]  }
0x31: {  	[smem:$0x3FB3] =	sst s10  }
0x32: {  	s10 =	sld [smem:$0x3FB1];
	_ =	sdelay $0x3  }
0x33: {  	p0 =	seq.s32 s10, $0x1;
	s10 =	sld [smem:$0x3FB3];
	_ =	sdelay $0x3  }
0x34: {  	[smem:$0x3FB3] =	sst s10  }
0x35: {  	s10 =	sld [smem:$0x3FB2];
	_ =	sdelay $0x3  }
0x36: {  	p1 =	seq.s32 s10, $0x1;
	s10 =	sld [smem:$0x3FB3];
	_ =	sdelay $0x3  }
0x37: {  	[smem:$0x3FB3] =	sst s10  }
0x38: {  	s10 =	sld [smem:$0x3FB4]  }
0x39: {  	_ = 	snop;
	(pc) =	sbr.ind lr, $3  }
0x3a: {  	_ = 	snop  }
0x3b: {  	_ = 	snop  }
0x3c: {  	p2 =	seq.s32 s10, $0x1;
	s10 =	sld [smem:$0x3FB3]  }
0x3d: {  	_ =	shalt  }
0x3e: {  	_ =	shalt  }
0x3f: {  	_ =	shalt  }
0x40: {  	_ =	shalt  }
0x41: {  	_ =	shalt  }
0x42: {  	_ =	shalt  }
0x43: {  	_ =	shalt  }
0x44: {  	_ =	shalt  }
0x45: {  	_ =	shalt  }
0x46: {  	_ =	shalt  }
0x47: {  	_ =	shalt  }
0x48: {  	_ =	shalt  }
0x49: {  	_ =	shalt  }
0x4a: {  	_ =	shalt  }
0x4b: {  	_ =	shalt  }
0x4c: {  	_ =	shalt  }
0x4d: {  	_ =	shalt  }
0x4e: {  	_ =	shalt  }
0x4f: {  	_ =	shalt  }
0x50: {  	_ =	shalt  }
0x51: {  	_ =	shalt  }
0x52: {  	_ =	shalt  }
0x53: {  	_ =	shalt  }
0x54: {  	_ =	shalt  }
0x55: {  	_ =	shalt  }
0x56: {  	_ =	shalt  }
0x57: {  	_ =	shalt  }
0x58: {  	_ =	shalt  }
0x59: {  	_ =	shalt  }
0x5a: {  	_ =	shalt  }
0x5b: {  	_ =	shalt  }
0x5c: {  	_ =	shalt  }
0x5d: {  	_ =	shalt  }
0x5e: {  	_ =	shalt  }
0x5f: {  	_ =	shalt  }
0x60: {  	_ =	shalt  }
0x61: {  	_ =	shalt  }
0x62: {  	_ =	shalt  }
0x63: {  	_ =	shalt  }
0x64: {  	_ =	shalt  }
0x65: {  	_ =	shalt  }
0x66: {  	_ =	shalt  }
0x67: {  	_ =	shalt  }
0x68: {  	_ =	shalt  }
0x69: {  	_ =	shalt  }
0x6a: {  	_ =	shalt  }
0x6b: {  	_ =	shalt  }
0x6c: {  	_ =	shalt  }
0x6d: {  	_ =	shalt  }
0x6e: {  	_ =	shalt  }
0x6f: {  	_ =	shalt  }
0x70: {  	_ =	shalt  }
0x71: {  	_ =	shalt  }
0x72: {  	_ =	shalt  }
0x73: {  	_ =	shalt  }
0x74: {  	_ =	shalt  }
0x75: {  	_ =	shalt  }
0x76: {  	_ =	shalt  }
0x77: {  	_ =	shalt  }
0x78: {  	_ =	shalt  }
0x79: {  	_ =	shalt  }
0x7a: {  	_ =	shalt  }
0x7b: {  	_ =	shalt  }
0x7c: {  	_ =	shalt  }
0x7d: {  	_ =	shalt  }
0x7e: {  	_ =	shalt  }
0x7f: {  	_ =	shalt  }
0x80: {  	_ =	shalt  }
0x81: {  	_ =	shalt  }
0x82: {  	_ =	shalt  }
0x83: {  	_ =	shalt  }
0x84: {  	_ =	shalt  }
0x85: {  	_ =	shalt  }
0x86: {  	_ =	shalt  }
0x87: {  	_ =	shalt  }
.Lfunc_end0:
.L_simem_size_0:
called_computation.3_lowered:
.L_overlay_start_0:
0x88: {  	s2 =	sld [smem:$0x3FD9]  }
0x89: {  	s3 =	sld [smem:$0x3FFE];
	_ =	sdelay $0x1  }
0x8a: {  	s1 =	srdreg.scid  }
0x8b: {  	s0 =	sand.u32 $0x1, s1  }
0x8c: {  	s16 =	sshll.u32 s0, $0xA;
	s2 =	sadd.s32 s3, s2  }
0x8d: {  	s2 =	sadd.s32 s2, s16  }
0x8e: {  	[smem:$0x3FBF] =	sst s2  }
0x8f: {  	_ = 	snop  }
0x90: {  	(tm) =	ssettm $0x1  }
0x91: {  	s17 =	sld [smem:$0x3FFB];
	_ =	sdelay $0x3  }
0x92: {  	_ =	strace s17  }
0x93: {  	s2 =	sld [smem:$0x3FFC];
	_ =	sdelay $0x3  }
0x94: {  	_ =	strace s2  }
0x95: {  	s2 =	sld [smem:$0x3FFD];
	_ =	sdelay $0x3  }
0x96: {  	_ =	strace s2  }
0x97: {  	_ =	strace $0x8FFFFFFF  }
0x98: {  	s18 =	sld [smem:$0x3FDB];
	_ =	sdelay $0x1  }
0x99: {  	s19 =	simm.s32 $_scs_section_size  }
0x9a: {  	s4 =	simm.s32 $_size__tile_overlayer_lowered;
	s5 =	simm.s32 $_tile_overlayer_lowered  }
0x9b: {  	s22 =	simm.s32 $0x1BFF;
	s21 =	sshll.u32 s5, $0x1;
	s2 =	sadd.s32 s19, s18  }
0x9c: {  	s6 =	simm.s32 $0x0;
	s20 =	sshll.u32 s4, $0x1;
	s4 =	sadd.s32 s21, s2  }
0x9d: {  	[timem:s6], [sflag:s22] =	dma.local [hbm:s4], s20  }
0x9e: {  	_ =	swait.ge [sflag:s22], s20  }
0x9f: {  	s3 =	ssub.s32 $0x0, s20;
	[sflag:s22] =	ssyncset.done $0x0  }
0xa0: {  	[sflag:s22] =	ssyncadd.s32 s3;
	_ =	sdelay $0x1  }
0xa1: {  	s23 =	simm.s32 $0x1B8B  }
0xa2: {  	_ =	swait.ge [sflag:s23], $0x1  }
0xa3: {  	[sflag:s23] =	ssyncset.done $0x0  }
0xa4: {  	s25 =	simm.s32 $0x1B8E;
	s24 =	sld [smem:$0x3FFE];
	[sflag:s23] =	ssyncadd.s32 $0xFFFFFFFF  }
0xa5: {  	s26 =	simm.s32 $execute0_lowered;
	[smem:$0x3FD2] =	sst s25  }
0xa6: {  	s4 =	sshll.u32 s26, $0x1;
	_ =	strace $0x8000004F;
	[dreg:$0x1] =	wrdreg $0xFFFFFFFF  }
0xa7: {  	s28 =	simm.s32 $_size_execute0_lowered;
	s2 =	sadd.s32 s2, s4;
	[dreg:$0x0] =	wrdreg $0x0  }
0xa8: {  	s4 =	sshll.u32 s28, $0x1;
	[dreg:$0x2] =	wrdreg s2  }
0xa9: {  	[dreg:$0x3] =	wrdreg s4  }
0xaa: {  	[dreg:$0x4] =	wrdreg $0xC0  }
0xab: {  	_ =	task [dreg:s6], $0x5FFFF  }
0xac: {  	[dreg:$0x1] =	wrdreg $0xFFFFFFFF  }
0xad: {  	[dreg:$0x0] =	wrdreg $0x60  }
0xae: {  	[dreg:$0x2] =	wrdreg s24  }
0xaf: {  	[dreg:$0x3] =	wrdreg $0xA8000  }
0xb0: {  	[dreg:$0x4] =	wrdreg $0x9  }
0xb1: {  	_ =	task.clear_ibuf [dreg:s6], $0x5FFFF;
	_ =	strace $0x9000004F  }
0xb2: {  	s29 =	simm.s32 $0x9;
	_ =	strace $0x80000051  }
0xb3: {  	_ =	swait.ge [sflag:s29], $0x1  }
0xb4: {  	[sflag:s29] =	ssyncadd.s32 $0xFFFFFFFF  }
0xb5: {  	_ =	strace $0x90000051  }
0xb6: {  	_ =	sfence  }
0xb7: {  	s30 =	sld [smem:$0x0];
	_ =	sdelay $0x2  }
0xb8: {  	s31 =	sshll.u32 s1, $0xD;
	s1 =	sshrl.u32 s1, $0x2  }
0xb9: {  	s3 =	sand.u32 $0x4000, s31;
	s1 =	sadd.s32 s1, s30  }
0xba: {  	s0 =	sor.u32 s3, s0;
	s1 =	sshll.u32 s1, $0x11  }
0xbb: {  	s0 =	sor.u32 s1, s0  }
0xbc: {  	s0 =	sadd.s32 $0x8F2B, s0  }
0xbd: {  	[sflag:s0] =	ssyncadd.remote.s32 $0x1  }
0xbe: {  	_ =	sfence.sel $0xFFFF  }
0xbf: {  	[dreg:$0x0] =	wrdreg $0xFFFFFFFF;
	(pc) =	sbr.abs _section_cstart, $3  }
0xc0: {  	[dreg:$0x1] =	wrdreg $0xFFFFFFFF  }
0xc1: {  	_ =	task.clear_ibuf [dreg:s6], $0x2FFFF;
	_ =	strace $0x9FFFFFFF  }
0xc2: {  	(tm) =	ssettm $0x7FFFFFFF  }
0xc3: {  	_ =	shalt  }
tec
execute0_lowered:
.L_overlay_start_1:
0x0: {  	(tag) =	ssettag $0x1  }
0x1: {  	s5 =	rddreg [dreg:$0x0]  }
0x2: {  	s2 =	rddreg [dreg:$0x1]  }
0x3: {  	s0 =	rddreg [dreg:$0x2]  }
0x4: {  	s4 =	srdreg.scid;
	s1 =	stileid.u32  }
0x5: {  	s3 =	simm.s32 $0x0;
	s15 =	simm.s32 $0x6800;
	s16 =	simm.s32 $0x1  }
0x6: {  	s17 =	simm.s32 $0x2;
	s18 =	simm.s32 $0x2700;
	s19 =	simm.s32 $0x2680  }
0x7: {  	s20 =	simm.s32 $0x2780;
	s21 =	simm.s32 $0x0;
	s6 =	sand.u32 $0x1, s4  }
0x8: {  	s7 =	smul.u32 $0x14000, s1;
	[smem:$0x7FF] =	sst s3;
	s4 =	sadd.s32 $0x17A00, s5  }
0x9: {  	s9 =	sadd.s32 $0x3A00, s5;
	s11 =	smul.u32 $0x50000, s1;
	s29 =	sshll.u32 s1, $0x6  }
0xa: {  	s8 =	smul.u32 $0x140000, s6;
	_ =	strace $0x80000050;
	s10 =	sshll.u32 s6, $0x4  }
0xb: {  	s22 =	ssub.s32 $0x2, s6;
	s6 =	sor.u32 $0x1C03, s29;
	s23 =	sor.u32 s1, s10  }
0xc: {  	s24 =	sshrl.u32 s22, $0x1;
	s25 =	sshrl.u32 s11, $0x2;
	s28 =	sshrl.u32 s7, $0x3  }
0xd: {  	s8 =	sadd.s32 s7, s8;
	s26 =	smul.u32 $0x5000, s23;
	s13 =	ssub.s32 s22, s24  }
0xe: {  	s14 =	sadd.s32 s25, s2;
	s30 =	smul.u32 $0xA00, s23;
	s8 =	sshrl.u32 s8, $0x3  }
0xf: {  	s11 =	sshrl.u32 s14, $0x3;
	s14 =	simm.s32 $0x2800;
	s12 =	sadd.s32 s8, s5  }
0x10: {  	s31 =	sshrl.u32 s26, $0x3;
	s5 =	sadd.s32 s4, s28;
	s7 =	sadd.s32 s9, s30  }
0x11: {  	s10 =	sadd.s32 s9, s31;
	s9 =	sadd.s32 $0x3FA00, s12;
	s12 =	simm.s32 $0x3  }
0x12: {  	s8 =	sadd.s32 $0x500, s10;
	s10 =	smax.u32 s13, $0x1;
	s13 =	simm.s32 $0x80  }
.LBB2_1:
0x13: {  	[spmem:s11], [sflag:s6] =	dma.local [hbm:s5], $0x2800  }
0x14: {  	_ =	swait.ge [sflag:s12], $0x2800  }
0x15: {  	[sflag:s12] =	ssyncset.done $0x0  }
0x16: {  	[sflag:s12] =	ssyncadd.s32 $0xFFFFD800  }
0x17: {  	[bflag:$0x0] =	sbarrier.arrive $0xFFFF  }
0x18: {  	[tilespmem:s3], [sflag:$0x3] =	stream.linear.gather [hbm4b:s7+s3], $0x2800, $0x38;
	[tilespmem:$0x1E800] =	vst v63  }
0x19: {  	_ =	swait.ge [sflag:s12], $0x2800  }
0x1a: {  	[sflag:s12] =	ssyncset.done $0x0  }
0x1b: {  	[sflag:s12] =	ssyncadd.s32 $0xFFFFD800  }
0x1c: {  	[tilespmem:s14], [sflag:$0x1] =	stream.indirect.gather [hbm4b:s4+s13], $0x80, s3, s13, $0xb8;
	[tilespmem:$0x1E800] =	vst v63  }
0x1d: {  	s22 =	simm.s32 $0x100  }
0x1e: {  	[tilespmem:s15], [sflag:$0x2] =	stream.indirect.gather [hbm4b:s4+s13], $0x80, s22, s13, $0xb8;
	[tilespmem:$0x1E800] =	vst v63  }
0x1f: {  	_ =	swait.ge [sflag:s16], $0x4000  }
0x20: {  	[sflag:s16] =	ssyncset.done $0x0  }
0x21: {  	s29 =	simm.s32 $0x80;
	[sflag:s16] =	ssyncadd.s32 $0xFFFFC000  }
0x22: {  	[spmem:s2] =	stream.indirect.scatter.add.f32 [tilespmem:s14], [sflag:$0x3], $0x80, s29, s13, $0xb8;
	[tilespmem:$0x1E800] =	vst v63  }
0x23: {  	_ =	swait.ge [sflag:s12], $0x4000  }
0x24: {  	[sflag:s12] =	ssyncset.done $0x0  }
0x25: {  	s30 =	simm.s32 $0x200;
	[sflag:s12] =	ssyncadd.s32 $0xFFFFC000  }
0x26: {  	[tilespmem:s14], [sflag:$0x1] =	stream.indirect.gather [hbm4b:s4+s13], $0x80, s30, s13, $0xb8;
	[tilespmem:$0x1E800] =	vst v63  }
0x27: {  	_ =	swait.ge [sflag:s17], $0x4000  }
0x28: {  	[sflag:s17] =	ssyncset.done $0x0  }
0x29: {  	s31 =	simm.s32 $0x180;
	[sflag:s17] =	ssyncadd.s32 $0xFFFFC000  }
0x2a: {  	[spmem:s2] =	stream.indirect.scatter.add.f32 [tilespmem:s15], [sflag:$0x3], $0x80, s31, s13, $0xb8;
	[tilespmem:$0x1E800] =	vst v63  }
0x2b: {  	_ =	swait.ge [sflag:s12], $0x4000  }
0x2c: {  	s23 =	simm.s32 $0xFFFF7800;
	s22 =	simm.s32 $0xFFFFDC00;
	[sflag:s12] =	ssyncset.done $0x0  }
.LBB2_2:
0x2d: {  	s24 =	sadd.s32 $0x2700, s22  }
0x2e: {  	[sflag:s12] =	ssyncadd.s32 $0xFFFFC000;
	s25 =	smov.u32 s23;
	s26 =	sadd.s32 $0x800, s23  }
0x2f: {  	[tilespmem:s15], [sflag:$0x2] =	stream.indirect.gather [hbm4b:s4+s13], $0x80, s24, s13, $0xb8;
	[tilespmem:$0x1E800] =	vst v63  }
0x30: {  	p0 =	sne.s32 s23, $0xFFFFF800;
	_ =	swait.ge [sflag:s16], $0x4000  }
0x31: {  	[sflag:s16] =	ssyncset.done $0x0  }
0x32: {  	s23 =	sadd.s32 $0x2680, s22;
	[sflag:s16] =	ssyncadd.s32 $0xFFFFC000  }
0x33: {  	[spmem:s2] =	stream.indirect.scatter.add.f32 [tilespmem:s14], [sflag:$0x3], $0x80, s23, s13, $0xb8;
	[tilespmem:$0x1E800] =	vst v63  }
0x34: {  	_ =	swait.ge [sflag:s12], $0x4000  }
0x35: {  	[sflag:s12] =	ssyncset.done $0x0  }
0x36: {  	s23 =	sadd.s32 $0x2800, s22;
	[sflag:s12] =	ssyncadd.s32 $0xFFFFC000  }
0x37: {  	[tilespmem:s14], [sflag:$0x1] =	stream.indirect.gather [hbm4b:s4+s13], $0x80, s23, s13, $0xb8;
	[tilespmem:$0x1E800] =	vst v63  }
0x38: {  	_ =	swait.ge [sflag:s17], $0x4000  }
.Ltmp0:
0x39: {  	[sflag:s17] =	ssyncset.done $0x0;
	(pc) =	sbr.rel @p0 .LBB2_2-.Ltmp0, $4  }
0x3a: {  	s22 =	sadd.s32 $0x2780, s22;
	[sflag:s17] =	ssyncadd.s32 $0xFFFFC000  }
0x3b: {  	[spmem:s2] =	stream.indirect.scatter.add.f32 [tilespmem:s15], [sflag:$0x3], $0x80, s22, s13, $0xb8;
	[tilespmem:$0x1E800] =	vst v63  }
0x3c: {  	_ =	swait.ge [sflag:s12], $0x4000  }
0x3d: {  	s23 =	smov.u32 s26;
	s22 =	sshra.s32 s25, $0x2;
	[sflag:s12] =	ssyncset.done $0x0  }
0x3e: {  	s23 =	sadd.s32 $0x2700, s22;
	[sflag:s12] =	ssyncadd.s32 $0xFFFFC000  }
0x3f: {  	[tilespmem:s15], [sflag:$0x2] =	stream.indirect.gather [hbm4b:s4+s13], $0x80, s23, s13, $0xb8;
	[tilespmem:$0x1E800] =	vst v63  }
0x40: {  	_ =	swait.ge [sflag:s16], $0x4000  }
0x41: {  	[sflag:s16] =	ssyncset.done $0x0  }
0x42: {  	s24 =	sadd.s32 $0x2680, s22;
	[sflag:s16] =	ssyncadd.s32 $0xFFFFC000  }
0x43: {  	[spmem:s2] =	stream.indirect.scatter.add.f32 [tilespmem:s14], [sflag:$0x3], $0x80, s24, s13, $0xb8;
	[tilespmem:$0x1E800] =	vst v63  }
0x44: {  	_ =	swait.ge [sflag:s12], $0x4000  }
0x45: {  	[sflag:s12] =	ssyncset.done $0x0  }
0x46: {  	s25 =	sadd.s32 $0x2800, s22;
	[sflag:s12] =	ssyncadd.s32 $0xFFFFC000  }
0x47: {  	[tilespmem:s14], [sflag:$0x1] =	stream.indirect.gather [hbm4b:s4+s13], $0x80, s25, s13, $0xb8;
	[tilespmem:$0x1E800] =	vst v63  }
0x48: {  	_ =	swait.ge [sflag:s17], $0x4000  }
0x49: {  	[sflag:s17] =	ssyncset.done $0x0  }
0x4a: {  	s26 =	sadd.s32 $0x2780, s22;
	[sflag:s17] =	ssyncadd.s32 $0xFFFFC000  }
0x4b: {  	[spmem:s2] =	stream.indirect.scatter.add.f32 [tilespmem:s15], [sflag:$0x3], $0x80, s26, s13, $0xb8;
	[tilespmem:$0x1E800] =	vst v63  }
0x4c: {  	_ =	swait.ge [sflag:s12], $0x4000  }
0x4d: {  	[sflag:s12] =	ssyncset.done $0x0  }
0x4e: {  	[sflag:s12] =	ssyncadd.s32 $0xFFFFC000  }
0x4f: {  	[tilespmem:s15], [sflag:$0x2] =	stream.indirect.gather [hbm4b:s4+s13], $0x80, s18, s13, $0xb8;
	[tilespmem:$0x1E800] =	vst v63  }
0x50: {  	_ =	swait.ge [sflag:s16], $0x4000  }
0x51: {  	[sflag:s16] =	ssyncset.done $0x0  }
0x52: {  	[sflag:s16] =	ssyncadd.s32 $0xFFFFC000  }
0x53: {  	[spmem:s2] =	stream.indirect.scatter.add.f32 [tilespmem:s14], [sflag:$0x3], $0x80, s19, s13, $0xb8;
	[tilespmem:$0x1E800] =	vst v63  }
0x54: {  	_ =	swait.ge [sflag:s12], $0x4000  }
0x55: {  	[sflag:s12] =	ssyncset.done $0x0  }
0x56: {  	[sflag:s12] =	ssyncadd.s32 $0xFFFFC000  }
0x57: {  	_ =	swait.ge [sflag:s17], $0x4000  }
0x58: {  	[sflag:s17] =	ssyncset.done $0x0  }
0x59: {  	[sflag:s17] =	ssyncadd.s32 $0xFFFFC000  }
0x5a: {  	[spmem:s2] =	stream.indirect.scatter.add.f32 [tilespmem:s15], [sflag:$0x3], $0x80, s20, s13, $0xb8;
	[tilespmem:$0x1E800] =	vst v63  }
0x5b: {  	_ =	swait.ge [sflag:s12], $0x4000  }
0x5c: {  	[sflag:s12] =	ssyncset.done $0x0  }
0x5d: {  	[sflag:s12] =	ssyncadd.s32 $0xFFFFC000  }
0x5e: {  	[tilespmem:s3], [sflag:$0x3] =	stream.linear.gather [hbm4b:s8+s3], $0x2800, $0x38;
	[tilespmem:$0x1E800] =	vst v63  }
0x5f: {  	_ =	swait.ge [sflag:s12], $0x2800  }
0x60: {  	[sflag:s12] =	ssyncset.done $0x0  }
0x61: {  	[sflag:s12] =	ssyncadd.s32 $0xFFFFD800  }
0x62: {  	[tilespmem:s14], [sflag:$0x1] =	stream.indirect.gather [hbm4b:s4+s13], $0x80, s3, s13, $0xb8;
	[tilespmem:$0x1E800] =	vst v63  }
0x63: {  	s28 =	simm.s32 $0x100  }
0x64: {  	[tilespmem:s15], [sflag:$0x2] =	stream.indirect.gather [hbm4b:s4+s13], $0x80, s28, s13, $0xb8;
	[tilespmem:$0x1E800] =	vst v63  }
0x65: {  	_ =	swait.ge [sflag:s16], $0x4000  }
0x66: {  	[sflag:s16] =	ssyncset.done $0x0  }
0x67: {  	s29 =	simm.s32 $0x80;
	[sflag:s16] =	ssyncadd.s32 $0xFFFFC000  }
0x68: {  	[spmem:s2] =	stream.indirect.scatter.add.f32 [tilespmem:s14], [sflag:$0x3], $0x80, s29, s13, $0xb8;
	[tilespmem:$0x1E800] =	vst v63  }
0x69: {  	_ =	swait.ge [sflag:s12], $0x4000  }
0x6a: {  	[sflag:s12] =	ssyncset.done $0x0  }
0x6b: {  	s30 =	simm.s32 $0x200;
	[sflag:s12] =	ssyncadd.s32 $0xFFFFC000  }
0x6c: {  	[tilespmem:s14], [sflag:$0x1] =	stream.indirect.gather [hbm4b:s4+s13], $0x80, s30, s13, $0xb8;
	[tilespmem:$0x1E800] =	vst v63  }
0x6d: {  	_ =	swait.ge [sflag:s17], $0x4000  }
0x6e: {  	[sflag:s17] =	ssyncset.done $0x0  }
0x6f: {  	s31 =	simm.s32 $0x180;
	[sflag:s17] =	ssyncadd.s32 $0xFFFFC000  }
0x70: {  	[spmem:s2] =	stream.indirect.scatter.add.f32 [tilespmem:s15], [sflag:$0x3], $0x80, s31, s13, $0xb8;
	[tilespmem:$0x1E800] =	vst v63  }
0x71: {  	_ =	swait.ge [sflag:s12], $0x4000  }
0x72: {  	s22 =	simm.s32 $0xFFFFDC00;
	s23 =	simm.s32 $0xFFFF7800;
	[sflag:s12] =	ssyncset.done $0x0  }
.LBB2_4:
0x73: {  	s24 =	sadd.s32 $0x2700, s22  }
0x74: {  	[sflag:s12] =	ssyncadd.s32 $0xFFFFC000;
	s25 =	smov.u32 s23;
	s26 =	sadd.s32 $0x800, s23  }
0x75: {  	[tilespmem:s15], [sflag:$0x2] =	stream.indirect.gather [hbm4b:s4+s13], $0x80, s24, s13, $0xb8;
	[tilespmem:$0x1E800] =	vst v63  }
0x76: {  	p0 =	sne.s32 s23, $0xFFFFF800;
	_ =	swait.ge [sflag:s16], $0x4000  }
0x77: {  	[sflag:s16] =	ssyncset.done $0x0  }
0x78: {  	s23 =	sadd.s32 $0x2680, s22;
	[sflag:s16] =	ssyncadd.s32 $0xFFFFC000  }
0x79: {  	[spmem:s2] =	stream.indirect.scatter.add.f32 [tilespmem:s14], [sflag:$0x3], $0x80, s23, s13, $0xb8;
	[tilespmem:$0x1E800] =	vst v63  }
0x7a: {  	_ =	swait.ge [sflag:s12], $0x4000  }
0x7b: {  	[sflag:s12] =	ssyncset.done $0x0  }
0x7c: {  	s23 =	sadd.s32 $0x2800, s22;
	[sflag:s12] =	ssyncadd.s32 $0xFFFFC000  }
0x7d: {  	[tilespmem:s14], [sflag:$0x1] =	stream.indirect.gather [hbm4b:s4+s13], $0x80, s23, s13, $0xb8;
	[tilespmem:$0x1E800] =	vst v63  }
0x7e: {  	_ =	swait.ge [sflag:s17], $0x4000  }
.Ltmp1:
0x7f: {  	[sflag:s17] =	ssyncset.done $0x0;
	(pc) =	sbr.rel @p0 .LBB2_4-.Ltmp1, $4  }
0x80: {  	s22 =	sadd.s32 $0x2780, s22;
	[sflag:s17] =	ssyncadd.s32 $0xFFFFC000  }
0x81: {  	[spmem:s2] =	stream.indirect.scatter.add.f32 [tilespmem:s15], [sflag:$0x3], $0x80, s22, s13, $0xb8;
	[tilespmem:$0x1E800] =	vst v63  }
0x82: {  	_ =	swait.ge [sflag:s12], $0x4000  }
0x83: {  	s23 =	smov.u32 s26;
	s22 =	sshra.s32 s25, $0x2;
	[sflag:s12] =	ssyncset.done $0x0  }
0x84: {  	s23 =	sadd.s32 $0x2700, s22;
	[sflag:s12] =	ssyncadd.s32 $0xFFFFC000  }
0x85: {  	[tilespmem:s15], [sflag:$0x2] =	stream.indirect.gather [hbm4b:s4+s13], $0x80, s23, s13, $0xb8;
	[tilespmem:$0x1E800] =	vst v63  }
0x86: {  	_ =	swait.ge [sflag:s16], $0x4000  }
0x87: {  	[sflag:s16] =	ssyncset.done $0x0  }
0x88: {  	s29 =	sadd.s32 $0x2680, s22;
	[sflag:s16] =	ssyncadd.s32 $0xFFFFC000  }
0x89: {  	[spmem:s2] =	stream.indirect.scatter.add.f32 [tilespmem:s14], [sflag:$0x3], $0x80, s29, s13, $0xb8;
	[tilespmem:$0x1E800] =	vst v63  }
0x8a: {  	_ =	swait.ge [sflag:s12], $0x4000  }
0x8b: {  	[sflag:s12] =	ssyncset.done $0x0  }
0x8c: {  	s30 =	sadd.s32 $0x2800, s22;
	[sflag:s12] =	ssyncadd.s32 $0xFFFFC000  }
0x8d: {  	[tilespmem:s14], [sflag:$0x1] =	stream.indirect.gather [hbm4b:s4+s13], $0x80, s30, s13, $0xb8;
	[tilespmem:$0x1E800] =	vst v63  }
0x8e: {  	_ =	swait.ge [sflag:s17], $0x4000  }
0x8f: {  	[sflag:s17] =	ssyncset.done $0x0  }
0x90: {  	s31 =	sadd.s32 $0x2780, s22;
	[sflag:s17] =	ssyncadd.s32 $0xFFFFC000  }
0x91: {  	[spmem:s2] =	stream.indirect.scatter.add.f32 [tilespmem:s15], [sflag:$0x3], $0x80, s31, s13, $0xb8;
	[tilespmem:$0x1E800] =	vst v63  }
0x92: {  	_ =	swait.ge [sflag:s12], $0x4000  }
0x93: {  	[sflag:s12] =	ssyncset.done $0x0  }
0x94: {  	[sflag:s12] =	ssyncadd.s32 $0xFFFFC000  }
0x95: {  	[tilespmem:s15], [sflag:$0x2] =	stream.indirect.gather [hbm4b:s4+s13], $0x80, s18, s13, $0xb8;
	[tilespmem:$0x1E800] =	vst v63  }
0x96: {  	_ =	swait.ge [sflag:s16], $0x4000  }
0x97: {  	[sflag:s16] =	ssyncset.done $0x0  }
0x98: {  	[sflag:s16] =	ssyncadd.s32 $0xFFFFC000  }
0x99: {  	[spmem:s2] =	stream.indirect.scatter.add.f32 [tilespmem:s14], [sflag:$0x3], $0x80, s19, s13, $0xb8;
	[tilespmem:$0x1E800] =	vst v63  }
0x9a: {  	_ =	swait.ge [sflag:s12], $0x4000  }
0x9b: {  	[sflag:s12] =	ssyncset.done $0x0  }
0x9c: {  	[sflag:s12] =	ssyncadd.s32 $0xFFFFC000  }
0x9d: {  	_ =	swait.ge [sflag:s17], $0x4000  }
0x9e: {  	[sflag:s17] =	ssyncset.done $0x0  }
0x9f: {  	[sflag:s17] =	ssyncadd.s32 $0xFFFFC000  }
0xa0: {  	[spmem:s2] =	stream.indirect.scatter.add.f32 [tilespmem:s15], [sflag:$0x3], $0x80, s20, s13, $0xb8;
	[tilespmem:$0x1E800] =	vst v63  }
0xa1: {  	_ =	swait.ge [sflag:s12], $0x4000  }
0xa2: {  	s21 =	sadd.s32 $0x1, s21;
	[sflag:s12] =	ssyncset.done $0x0  }
0xa3: {  	p0 =	sne.s32 s21, s10;
	[sflag:s12] =	ssyncadd.s32 $0xFFFFC000  }
.Ltmp2:
0xa4: {  	[bflag:$0x0] =	sbarrier.arrive $0xFFFF;
	(pc) =	sbr.rel @p0 .LBB2_1-.Ltmp2, $4  }
0xa5: {  	[hbm:s9], [sflag:s6] =	dma.local [spmem:s11], $0x2800  }
0xa6: {  	_ =	swait.ge [sflag:s12], $0x2800  }
0xa7: {  	[sflag:s12] =	ssyncset.done $0x0  }
0xa8: {  	[sflag:s12] =	ssyncadd.s32 $0xFFFFD800  }
0xa9: {  	_ =	sfence.sel $0x180000  }
0xaa: {  	[bflag:$0x0] =	sbarrier.arrive $0xFFFF  }
0xab: {  	p0 =	sne.s32 s1, $0x0;
	_ =	strace $0x90000050  }
0xac: {  	s0 =	sadd.s32 @!p0 $0x100000, s0;
	[bflag:$0x2] =	sbarrier.arrive $0xFFFF  }
0xad: {  	[sflag:s0] =	ssyncadd.tile.s32 @!p0 $0x1;
	_ =	shalt  }
.Lfunc_end2:
_tile_overlayer_lowered:
.L_overlay_start_2:
0xae: {  	(tag) =	ssettag $0x2  }
0xaf: {  	s0 =	rddreg [dreg:$0x0];
	s2 =	stileid.u32  }
0xb0: {  	s1 =	rddreg [dreg:$0x1];
	p0 =	sne.s32 s2, $0x0  }
0xb1: {  	s3 =	rddreg [dreg:$0x2];
	[bflag:$0x3] =	sbarrier.arrive $0xFFFF;
	s2 =	simm.s32 @!p0 $0x1C03  }
0xb2: {  	[timem:s3], [sflag:s2] =	dma.local @!p0 [hbm:s0], s1  }
0xb3: {  	s0 =	simm.s32 @!p0 $0x3  }
0xb4: {  	_ =	swait.ge @!p0 [sflag:s0], s1  }
0xb5: {  	s1 =	ssub.s32 @!p0 $0x0, s1;
	[sflag:s0] =	ssyncset.done @!p0 $0x0  }
0xb6: {  	[sflag:s0] =	ssyncadd.s32 @!p0 s1  }
0xb7: {  	[bflag:$0x3] =	sbarrier.arrive $0xFFFF  }
0xb8: {  	_ =	shalt  }

</sc_bundles>
